<compile_context>
chip_gen: v7x
topology: tpu7x:2x2x1
jax: 0.10.2.dev20260603
libtpu: 0.0.44.dev20260713+nightly
codegen_flags: <defaults>
</compile_context>

<pallas_src>
import functools

import jax
import jax.numpy as jnp
from jax import lax
from jax.experimental import pallas as pl
from jax.experimental.pallas import tpu as pltpu
from jax.experimental.pallas import tpu_sc as plsc

TIME = 4096
FREQ = 513
CHUNK = 20
N_WIN = TIME - CHUNK

_mesh = plsc.VectorSubcoreMesh(core_axis_name="c", subcore_axis_name="s")


@functools.partial(
    pl.kernel,
    mesh=_mesh,
    out_type=(
        jax.ShapeDtypeStruct((CHUNK, FREQ, N_WIN), jnp.float32),
        jax.ShapeDtypeStruct((FREQ, N_WIN), jnp.float32),
    ),
    scratch_types=[
        pltpu.VMEM((9, TIME), jnp.float32),
        pltpu.VMEM((9, N_WIN), jnp.float32),
    ],
    compiler_params=pltpu.CompilerParams(needs_layout_passes=False),
)
def _sc_all(mt_ref, vt_ref, x_ref, y_ref, in_s, out_s):
    w = lax.axis_index("s") * 2 + lax.axis_index("c")
    lanes = lax.iota(jnp.int32, 16)

    def assemble(nrows, shift):
        for s in range(nrows):
            rows = jnp.full((16,), s, jnp.int32)

            @plsc.parallel_loop(0, N_WIN - 12, 16)
            def _(l0):
                cols = l0 + shift + lanes
                out_s[s, pl.ds(l0, 16)] = plsc.load_gather(in_s, [rows, cols])

            tail = N_WIN - 16
            out_s[s, pl.ds(tail, 16)] = plsc.load_gather(
                in_s, [rows, tail + shift + lanes])

    def do_task(t, nrows):
        r0 = pl.multiple_of(8 * t, 8) if nrows == 8 else 504
        in_dst = in_s if nrows == 9 else in_s.at[pl.ds(0, 8), :]
        out_src = out_s if nrows == 9 else out_s.at[pl.ds(0, 8), :]

        pltpu.sync_copy(mt_ref.at[pl.ds(r0, nrows), :], in_dst)

        def cbody(c, carry):
            assemble(nrows, c)
            pltpu.sync_copy(out_src, x_ref.at[c, pl.ds(r0, nrows), :])
            return carry

        lax.fori_loop(0, CHUNK, cbody, 0)

        pltpu.sync_copy(vt_ref.at[pl.ds(r0, nrows), :], in_dst)
        assemble(nrows, CHUNK)
        pltpu.sync_copy(out_src, y_ref.at[pl.ds(r0, nrows), :])

    do_task(w, 8)

    @pl.when(w < 31)
    def _():
        do_task(w + 32, 8)

    @pl.when(w == 31)
    def _():
        do_task(63, 9)


def kernel(mixed_mag, vocal_mag):
    mt = mixed_mag.T
    vt = vocal_mag.T
    x_alt, y_alt = _sc_all(mt, vt)
    return x_alt.transpose(2, 1, 0), y_alt.T

# --- scband reference (transcript-rebuilt; emitter-appended) ---
"""Pipeline reference for scband-chunk-data-23106924053186 (READ-ONLY COPY).

The authoritative reference and input builder live on the scoring server;
editing this copy changes nothing except your own understanding.
"""

import jax, jax.numpy as jnp
import numpy as np

CHUNK_SIZE = 20

def setup_inputs(seed: int = 0) -> dict:
    key = jax.random.key(seed)
    k1, k2 = jax.random.split(key)
    mixed_mag = jax.random.normal(k1, (4096, 513), dtype=jnp.float32)
    vocal_mag = jax.random.normal(k2, (4096, 513), dtype=jnp.float32)
    return {"mixed_mag": mixed_mag, "vocal_mag": vocal_mag}

def reference(mixed_mag, vocal_mag):
    # Faithful translation of ChunkData.forward: sliding-window chunking.
    # Original loop: x[i] = mixed_mag[i:i+chunk], y[i] = target[i+chunk]
    chunk = CHUNK_SIZE
    time, freq = mixed_mag.shape
    n = time - chunk
    # gather: window indices (n, chunk)
    idx = jnp.arange(n)[:, None] + jnp.arange(chunk)[None, :]
    x = jnp.take(mixed_mag, idx, axis=0)          # (n, chunk, freq)
    y = vocal_mag[chunk:time, :]                   # (n, freq)
    x = jnp.transpose(x, (0, 2, 1))                # (n, freq, chunk) -- permute(0, 2, 1)
    return x, y

if __name__ == "__main__":
    import jax
    _d = setup_inputs()
    print(jax.jit(kernel)(*tuple(_d.values())))

</pallas_src>

<mosaic_0001>
#map = affine_map<(d0, d1) -> (0, 0)>
#map1 = affine_map<(d0, d1) -> (0, 0, 0)>
module attributes {stable_mosaic.version = 14 : i64} {
  func.func @_sc_all(%arg0: i32, %arg1: i32, %arg2: memref<513x4096xf32, #tpu.memory_space<hbm>>, %arg3: memref<513x4096xf32, #tpu.memory_space<hbm>>, %arg4: memref<20x513x4076xf32, #tpu.memory_space<hbm>>, %arg5: memref<513x4076xf32, #tpu.memory_space<hbm>>, %arg6: memref<9x4096xf32, #tpu.memory_space<vmem>>, %arg7: memref<9x4076xf32, #tpu.memory_space<vmem>>) attributes {dimension_semantics = [#tpu.dimension_semantics<core_parallel>, #tpu.dimension_semantics<subcore_parallel>], iteration_bounds = array<i64: 2, 16>, scalar_prefetch = 0 : i64, scratch_operands = 2 : i64, tpu.core_type = #tpu.core_type<sc_vector_subcore>, window_params = [{transform_indices = #map}, {transform_indices = #map}, {transform_indices = #map1}, {transform_indices = #map}]} {
    %mul3A = arith.constant 2 : i32
    %mul3A_0 = arith.muli %arg1, %mul3A : i32
    %add3A = arith.addi %mul3A_0, %arg0 : i32
    %iota3A = tpu.iota {dimensions = array<i32: 0>} : vector<16xi32>
    %mul3A_1 = arith.constant 8 : i32
    %mul3A_2 = arith.muli %mul3A_1, %add3A : i32
    %multiple_of3A = tpu.assume_multiple %mul3A_2, 8 : i32
    "tpu.region"() ({
      %run_scoped3A = tpu.sem_alloc : memref<!tpu.dma_semaphore, #tpu.memory_space<semaphore_mem>>
      %dma_start3A = arith.constant 0 : i32
      %dma_start3A_114 = arith.constant 0 : i32
      %dma_start3A_115 = tpu.memref_slice %arg6[%dma_start3A, %dma_start3A_114] : memref<9x4096xf32, #tpu.memory_space<vmem>> -> memref<8x4096xf32, #tpu.memory_space<vmem>>
      %dma_start3A_116 = arith.constant 0 : i32
      %dma_start3A_117 = tpu.memref_slice %arg2[%multiple_of3A, %dma_start3A_116] : memref<513x4096xf32, #tpu.memory_space<hbm>> -> memref<8x4096xf32, #tpu.memory_space<hbm>>
      %dma_start3A_118 = arith.constant 0 : i32
      %dma_start3A_119 = arith.constant 0 : i32
      %dma_start3A_120 = tpu.memref_slice %arg6[%dma_start3A_118, %dma_start3A_119] : memref<9x4096xf32, #tpu.memory_space<vmem>> -> memref<8x4096xf32, #tpu.memory_space<vmem>>
      %dma_start3A_121 = arith.constant 0 : i32
      %dma_start3A_122 = tpu.memref_slice %arg2[%multiple_of3A, %dma_start3A_121] : memref<513x4096xf32, #tpu.memory_space<hbm>> -> memref<8x4096xf32, #tpu.memory_space<hbm>>
      tpu.enqueue_dma source(%dma_start3A_122 : memref<8x4096xf32, #tpu.memory_space<hbm>>) target(%dma_start3A_120 : memref<8x4096xf32, #tpu.memory_space<vmem>>) target_semaphore(%run_scoped3A : memref<!tpu.dma_semaphore, #tpu.memory_space<semaphore_mem>>)
      %dma_wait3A = arith.constant 0 : i32
      %dma_wait3A_123 = arith.constant 0 : i32
      %dma_wait3A_124 = tpu.memref_slice %arg6[%dma_wait3A, %dma_wait3A_123] : memref<9x4096xf32, #tpu.memory_space<vmem>> -> memref<8x4096xf32, #tpu.memory_space<vmem>>
      %dma_wait3A_125 = arith.constant 0 : i32
      %dma_wait3A_126 = tpu.memref_slice %arg2[%multiple_of3A, %dma_wait3A_125] : memref<513x4096xf32, #tpu.memory_space<hbm>> -> memref<8x4096xf32, #tpu.memory_space<hbm>>
      %dma_wait3A_127 = arith.constant 0 : i32
      %dma_wait3A_128 = arith.constant 0 : i32
      %dma_wait3A_129 = tpu.memref_slice %arg6[%dma_wait3A_127, %dma_wait3A_128] : memref<9x4096xf32, #tpu.memory_space<vmem>> -> memref<8x4096xf32, #tpu.memory_space<vmem>>
      %dma_wait3A_130 = arith.constant 0 : i32
      %dma_wait3A_131 = tpu.memref_slice %arg2[%multiple_of3A, %dma_wait3A_130] : memref<513x4096xf32, #tpu.memory_space<hbm>> -> memref<8x4096xf32, #tpu.memory_space<hbm>>
      tpu.wait_dma2 semaphore(%run_scoped3A : memref<!tpu.dma_semaphore, #tpu.memory_space<semaphore_mem>>) src(%dma_wait3A_131 : memref<8x4096xf32, #tpu.memory_space<hbm>>) dst(%dma_wait3A_129 : memref<8x4096xf32, #tpu.memory_space<vmem>>)
      tpu.yield
    }) : () -> ()
    %scan3A = arith.constant 0 : i32
    %scan3A_3 = arith.constant 0 : i32
    %scan3A_4 = arith.constant 20 : i32
    %scan3A_5 = arith.addi %scan3A_3, %scan3A_4 : i32
    %scan3A_6 = arith.constant 1 : i32
    scf.for %scan3A_114 = %scan3A_3 to %scan3A_5 step %scan3A_6  : i32 {
      %broadcast_in_dim3A_115 = arith.constant 0 : i32
      %broadcast_in_dim3A_116 = vector.broadcast %broadcast_in_dim3A_115 : i32 to vector<16xi32>
      %parallel_loop3A_117 = arith.constant 0 : i32
      %parallel_loop3A_118 = arith.constant 4064 : i32
      %parallel_loop3A_119 = arith.constant 16 : i32
      scf.for %parallel_loop3A_227 = %parallel_loop3A_117 to %parallel_loop3A_118 step %parallel_loop3A_119  : i32 {
        %parallel_loop3A_228 = arith.addi %parallel_loop3A_227, %scan3A_114 : i32
        %parallel_loop3A_229 = vector.broadcast %parallel_loop3A_228 : i32 to vector<16xi32>
        %parallel_loop3A_230 = arith.addi %parallel_loop3A_229, %iota3A : vector<16xi32>
        %parallel_loop3A_231 = tpu.vector_load_idx %arg6[%broadcast_in_dim3A_116, %parallel_loop3A_230] : memref<9x4096xf32, #tpu.memory_space<vmem>>[vector<16xi32>, vector<16xi32>], vector<16xf32>,
        %parallel_loop3A_232 = arith.constant 0 : i32
        %parallel_loop3A_233 = arith.index_cast %parallel_loop3A_232 : i32 to index
        %parallel_loop3A_234 = arith.index_cast %parallel_loop3A_227 : i32 to index
        %parallel_loop3A_235 = tpu.vector_load %arg7[%parallel_loop3A_233, %parallel_loop3A_234] {strides = array<i32>} : memref<9x4076xf32, #tpu.memory_space<vmem>>, vector<16xf32>,
        tpu.vector_store %arg7[%parallel_loop3A_233, %parallel_loop3A_234], %parallel_loop3A_231 {strides = array<i32>} : memref<9x4076xf32, #tpu.memory_space<vmem>>, vector<16xf32>,
      } {sc.loop_unroll_factor = 1 : i64, sc.parallel_access}
      %add3A_120 = arith.constant 4060 : i32
      %add3A_121 = arith.addi %add3A_120, %scan3A_114 : i32
      %add3A_122 = vector.broadcast %add3A_121 : i32 to vector<16xi32>
      %add3A_123 = arith.addi %add3A_122, %iota3A : vector<16xi32>
      %gather3A_124 = tpu.vector_load_idx %arg6[%broadcast_in_dim3A_116, %add3A_123] : memref<9x4096xf32, #tpu.memory_space<vmem>>[vector<16xi32>, vector<16xi32>], vector<16xf32>,
      %swap3A_125 = arith.constant 0 : i32
      %swap3A_126 = arith.index_cast %swap3A_125 : i32 to index
      %swap3A_127 = arith.constant 4060 : index
      %swap3A_128 = tpu.vector_load %arg7[%swap3A_126, %swap3A_127] {strides = array<i32>} : memref<9x4076xf32, #tpu.memory_space<vmem>>, vector<16xf32>,
      tpu.vector_store %arg7[%swap3A_126, %swap3A_127], %gather3A_124 {strides = array<i32>} : memref<9x4076xf32, #tpu.memory_space<vmem>>, vector<16xf32>,
      %broadcast_in_dim3A_129 = arith.constant 1 : i32
      %broadcast_in_dim3A_130 = vector.broadcast %broadcast_in_dim3A_129 : i32 to vector<16xi32>
      %parallel_loop3A_131 = arith.constant 0 : i32
      %parallel_loop3A_132 = arith.constant 4064 : i32
      %parallel_loop3A_133 = arith.constant 16 : i32
      scf.for %parallel_loop3A_227 = %parallel_loop3A_131 to %parallel_loop3A_132 step %parallel_loop3A_133  : i32 {
        %parallel_loop3A_228 = arith.addi %parallel_loop3A_227, %scan3A_114 : i32
        %parallel_loop3A_229 = vector.broadcast %parallel_loop3A_228 : i32 to vector<16xi32>
        %parallel_loop3A_230 = arith.addi %parallel_loop3A_229, %iota3A : vector<16xi32>
        %parallel_loop3A_231 = tpu.vector_load_idx %arg6[%broadcast_in_dim3A_130, %parallel_loop3A_230] : memref<9x4096xf32, #tpu.memory_space<vmem>>[vector<16xi32>, vector<16xi32>], vector<16xf32>,
        %parallel_loop3A_232 = arith.constant 1 : i32
        %parallel_loop3A_233 = arith.index_cast %parallel_loop3A_232 : i32 to index
        %parallel_loop3A_234 = arith.index_cast %parallel_loop3A_227 : i32 to index
        %parallel_loop3A_235 = tpu.vector_load %arg7[%parallel_loop3A_233, %parallel_loop3A_234] {strides = array<i32>} : memref<9x4076xf32, #tpu.memory_space<vmem>>, vector<16xf32>,
        tpu.vector_store %arg7[%parallel_loop3A_233, %parallel_loop3A_234], %parallel_loop3A_231 {strides = array<i32>} : memref<9x4076xf32, #tpu.memory_space<vmem>>, vector<16xf32>,
      } {sc.loop_unroll_factor = 1 : i64, sc.parallel_access}
      %add3A_134 = arith.constant 4060 : i32
      %add3A_135 = arith.addi %add3A_134, %scan3A_114 : i32
      %add3A_136 = vector.broadcast %add3A_135 : i32 to vector<16xi32>
      %add3A_137 = arith.addi %add3A_136, %iota3A : vector<16xi32>
      %gather3A_138 = tpu.vector_load_idx %arg6[%broadcast_in_dim3A_130, %add3A_137] : memref<9x4096xf32, #tpu.memory_space<vmem>>[vector<16xi32>, vector<16xi32>], vector<16xf32>,
      %swap3A_139 = arith.constant 1 : i32
      %swap3A_140 = arith.index_cast %swap3A_139 : i32 to index
      %swap3A_141 = arith.constant 4060 : index
      %swap3A_142 = tpu.vector_load %arg7[%swap3A_140, %swap3A_141] {strides = array<i32>} : memref<9x4076xf32, #tpu.memory_space<vmem>>, vector<16xf32>,
      tpu.vector_store %arg7[%swap3A_140, %swap3A_141], %gather3A_138 {strides = array<i32>} : memref<9x4076xf32, #tpu.memory_space<vmem>>, vector<16xf32>,
      %broadcast_in_dim3A_143 = arith.constant 2 : i32
      %broadcast_in_dim3A_144 = vector.broadcast %broadcast_in_dim3A_143 : i32 to vector<16xi32>
      %parallel_loop3A_145 = arith.constant 0 : i32
      %parallel_loop3A_146 = arith.constant 4064 : i32
      %parallel_loop3A_147 = arith.constant 16 : i32
      scf.for %parallel_loop3A_227 = %parallel_loop3A_145 to %parallel_loop3A_146 step %parallel_loop3A_147  : i32 {
        %parallel_loop3A_228 = arith.addi %parallel_loop3A_227, %scan3A_114 : i32
        %parallel_loop3A_229 = vector.broadcast %parallel_loop3A_228 : i32 to vector<16xi32>
        %parallel_loop3A_230 = arith.addi %parallel_loop3A_229, %iota3A : vector<16xi32>
        %parallel_loop3A_231 = tpu.vector_load_idx %arg6[%broadcast_in_dim3A_144, %parallel_loop3A_230] : memref<9x4096xf32, #tpu.memory_space<vmem>>[vector<16xi32>, vector<16xi32>], vector<16xf32>,
        %parallel_loop3A_232 = arith.constant 2 : i32
        %parallel_loop3A_233 = arith.index_cast %parallel_loop3A_232 : i32 to index
        %parallel_loop3A_234 = arith.index_cast %parallel_loop3A_227 : i32 to index
        %parallel_loop3A_235 = tpu.vector_load %arg7[%parallel_loop3A_233, %parallel_loop3A_234] {strides = array<i32>} : memref<9x4076xf32, #tpu.memory_space<vmem>>, vector<16xf32>,
        tpu.vector_store %arg7[%parallel_loop3A_233, %parallel_loop3A_234], %parallel_loop3A_231 {strides = array<i32>} : memref<9x4076xf32, #tpu.memory_space<vmem>>, vector<16xf32>,
      } {sc.loop_unroll_factor = 1 : i64, sc.parallel_access}
      %add3A_148 = arith.constant 4060 : i32
      %add3A_149 = arith.addi %add3A_148, %scan3A_114 : i32
      %add3A_150 = vector.broadcast %add3A_149 : i32 to vector<16xi32>
      %add3A_151 = arith.addi %add3A_150, %iota3A : vector<16xi32>
      %gather3A_152 = tpu.vector_load_idx %arg6[%broadcast_in_dim3A_144, %add3A_151] : memref<9x4096xf32, #tpu.memory_space<vmem>>[vector<16xi32>, vector<16xi32>], vector<16xf32>,
      %swap3A_153 = arith.constant 2 : i32
      %swap3A_154 = arith.index_cast %swap3A_153 : i32 to index
      %swap3A_155 = arith.constant 4060 : index
      %swap3A_156 = tpu.vector_load %arg7[%swap3A_154, %swap3A_155] {strides = array<i32>} : memref<9x4076xf32, #tpu.memory_space<vmem>>, vector<16xf32>,
      tpu.vector_store %arg7[%swap3A_154, %swap3A_155], %gather3A_152 {strides = array<i32>} : memref<9x4076xf32, #tpu.memory_space<vmem>>, vector<16xf32>,
      %broadcast_in_dim3A_157 = arith.constant 3 : i32
      %broadcast_in_dim3A_158 = vector.broadcast %broadcast_in_dim3A_157 : i32 to vector<16xi32>
      %parallel_loop3A_159 = arith.constant 0 : i32
      %parallel_loop3A_160 = arith.constant 4064 : i32
      %parallel_loop3A_161 = arith.constant 16 : i32
      scf.for %parallel_loop3A_227 = %parallel_loop3A_159 to %parallel_loop3A_160 step %parallel_loop3A_161  : i32 {
        %parallel_loop3A_228 = arith.addi %parallel_loop3A_227, %scan3A_114 : i32
        %parallel_loop3A_229 = vector.broadcast %parallel_loop3A_228 : i32 to vector<16xi32>
        %parallel_loop3A_230 = arith.addi %parallel_loop3A_229, %iota3A : vector<16xi32>
        %parallel_loop3A_231 = tpu.vector_load_idx %arg6[%broadcast_in_dim3A_158, %parallel_loop3A_230] : memref<9x4096xf32, #tpu.memory_space<vmem>>[vector<16xi32>, vector<16xi32>], vector<16xf32>,
        %parallel_loop3A_232 = arith.constant 3 : i32
        %parallel_loop3A_233 = arith.index_cast %parallel_loop3A_232 : i32 to index
        %parallel_loop3A_234 = arith.index_cast %parallel_loop3A_227 : i32 to index
        %parallel_loop3A_235 = tpu.vector_load %arg7[%parallel_loop3A_233, %parallel_loop3A_234] {strides = array<i32>} : memref<9x4076xf32, #tpu.memory_space<vmem>>, vector<16xf32>,
        tpu.vector_store %arg7[%parallel_loop3A_233, %parallel_loop3A_234], %parallel_loop3A_231 {strides = array<i32>} : memref<9x4076xf32, #tpu.memory_space<vmem>>, vector<16xf32>,
      } {sc.loop_unroll_factor = 1 : i64, sc.parallel_access}
      %add3A_162 = arith.constant 4060 : i32
      %add3A_163 = arith.addi %add3A_162, %scan3A_114 : i32
      %add3A_164 = vector.broadcast %add3A_163 : i32 to vector<16xi32>
      %add3A_165 = arith.addi %add3A_164, %iota3A : vector<16xi32>
      %gather3A_166 = tpu.vector_load_idx %arg6[%broadcast_in_dim3A_158, %add3A_165] : memref<9x4096xf32, #tpu.memory_space<vmem>>[vector<16xi32>, vector<16xi32>], vector<16xf32>,
      %swap3A_167 = arith.constant 3 : i32
      %swap3A_168 = arith.index_cast %swap3A_167 : i32 to index
      %swap3A_169 = arith.constant 4060 : index
      %swap3A_170 = tpu.vector_load %arg7[%swap3A_168, %swap3A_169] {strides = array<i32>} : memref<9x4076xf32, #tpu.memory_space<vmem>>, vector<16xf32>,
      tpu.vector_store %arg7[%swap3A_168, %swap3A_169], %gather3A_166 {strides = array<i32>} : memref<9x4076xf32, #tpu.memory_space<vmem>>, vector<16xf32>,
      %broadcast_in_dim3A_171 = arith.constant 4 : i32
      %broadcast_in_dim3A_172 = vector.broadcast %broadcast_in_dim3A_171 : i32 to vector<16xi32>
      %parallel_loop3A_173 = arith.constant 0 : i32
      %parallel_loop3A_174 = arith.constant 4064 : i32
      %parallel_loop3A_175 = arith.constant 16 : i32
      scf.for %parallel_loop3A_227 = %parallel_loop3A_173 to %parallel_loop3A_174 step %parallel_loop3A_175  : i32 {
        %parallel_loop3A_228 = arith.addi %parallel_loop3A_227, %scan3A_114 : i32
        %parallel_loop3A_229 = vector.broadcast %parallel_loop3A_228 : i32 to vector<16xi32>
        %parallel_loop3A_230 = arith.addi %parallel_loop3A_229, %iota3A : vector<16xi32>
        %parallel_loop3A_231 = tpu.vector_load_idx %arg6[%broadcast_in_dim3A_172, %parallel_loop3A_230] : memref<9x4096xf32, #tpu.memory_space<vmem>>[vector<16xi32>, vector<16xi32>], vector<16xf32>,
        %parallel_loop3A_232 = arith.constant 4 : i32
        %parallel_loop3A_233 = arith.index_cast %parallel_loop3A_232 : i32 to index
        %parallel_loop3A_234 = arith.index_cast %parallel_loop3A_227 : i32 to index
        %parallel_loop3A_235 = tpu.vector_load %arg7[%parallel_loop3A_233, %parallel_loop3A_234] {strides = array<i32>} : memref<9x4076xf32, #tpu.memory_space<vmem>>, vector<16xf32>,
        tpu.vector_store %arg7[%parallel_loop3A_233, %parallel_loop3A_234], %parallel_loop3A_231 {strides = array<i32>} : memref<9x4076xf32, #tpu.memory_space<vmem>>, vector<16xf32>,
      } {sc.loop_unroll_factor = 1 : i64, sc.parallel_access}
      %add3A_176 = arith.constant 4060 : i32
      %add3A_177 = arith.addi %add3A_176, %scan3A_114 : i32
      %add3A_178 = vector.broadcast %add3A_177 : i32 to vector<16xi32>
      %add3A_179 = arith.addi %add3A_178, %iota3A : vector<16xi32>
      %gather3A_180 = tpu.vector_load_idx %arg6[%broadcast_in_dim3A_172, %add3A_179] : memref<9x4096xf32, #tpu.memory_space<vmem>>[vector<16xi32>, vector<16xi32>], vector<16xf32>,
      %swap3A_181 = arith.constant 4 : i32
      %swap3A_182 = arith.index_cast %swap3A_181 : i32 to index
      %swap3A_183 = arith.constant 4060 : index
      %swap3A_184 = tpu.vector_load %arg7[%swap3A_182, %swap3A_183] {strides = array<i32>} : memref<9x4076xf32, #tpu.memory_space<vmem>>, vector<16xf32>,
      tpu.vector_store %arg7[%swap3A_182, %swap3A_183], %gather3A_180 {strides = array<i32>} : memref<9x4076xf32, #tpu.memory_space<vmem>>, vector<16xf32>,
      %broadcast_in_dim3A_185 = arith.constant 5 : i32
      %broadcast_in_dim3A_186 = vector.broadcast %broadcast_in_dim3A_185 : i32 to vector<16xi32>
      %parallel_loop3A_187 = arith.constant 0 : i32
      %parallel_loop3A_188 = arith.constant 4064 : i32
      %parallel_loop3A_189 = arith.constant 16 : i32
      scf.for %parallel_loop3A_227 = %parallel_loop3A_187 to %parallel_loop3A_188 step %parallel_loop3A_189  : i32 {
        %parallel_loop3A_228 = arith.addi %parallel_loop3A_227, %scan3A_114 : i32
        %parallel_loop3A_229 = vector.broadcast %parallel_loop3A_228 : i32 to vector<16xi32>
        %parallel_loop3A_230 = arith.addi %parallel_loop3A_229, %iota3A : vector<16xi32>
        %parallel_loop3A_231 = tpu.vector_load_idx %arg6[%broadcast_in_dim3A_186, %parallel_loop3A_230] : memref<9x4096xf32, #tpu.memory_space<vmem>>[vector<16xi32>, vector<16xi32>], vector<16xf32>,
        %parallel_loop3A_232 = arith.constant 5 : i32
        %parallel_loop3A_233 = arith.index_cast %parallel_loop3A_232 : i32 to index
        %parallel_loop3A_234 = arith.index_cast %parallel_loop3A_227 : i32 to index
        %parallel_loop3A_235 = tpu.vector_load %arg7[%parallel_loop3A_233, %parallel_loop3A_234] {strides = array<i32>} : memref<9x4076xf32, #tpu.memory_space<vmem>>, vector<16xf32>,
        tpu.vector_store %arg7[%parallel_loop3A_233, %parallel_loop3A_234], %parallel_loop3A_231 {strides = array<i32>} : memref<9x4076xf32, #tpu.memory_space<vmem>>, vector<16xf32>,
      } {sc.loop_unroll_factor = 1 : i64, sc.parallel_access}
      %add3A_190 = arith.constant 4060 : i32
      %add3A_191 = arith.addi %add3A_190, %scan3A_114 : i32
      %add3A_192 = vector.broadcast %add3A_191 : i32 to vector<16xi32>
      %add3A_193 = arith.addi %add3A_192, %iota3A : vector<16xi32>
      %gather3A_194 = tpu.vector_load_idx %arg6[%broadcast_in_dim3A_186, %add3A_193] : memref<9x4096xf32, #tpu.memory_space<vmem>>[vector<16xi32>, vector<16xi32>], vector<16xf32>,
      %swap3A_195 = arith.constant 5 : i32
      %swap3A_196 = arith.index_cast %swap3A_195 : i32 to index
      %swap3A_197 = arith.constant 4060 : index
      %swap3A_198 = tpu.vector_load %arg7[%swap3A_196, %swap3A_197] {strides = array<i32>} : memref<9x4076xf32, #tpu.memory_space<vmem>>, vector<16xf32>,
      tpu.vector_store %arg7[%swap3A_196, %swap3A_197], %gather3A_194 {strides = array<i32>} : memref<9x4076xf32, #tpu.memory_space<vmem>>, vector<16xf32>,
      %broadcast_in_dim3A_199 = arith.constant 6 : i32
      %broadcast_in_dim3A_200 = vector.broadcast %broadcast_in_dim3A_199 : i32 to vector<16xi32>
      %parallel_loop3A_201 = arith.constant 0 : i32
      %parallel_loop3A_202 = arith.constant 4064 : i32
      %parallel_loop3A_203 = arith.constant 16 : i32
      scf.for %parallel_loop3A_227 = %parallel_loop3A_201 to %parallel_loop3A_202 step %parallel_loop3A_203  : i32 {
        %parallel_loop3A_228 = arith.addi %parallel_loop3A_227, %scan3A_114 : i32
        %parallel_loop3A_229 = vector.broadcast %parallel_loop3A_228 : i32 to vector<16xi32>
        %parallel_loop3A_230 = arith.addi %parallel_loop3A_229, %iota3A : vector<16xi32>
        %parallel_loop3A_231 = tpu.vector_load_idx %arg6[%broadcast_in_dim3A_200, %parallel_loop3A_230] : memref<9x4096xf32, #tpu.memory_space<vmem>>[vector<16xi32>, vector<16xi32>], vector<16xf32>,
        %parallel_loop3A_232 = arith.constant 6 : i32
        %parallel_loop3A_233 = arith.index_cast %parallel_loop3A_232 : i32 to index
        %parallel_loop3A_234 = arith.index_cast %parallel_loop3A_227 : i32 to index
        %parallel_loop3A_235 = tpu.vector_load %arg7[%parallel_loop3A_233, %parallel_loop3A_234] {strides = array<i32>} : memref<9x4076xf32, #tpu.memory_space<vmem>>, vector<16xf32>,
        tpu.vector_store %arg7[%parallel_loop3A_233, %parallel_loop3A_234], %parallel_loop3A_231 {strides = array<i32>} : memref<9x4076xf32, #tpu.memory_space<vmem>>, vector<16xf32>,
      } {sc.loop_unroll_factor = 1 : i64, sc.parallel_access}
      %add3A_204 = arith.constant 4060 : i32
      %add3A_205 = arith.addi %add3A_204, %scan3A_114 : i32
      %add3A_206 = vector.broadcast %add3A_205 : i32 to vector<16xi32>
      %add3A_207 = arith.addi %add3A_206, %iota3A : vector<16xi32>
      %gather3A_208 = tpu.vector_load_idx %arg6[%broadcast_in_dim3A_200, %add3A_207] : memref<9x4096xf32, #tpu.memory_space<vmem>>[vector<16xi32>, vector<16xi32>], vector<16xf32>,
      %swap3A_209 = arith.constant 6 : i32
      %swap3A_210 = arith.index_cast %swap3A_209 : i32 to index
      %swap3A_211 = arith.constant 4060 : index
      %swap3A_212 = tpu.vector_load %arg7[%swap3A_210, %swap3A_211] {strides = array<i32>} : memref<9x4076xf32, #tpu.memory_space<vmem>>, vector<16xf32>,
      tpu.vector_store %arg7[%swap3A_210, %swap3A_211], %gather3A_208 {strides = array<i32>} : memref<9x4076xf32, #tpu.memory_space<vmem>>, vector<16xf32>,
      %broadcast_in_dim3A_213 = arith.constant 7 : i32
      %broadcast_in_dim3A_214 = vector.broadcast %broadcast_in_dim3A_213 : i32 to vector<16xi32>
      %parallel_loop3A_215 = arith.constant 0 : i32
      %parallel_loop3A_216 = arith.constant 4064 : i32
      %parallel_loop3A_217 = arith.constant 16 : i32
      scf.for %parallel_loop3A_227 = %parallel_loop3A_215 to %parallel_loop3A_216 step %parallel_loop3A_217  : i32 {
        %parallel_loop3A_228 = arith.addi %parallel_loop3A_227, %scan3A_114 : i32
        %parallel_loop3A_229 = vector.broadcast %parallel_loop3A_228 : i32 to vector<16xi32>
        %parallel_loop3A_230 = arith.addi %parallel_loop3A_229, %iota3A : vector<16xi32>
        %parallel_loop3A_231 = tpu.vector_load_idx %arg6[%broadcast_in_dim3A_214, %parallel_loop3A_230] : memref<9x4096xf32, #tpu.memory_space<vmem>>[vector<16xi32>, vector<16xi32>], vector<16xf32>,
        %parallel_loop3A_232 = arith.constant 7 : i32
        %parallel_loop3A_233 = arith.index_cast %parallel_loop3A_232 : i32 to index
        %parallel_loop3A_234 = arith.index_cast %parallel_loop3A_227 : i32 to index
        %parallel_loop3A_235 = tpu.vector_load %arg7[%parallel_loop3A_233, %parallel_loop3A_234] {strides = array<i32>} : memref<9x4076xf32, #tpu.memory_space<vmem>>, vector<16xf32>,
        tpu.vector_store %arg7[%parallel_loop3A_233, %parallel_loop3A_234], %parallel_loop3A_231 {strides = array<i32>} : memref<9x4076xf32, #tpu.memory_space<vmem>>, vector<16xf32>,
      } {sc.loop_unroll_factor = 1 : i64, sc.parallel_access}
      %add3A_218 = arith.constant 4060 : i32
      %add3A_219 = arith.addi %add3A_218, %scan3A_114 : i32
      %add3A_220 = vector.broadcast %add3A_219 : i32 to vector<16xi32>
      %add3A_221 = arith.addi %add3A_220, %iota3A : vector<16xi32>
      %gather3A_222 = tpu.vector_load_idx %arg6[%broadcast_in_dim3A_214, %add3A_221] : memref<9x4096xf32, #tpu.memory_space<vmem>>[vector<16xi32>, vector<16xi32>], vector<16xf32>,
      %swap3A_223 = arith.constant 7 : i32
      %swap3A_224 = arith.index_cast %swap3A_223 : i32 to index
      %swap3A_225 = arith.constant 4060 : index
      %swap3A_226 = tpu.vector_load %arg7[%swap3A_224, %swap3A_225] {strides = array<i32>} : memref<9x4076xf32, #tpu.memory_space<vmem>>, vector<16xf32>,
      tpu.vector_store %arg7[%swap3A_224, %swap3A_225], %gather3A_222 {strides = array<i32>} : memref<9x4076xf32, #tpu.memory_space<vmem>>, vector<16xf32>,
      "tpu.region"() ({
        %run_scoped3A = tpu.sem_alloc : memref<!tpu.dma_semaphore, #tpu.memory_space<semaphore_mem>>
        %dma_start3A = arith.constant 0 : i32
        %dma_start3A_227 = arith.constant 0 : i32
        %dma_start3A_228 = tpu.memref_slice %arg7[%dma_start3A, %dma_start3A_227] : memref<9x4076xf32, #tpu.memory_space<vmem>> -> memref<8x4076xf32, #tpu.memory_space<vmem>>
        %dma_start3A_229 = arith.constant 0 : i32
        %dma_start3A_230 = tpu.memref_slice %arg4[%scan3A_114, %multiple_of3A, %dma_start3A_229] : memref<20x513x4076xf32, #tpu.memory_space<hbm>> -> memref<1x8x4076xf32, #tpu.memory_space<hbm>>
        %dma_start3A_231 = tpu.memref_squeeze %dma_start3A_230 : memref<1x8x4076xf32, #tpu.memory_space<hbm>> -> memref<8x4076xf32, #tpu.memory_space<hbm>>
        %dma_start3A_232 = arith.constant 0 : i32
        %dma_start3A_233 = tpu.memref_slice %arg4[%scan3A_114, %multiple_of3A, %dma_start3A_232] : memref<20x513x4076xf32, #tpu.memory_space<hbm>> -> memref<1x8x4076xf32, #tpu.memory_space<hbm>>
        %dma_start3A_234 = tpu.memref_squeeze %dma_start3A_233 : memref<1x8x4076xf32, #tpu.memory_space<hbm>> -> memref<8x4076xf32, #tpu.memory_space<hbm>>
        %dma_start3A_235 = arith.constant 0 : i32
        %dma_start3A_236 = arith.constant 0 : i32
        %dma_start3A_237 = tpu.memref_slice %arg7[%dma_start3A_235, %dma_start3A_236] : memref<9x4076xf32, #tpu.memory_space<vmem>> -> memref<8x4076xf32, #tpu.memory_space<vmem>>
        tpu.enqueue_dma source(%dma_start3A_237 : memref<8x4076xf32, #tpu.memory_space<vmem>>) target(%dma_start3A_234 : memref<8x4076xf32, #tpu.memory_space<hbm>>) target_semaphore(%run_scoped3A : memref<!tpu.dma_semaphore, #tpu.memory_space<semaphore_mem>>)
        %dma_wait3A = arith.constant 0 : i32
        %dma_wait3A_238 = arith.constant 0 : i32
        %dma_wait3A_239 = tpu.memref_slice %arg7[%dma_wait3A, %dma_wait3A_238] : memref<9x4076xf32, #tpu.memory_space<vmem>> -> memref<8x4076xf32, #tpu.memory_space<vmem>>
        %dma_wait3A_240 = arith.constant 0 : i32
        %dma_wait3A_241 = tpu.memref_slice %arg4[%scan3A_114, %multiple_of3A, %dma_wait3A_240] : memref<20x513x4076xf32, #tpu.memory_space<hbm>> -> memref<1x8x4076xf32, #tpu.memory_space<hbm>>
        %dma_wait3A_242 = tpu.memref_squeeze %dma_wait3A_241 : memref<1x8x4076xf32, #tpu.memory_space<hbm>> -> memref<8x4076xf32, #tpu.memory_space<hbm>>
        %dma_wait3A_243 = arith.constant 0 : i32
        %dma_wait3A_244 = tpu.memref_slice %arg4[%scan3A_114, %multiple_of3A, %dma_wait3A_243] : memref<20x513x4076xf32, #tpu.memory_space<hbm>> -> memref<1x8x4076xf32, #tpu.memory_space<hbm>>
        %dma_wait3A_245 = tpu.memref_squeeze %dma_wait3A_244 : memref<1x8x4076xf32, #tpu.memory_space<hbm>> -> memref<8x4076xf32, #tpu.memory_space<hbm>>
        %dma_wait3A_246 = arith.constant 0 : i32
        %dma_wait3A_247 = arith.constant 0 : i32
        %dma_wait3A_248 = tpu.memref_slice %arg7[%dma_wait3A_246, %dma_wait3A_247] : memref<9x4076xf32, #tpu.memory_space<vmem>> -> memref<8x4076xf32, #tpu.memory_space<vmem>>
        tpu.wait_dma2 semaphore(%run_scoped3A : memref<!tpu.dma_semaphore, #tpu.memory_space<semaphore_mem>>) src(%dma_wait3A_248 : memref<8x4076xf32, #tpu.memory_space<vmem>>) dst(%dma_wait3A_245 : memref<8x4076xf32, #tpu.memory_space<hbm>>)
        tpu.yield
      }) : () -> ()
    }
    %scan3A_7 = arith.constant 20 : i32
    "tpu.region"() ({
      %run_scoped3A = tpu.sem_alloc : memref<!tpu.dma_semaphore, #tpu.memory_space<semaphore_mem>>
      %dma_start3A = arith.constant 0 : i32
      %dma_start3A_114 = arith.constant 0 : i32
      %dma_start3A_115 = tpu.memref_slice %arg6[%dma_start3A, %dma_start3A_114] : memref<9x4096xf32, #tpu.memory_space<vmem>> -> memref<8x4096xf32, #tpu.memory_space<vmem>>
      %dma_start3A_116 = arith.constant 0 : i32
      %dma_start3A_117 = tpu.memref_slice %arg3[%multiple_of3A, %dma_start3A_116] : memref<513x4096xf32, #tpu.memory_space<hbm>> -> memref<8x4096xf32, #tpu.memory_space<hbm>>
      %dma_start3A_118 = arith.constant 0 : i32
      %dma_start3A_119 = arith.constant 0 : i32
      %dma_start3A_120 = tpu.memref_slice %arg6[%dma_start3A_118, %dma_start3A_119] : memref<9x4096xf32, #tpu.memory_space<vmem>> -> memref<8x4096xf32, #tpu.memory_space<vmem>>
      %dma_start3A_121 = arith.constant 0 : i32
      %dma_start3A_122 = tpu.memref_slice %arg3[%multiple_of3A, %dma_start3A_121] : memref<513x4096xf32, #tpu.memory_space<hbm>> -> memref<8x4096xf32, #tpu.memory_space<hbm>>
      tpu.enqueue_dma source(%dma_start3A_122 : memref<8x4096xf32, #tpu.memory_space<hbm>>) target(%dma_start3A_120 : memref<8x4096xf32, #tpu.memory_space<vmem>>) target_semaphore(%run_scoped3A : memref<!tpu.dma_semaphore, #tpu.memory_space<semaphore_mem>>)
      %dma_wait3A = arith.constant 0 : i32
      %dma_wait3A_123 = arith.constant 0 : i32
      %dma_wait3A_124 = tpu.memref_slice %arg6[%dma_wait3A, %dma_wait3A_123] : memref<9x4096xf32, #tpu.memory_space<vmem>> -> memref<8x4096xf32, #tpu.memory_space<vmem>>
      %dma_wait3A_125 = arith.constant 0 : i32
      %dma_wait3A_126 = tpu.memref_slice %arg3[%multiple_of3A, %dma_wait3A_125] : memref<513x4096xf32, #tpu.memory_space<hbm>> -> memref<8x4096xf32, #tpu.memory_space<hbm>>
      %dma_wait3A_127 = arith.constant 0 : i32
      %dma_wait3A_128 = arith.constant 0 : i32
      %dma_wait3A_129 = tpu.memref_slice %arg6[%dma_wait3A_127, %dma_wait3A_128] : memref<9x4096xf32, #tpu.memory_space<vmem>> -> memref<8x4096xf32, #tpu.memory_space<vmem>>
      %dma_wait3A_130 = arith.constant 0 : i32
      %dma_wait3A_131 = tpu.memref_slice %arg3[%multiple_of3A, %dma_wait3A_130] : memref<513x4096xf32, #tpu.memory_space<hbm>> -> memref<8x4096xf32, #tpu.memory_space<hbm>>
      tpu.wait_dma2 semaphore(%run_scoped3A : memref<!tpu.dma_semaphore, #tpu.memory_space<semaphore_mem>>) src(%dma_wait3A_131 : memref<8x4096xf32, #tpu.memory_space<hbm>>) dst(%dma_wait3A_129 : memref<8x4096xf32, #tpu.memory_space<vmem>>)
      tpu.yield
    }) : () -> ()
    %broadcast_in_dim3A = arith.constant 0 : i32
    %broadcast_in_dim3A_8 = vector.broadcast %broadcast_in_dim3A : i32 to vector<16xi32>
    %parallel_loop3A = arith.constant 0 : i32
    %parallel_loop3A_9 = arith.constant 4064 : i32
    %parallel_loop3A_10 = arith.constant 16 : i32
    scf.for %parallel_loop3A_114 = %parallel_loop3A to %parallel_loop3A_9 step %parallel_loop3A_10  : i32 {
      %parallel_loop3A_115 = arith.constant 20 : i32
      %parallel_loop3A_116 = arith.addi %parallel_loop3A_114, %parallel_loop3A_115 : i32
      %parallel_loop3A_117 = vector.broadcast %parallel_loop3A_116 : i32 to vector<16xi32>
      %parallel_loop3A_118 = arith.addi %parallel_loop3A_117, %iota3A : vector<16xi32>
      %parallel_loop3A_119 = tpu.vector_load_idx %arg6[%broadcast_in_dim3A_8, %parallel_loop3A_118] : memref<9x4096xf32, #tpu.memory_space<vmem>>[vector<16xi32>, vector<16xi32>], vector<16xf32>,
      %parallel_loop3A_120 = arith.constant 0 : i32
      %parallel_loop3A_121 = arith.index_cast %parallel_loop3A_120 : i32 to index
      %parallel_loop3A_122 = arith.index_cast %parallel_loop3A_114 : i32 to index
      %parallel_loop3A_123 = tpu.vector_load %arg7[%parallel_loop3A_121, %parallel_loop3A_122] {strides = array<i32>} : memref<9x4076xf32, #tpu.memory_space<vmem>>, vector<16xf32>,
      tpu.vector_store %arg7[%parallel_loop3A_121, %parallel_loop3A_122], %parallel_loop3A_119 {strides = array<i32>} : memref<9x4076xf32, #tpu.memory_space<vmem>>, vector<16xf32>,
    } {sc.loop_unroll_factor = 1 : i64, sc.parallel_access}
    %add3A_11 = arith.constant 4080 : i32
    %add3A_12 = vector.broadcast %add3A_11 : i32 to vector<16xi32>
    %add3A_13 = arith.addi %add3A_12, %iota3A : vector<16xi32>
    %gather3A = tpu.vector_load_idx %arg6[%broadcast_in_dim3A_8, %add3A_13] : memref<9x4096xf32, #tpu.memory_space<vmem>>[vector<16xi32>, vector<16xi32>], vector<16xf32>,
    %swap3A = arith.constant 0 : i32
    %swap3A_14 = arith.index_cast %swap3A : i32 to index
    %swap3A_15 = arith.constant 4060 : index
    %swap3A_16 = tpu.vector_load %arg7[%swap3A_14, %swap3A_15] {strides = array<i32>} : memref<9x4076xf32, #tpu.memory_space<vmem>>, vector<16xf32>,
    tpu.vector_store %arg7[%swap3A_14, %swap3A_15], %gather3A {strides = array<i32>} : memref<9x4076xf32, #tpu.memory_space<vmem>>, vector<16xf32>,
    %broadcast_in_dim3A_17 = arith.constant 1 : i32
    %broadcast_in_dim3A_18 = vector.broadcast %broadcast_in_dim3A_17 : i32 to vector<16xi32>
    %parallel_loop3A_19 = arith.constant 0 : i32
    %parallel_loop3A_20 = arith.constant 4064 : i32
    %parallel_loop3A_21 = arith.constant 16 : i32
    scf.for %parallel_loop3A_114 = %parallel_loop3A_19 to %parallel_loop3A_20 step %parallel_loop3A_21  : i32 {
      %parallel_loop3A_115 = arith.constant 20 : i32
      %parallel_loop3A_116 = arith.addi %parallel_loop3A_114, %parallel_loop3A_115 : i32
      %parallel_loop3A_117 = vector.broadcast %parallel_loop3A_116 : i32 to vector<16xi32>
      %parallel_loop3A_118 = arith.addi %parallel_loop3A_117, %iota3A : vector<16xi32>
      %parallel_loop3A_119 = tpu.vector_load_idx %arg6[%broadcast_in_dim3A_18, %parallel_loop3A_118] : memref<9x4096xf32, #tpu.memory_space<vmem>>[vector<16xi32>, vector<16xi32>], vector<16xf32>,
      %parallel_loop3A_120 = arith.constant 1 : i32
      %parallel_loop3A_121 = arith.index_cast %parallel_loop3A_120 : i32 to index
      %parallel_loop3A_122 = arith.index_cast %parallel_loop3A_114 : i32 to index
      %parallel_loop3A_123 = tpu.vector_load %arg7[%parallel_loop3A_121, %parallel_loop3A_122] {strides = array<i32>} : memref<9x4076xf32, #tpu.memory_space<vmem>>, vector<16xf32>,
      tpu.vector_store %arg7[%parallel_loop3A_121, %parallel_loop3A_122], %parallel_loop3A_119 {strides = array<i32>} : memref<9x4076xf32, #tpu.memory_space<vmem>>, vector<16xf32>,
    } {sc.loop_unroll_factor = 1 : i64, sc.parallel_access}
    %add3A_22 = arith.constant 4080 : i32
    %add3A_23 = vector.broadcast %add3A_22 : i32 to vector<16xi32>
    %add3A_24 = arith.addi %add3A_23, %iota3A : vector<16xi32>
    %gather3A_25 = tpu.vector_load_idx %arg6[%broadcast_in_dim3A_18, %add3A_24] : memref<9x4096xf32, #tpu.memory_space<vmem>>[vector<16xi32>, vector<16xi32>], vector<16xf32>,
    %swap3A_26 = arith.constant 1 : i32
    %swap3A_27 = arith.index_cast %swap3A_26 : i32 to index
    %swap3A_28 = arith.constant 4060 : index
    %swap3A_29 = tpu.vector_load %arg7[%swap3A_27, %swap3A_28] {strides = array<i32>} : memref<9x4076xf32, #tpu.memory_space<vmem>>, vector<16xf32>,
    tpu.vector_store %arg7[%swap3A_27, %swap3A_28], %gather3A_25 {strides = array<i32>} : memref<9x4076xf32, #tpu.memory_space<vmem>>, vector<16xf32>,
    %broadcast_in_dim3A_30 = arith.constant 2 : i32
    %broadcast_in_dim3A_31 = vector.broadcast %broadcast_in_dim3A_30 : i32 to vector<16xi32>
    %parallel_loop3A_32 = arith.constant 0 : i32
    %parallel_loop3A_33 = arith.constant 4064 : i32
    %parallel_loop3A_34 = arith.constant 16 : i32
    scf.for %parallel_loop3A_114 = %parallel_loop3A_32 to %parallel_loop3A_33 step %parallel_loop3A_34  : i32 {
      %parallel_loop3A_115 = arith.constant 20 : i32
      %parallel_loop3A_116 = arith.addi %parallel_loop3A_114, %parallel_loop3A_115 : i32
      %parallel_loop3A_117 = vector.broadcast %parallel_loop3A_116 : i32 to vector<16xi32>
      %parallel_loop3A_118 = arith.addi %parallel_loop3A_117, %iota3A : vector<16xi32>
      %parallel_loop3A_119 = tpu.vector_load_idx %arg6[%broadcast_in_dim3A_31, %parallel_loop3A_118] : memref<9x4096xf32, #tpu.memory_space<vmem>>[vector<16xi32>, vector<16xi32>], vector<16xf32>,
      %parallel_loop3A_120 = arith.constant 2 : i32
      %parallel_loop3A_121 = arith.index_cast %parallel_loop3A_120 : i32 to index
      %parallel_loop3A_122 = arith.index_cast %parallel_loop3A_114 : i32 to index
      %parallel_loop3A_123 = tpu.vector_load %arg7[%parallel_loop3A_121, %parallel_loop3A_122] {strides = array<i32>} : memref<9x4076xf32, #tpu.memory_space<vmem>>, vector<16xf32>,
      tpu.vector_store %arg7[%parallel_loop3A_121, %parallel_loop3A_122], %parallel_loop3A_119 {strides = array<i32>} : memref<9x4076xf32, #tpu.memory_space<vmem>>, vector<16xf32>,
    } {sc.loop_unroll_factor = 1 : i64, sc.parallel_access}
    %add3A_35 = arith.constant 4080 : i32
    %add3A_36 = vector.broadcast %add3A_35 : i32 to vector<16xi32>
    %add3A_37 = arith.addi %add3A_36, %iota3A : vector<16xi32>
    %gather3A_38 = tpu.vector_load_idx %arg6[%broadcast_in_dim3A_31, %add3A_37] : memref<9x4096xf32, #tpu.memory_space<vmem>>[vector<16xi32>, vector<16xi32>], vector<16xf32>,
    %swap3A_39 = arith.constant 2 : i32
    %swap3A_40 = arith.index_cast %swap3A_39 : i32 to index
    %swap3A_41 = arith.constant 4060 : index
    %swap3A_42 = tpu.vector_load %arg7[%swap3A_40, %swap3A_41] {strides = array<i32>} : memref<9x4076xf32, #tpu.memory_space<vmem>>, vector<16xf32>,
    tpu.vector_store %arg7[%swap3A_40, %swap3A_41], %gather3A_38 {strides = array<i32>} : memref<9x4076xf32, #tpu.memory_space<vmem>>, vector<16xf32>,
    %broadcast_in_dim3A_43 = arith.constant 3 : i32
    %broadcast_in_dim3A_44 = vector.broadcast %broadcast_in_dim3A_43 : i32 to vector<16xi32>
    %parallel_loop3A_45 = arith.constant 0 : i32
    %parallel_loop3A_46 = arith.constant 4064 : i32
    %parallel_loop3A_47 = arith.constant 16 : i32
    scf.for %parallel_loop3A_114 = %parallel_loop3A_45 to %parallel_loop3A_46 step %parallel_loop3A_47  : i32 {
      %parallel_loop3A_115 = arith.constant 20 : i32
      %parallel_loop3A_116 = arith.addi %parallel_loop3A_114, %parallel_loop3A_115 : i32
      %parallel_loop3A_117 = vector.broadcast %parallel_loop3A_116 : i32 to vector<16xi32>
      %parallel_loop3A_118 = arith.addi %parallel_loop3A_117, %iota3A : vector<16xi32>
      %parallel_loop3A_119 = tpu.vector_load_idx %arg6[%broadcast_in_dim3A_44, %parallel_loop3A_118] : memref<9x4096xf32, #tpu.memory_space<vmem>>[vector<16xi32>, vector<16xi32>], vector<16xf32>,
      %parallel_loop3A_120 = arith.constant 3 : i32
      %parallel_loop3A_121 = arith.index_cast %parallel_loop3A_120 : i32 to index
      %parallel_loop3A_122 = arith.index_cast %parallel_loop3A_114 : i32 to index
      %parallel_loop3A_123 = tpu.vector_load %arg7[%parallel_loop3A_121, %parallel_loop3A_122] {strides = array<i32>} : memref<9x4076xf32, #tpu.memory_space<vmem>>, vector<16xf32>,
      tpu.vector_store %arg7[%parallel_loop3A_121, %parallel_loop3A_122], %parallel_loop3A_119 {strides = array<i32>} : memref<9x4076xf32, #tpu.memory_space<vmem>>, vector<16xf32>,
    } {sc.loop_unroll_factor = 1 : i64, sc.parallel_access}
    %add3A_48 = arith.constant 4080 : i32
    %add3A_49 = vector.broadcast %add3A_48 : i32 to vector<16xi32>
    %add3A_50 = arith.addi %add3A_49, %iota3A : vector<16xi32>
    %gather3A_51 = tpu.vector_load_idx %arg6[%broadcast_in_dim3A_44, %add3A_50] : memref<9x4096xf32, #tpu.memory_space<vmem>>[vector<16xi32>, vector<16xi32>], vector<16xf32>,
    %swap3A_52 = arith.constant 3 : i32
    %swap3A_53 = arith.index_cast %swap3A_52 : i32 to index
    %swap3A_54 = arith.constant 4060 : index
    %swap3A_55 = tpu.vector_load %arg7[%swap3A_53, %swap3A_54] {strides = array<i32>} : memref<9x4076xf32, #tpu.memory_space<vmem>>, vector<16xf32>,
    tpu.vector_store %arg7[%swap3A_53, %swap3A_54], %gather3A_51 {strides = array<i32>} : memref<9x4076xf32, #tpu.memory_space<vmem>>, vector<16xf32>,
    %broadcast_in_dim3A_56 = arith.constant 4 : i32
    %broadcast_in_dim3A_57 = vector.broadcast %broadcast_in_dim3A_56 : i32 to vector<16xi32>
    %parallel_loop3A_58 = arith.constant 0 : i32
    %parallel_loop3A_59 = arith.constant 4064 : i32
    %parallel_loop3A_60 = arith.constant 16 : i32
    scf.for %parallel_loop3A_114 = %parallel_loop3A_58 to %parallel_loop3A_59 step %parallel_loop3A_60  : i32 {
      %parallel_loop3A_115 = arith.constant 20 : i32
      %parallel_loop3A_116 = arith.addi %parallel_loop3A_114, %parallel_loop3A_115 : i32
      %parallel_loop3A_117 = vector.broadcast %parallel_loop3A_116 : i32 to vector<16xi32>
      %parallel_loop3A_118 = arith.addi %parallel_loop3A_117, %iota3A : vector<16xi32>
      %parallel_loop3A_119 = tpu.vector_load_idx %arg6[%broadcast_in_dim3A_57, %parallel_loop3A_118] : memref<9x4096xf32, #tpu.memory_space<vmem>>[vector<16xi32>, vector<16xi32>], vector<16xf32>,
      %parallel_loop3A_120 = arith.constant 4 : i32
      %parallel_loop3A_121 = arith.index_cast %parallel_loop3A_120 : i32 to index
      %parallel_loop3A_122 = arith.index_cast %parallel_loop3A_114 : i32 to index
      %parallel_loop3A_123 = tpu.vector_load %arg7[%parallel_loop3A_121, %parallel_loop3A_122] {strides = array<i32>} : memref<9x4076xf32, #tpu.memory_space<vmem>>, vector<16xf32>,
      tpu.vector_store %arg7[%parallel_loop3A_121, %parallel_loop3A_122], %parallel_loop3A_119 {strides = array<i32>} : memref<9x4076xf32, #tpu.memory_space<vmem>>, vector<16xf32>,
    } {sc.loop_unroll_factor = 1 : i64, sc.parallel_access}
    %add3A_61 = arith.constant 4080 : i32
    %add3A_62 = vector.broadcast %add3A_61 : i32 to vector<16xi32>
    %add3A_63 = arith.addi %add3A_62, %iota3A : vector<16xi32>
    %gather3A_64 = tpu.vector_load_idx %arg6[%broadcast_in_dim3A_57, %add3A_63] : memref<9x4096xf32, #tpu.memory_space<vmem>>[vector<16xi32>, vector<16xi32>], vector<16xf32>,
    %swap3A_65 = arith.constant 4 : i32
    %swap3A_66 = arith.index_cast %swap3A_65 : i32 to index
    %swap3A_67 = arith.constant 4060 : index
    %swap3A_68 = tpu.vector_load %arg7[%swap3A_66, %swap3A_67] {strides = array<i32>} : memref<9x4076xf32, #tpu.memory_space<vmem>>, vector<16xf32>,
    tpu.vector_store %arg7[%swap3A_66, %swap3A_67], %gather3A_64 {strides = array<i32>} : memref<9x4076xf32, #tpu.memory_space<vmem>>, vector<16xf32>,
    %broadcast_in_dim3A_69 = arith.constant 5 : i32
    %broadcast_in_dim3A_70 = vector.broadcast %broadcast_in_dim3A_69 : i32 to vector<16xi32>
    %parallel_loop3A_71 = arith.constant 0 : i32
    %parallel_loop3A_72 = arith.constant 4064 : i32
    %parallel_loop3A_73 = arith.constant 16 : i32
    scf.for %parallel_loop3A_114 = %parallel_loop3A_71 to %parallel_loop3A_72 step %parallel_loop3A_73  : i32 {
      %parallel_loop3A_115 = arith.constant 20 : i32
      %parallel_loop3A_116 = arith.addi %parallel_loop3A_114, %parallel_loop3A_115 : i32
      %parallel_loop3A_117 = vector.broadcast %parallel_loop3A_116 : i32 to vector<16xi32>
      %parallel_loop3A_118 = arith.addi %parallel_loop3A_117, %iota3A : vector<16xi32>
      %parallel_loop3A_119 = tpu.vector_load_idx %arg6[%broadcast_in_dim3A_70, %parallel_loop3A_118] : memref<9x4096xf32, #tpu.memory_space<vmem>>[vector<16xi32>, vector<16xi32>], vector<16xf32>,
      %parallel_loop3A_120 = arith.constant 5 : i32
      %parallel_loop3A_121 = arith.index_cast %parallel_loop3A_120 : i32 to index
      %parallel_loop3A_122 = arith.index_cast %parallel_loop3A_114 : i32 to index
      %parallel_loop3A_123 = tpu.vector_load %arg7[%parallel_loop3A_121, %parallel_loop3A_122] {strides = array<i32>} : memref<9x4076xf32, #tpu.memory_space<vmem>>, vector<16xf32>,
      tpu.vector_store %arg7[%parallel_loop3A_121, %parallel_loop3A_122], %parallel_loop3A_119 {strides = array<i32>} : memref<9x4076xf32, #tpu.memory_space<vmem>>, vector<16xf32>,
    } {sc.loop_unroll_factor = 1 : i64, sc.parallel_access}
    %add3A_74 = arith.constant 4080 : i32
    %add3A_75 = vector.broadcast %add3A_74 : i32 to vector<16xi32>
    %add3A_76 = arith.addi %add3A_75, %iota3A : vector<16xi32>
    %gather3A_77 = tpu.vector_load_idx %arg6[%broadcast_in_dim3A_70, %add3A_76] : memref<9x4096xf32, #tpu.memory_space<vmem>>[vector<16xi32>, vector<16xi32>], vector<16xf32>,
    %swap3A_78 = arith.constant 5 : i32
    %swap3A_79 = arith.index_cast %swap3A_78 : i32 to index
    %swap3A_80 = arith.constant 4060 : index
    %swap3A_81 = tpu.vector_load %arg7[%swap3A_79, %swap3A_80] {strides = array<i32>} : memref<9x4076xf32, #tpu.memory_space<vmem>>, vector<16xf32>,
    tpu.vector_store %arg7[%swap3A_79, %swap3A_80], %gather3A_77 {strides = array<i32>} : memref<9x4076xf32, #tpu.memory_space<vmem>>, vector<16xf32>,
    %broadcast_in_dim3A_82 = arith.constant 6 : i32
    %broadcast_in_dim3A_83 = vector.broadcast %broadcast_in_dim3A_82 : i32 to vector<16xi32>
    %parallel_loop3A_84 = arith.constant 0 : i32
    %parallel_loop3A_85 = arith.constant 4064 : i32
    %parallel_loop3A_86 = arith.constant 16 : i32
    scf.for %parallel_loop3A_114 = %parallel_loop3A_84 to %parallel_loop3A_85 step %parallel_loop3A_86  : i32 {
      %parallel_loop3A_115 = arith.constant 20 : i32
      %parallel_loop3A_116 = arith.addi %parallel_loop3A_114, %parallel_loop3A_115 : i32
      %parallel_loop3A_117 = vector.broadcast %parallel_loop3A_116 : i32 to vector<16xi32>
      %parallel_loop3A_118 = arith.addi %parallel_loop3A_117, %iota3A : vector<16xi32>
      %parallel_loop3A_119 = tpu.vector_load_idx %arg6[%broadcast_in_dim3A_83, %parallel_loop3A_118] : memref<9x4096xf32, #tpu.memory_space<vmem>>[vector<16xi32>, vector<16xi32>], vector<16xf32>,
      %parallel_loop3A_120 = arith.constant 6 : i32
      %parallel_loop3A_121 = arith.index_cast %parallel_loop3A_120 : i32 to index
      %parallel_loop3A_122 = arith.index_cast %parallel_loop3A_114 : i32 to index
      %parallel_loop3A_123 = tpu.vector_load %arg7[%parallel_loop3A_121, %parallel_loop3A_122] {strides = array<i32>} : memref<9x4076xf32, #tpu.memory_space<vmem>>, vector<16xf32>,
      tpu.vector_store %arg7[%parallel_loop3A_121, %parallel_loop3A_122], %parallel_loop3A_119 {strides = array<i32>} : memref<9x4076xf32, #tpu.memory_space<vmem>>, vector<16xf32>,
    } {sc.loop_unroll_factor = 1 : i64, sc.parallel_access}
    %add3A_87 = arith.constant 4080 : i32
    %add3A_88 = vector.broadcast %add3A_87 : i32 to vector<16xi32>
    %add3A_89 = arith.addi %add3A_88, %iota3A : vector<16xi32>
    %gather3A_90 = tpu.vector_load_idx %arg6[%broadcast_in_dim3A_83, %add3A_89] : memref<9x4096xf32, #tpu.memory_space<vmem>>[vector<16xi32>, vector<16xi32>], vector<16xf32>,
    %swap3A_91 = arith.constant 6 : i32
    %swap3A_92 = arith.index_cast %swap3A_91 : i32 to index
    %swap3A_93 = arith.constant 4060 : index
    %swap3A_94 = tpu.vector_load %arg7[%swap3A_92, %swap3A_93] {strides = array<i32>} : memref<9x4076xf32, #tpu.memory_space<vmem>>, vector<16xf32>,
    tpu.vector_store %arg7[%swap3A_92, %swap3A_93], %gather3A_90 {strides = array<i32>} : memref<9x4076xf32, #tpu.memory_space<vmem>>, vector<16xf32>,
    %broadcast_in_dim3A_95 = arith.constant 7 : i32
    %broadcast_in_dim3A_96 = vector.broadcast %broadcast_in_dim3A_95 : i32 to vector<16xi32>
    %parallel_loop3A_97 = arith.constant 0 : i32
    %parallel_loop3A_98 = arith.constant 4064 : i32
    %parallel_loop3A_99 = arith.constant 16 : i32
    scf.for %parallel_loop3A_114 = %parallel_loop3A_97 to %parallel_loop3A_98 step %parallel_loop3A_99  : i32 {
      %parallel_loop3A_115 = arith.constant 20 : i32
      %parallel_loop3A_116 = arith.addi %parallel_loop3A_114, %parallel_loop3A_115 : i32
      %parallel_loop3A_117 = vector.broadcast %parallel_loop3A_116 : i32 to vector<16xi32>
      %parallel_loop3A_118 = arith.addi %parallel_loop3A_117, %iota3A : vector<16xi32>
      %parallel_loop3A_119 = tpu.vector_load_idx %arg6[%broadcast_in_dim3A_96, %parallel_loop3A_118] : memref<9x4096xf32, #tpu.memory_space<vmem>>[vector<16xi32>, vector<16xi32>], vector<16xf32>,
      %parallel_loop3A_120 = arith.constant 7 : i32
      %parallel_loop3A_121 = arith.index_cast %parallel_loop3A_120 : i32 to index
      %parallel_loop3A_122 = arith.index_cast %parallel_loop3A_114 : i32 to index
      %parallel_loop3A_123 = tpu.vector_load %arg7[%parallel_loop3A_121, %parallel_loop3A_122] {strides = array<i32>} : memref<9x4076xf32, #tpu.memory_space<vmem>>, vector<16xf32>,
      tpu.vector_store %arg7[%parallel_loop3A_121, %parallel_loop3A_122], %parallel_loop3A_119 {strides = array<i32>} : memref<9x4076xf32, #tpu.memory_space<vmem>>, vector<16xf32>,
    } {sc.loop_unroll_factor = 1 : i64, sc.parallel_access}
    %add3A_100 = arith.constant 4080 : i32
    %add3A_101 = vector.broadcast %add3A_100 : i32 to vector<16xi32>
    %add3A_102 = arith.addi %add3A_101, %iota3A : vector<16xi32>
    %gather3A_103 = tpu.vector_load_idx %arg6[%broadcast_in_dim3A_96, %add3A_102] : memref<9x4096xf32, #tpu.memory_space<vmem>>[vector<16xi32>, vector<16xi32>], vector<16xf32>,
    %swap3A_104 = arith.constant 7 : i32
    %swap3A_105 = arith.index_cast %swap3A_104 : i32 to index
    %swap3A_106 = arith.constant 4060 : index
    %swap3A_107 = tpu.vector_load %arg7[%swap3A_105, %swap3A_106] {strides = array<i32>} : memref<9x4076xf32, #tpu.memory_space<vmem>>, vector<16xf32>,
    tpu.vector_store %arg7[%swap3A_105, %swap3A_106], %gather3A_103 {strides = array<i32>} : memref<9x4076xf32, #tpu.memory_space<vmem>>, vector<16xf32>,
    "tpu.region"() ({
      %run_scoped3A = tpu.sem_alloc : memref<!tpu.dma_semaphore, #tpu.memory_space<semaphore_mem>>
      %dma_start3A = arith.constant 0 : i32
      %dma_start3A_114 = arith.constant 0 : i32
      %dma_start3A_115 = tpu.memref_slice %arg7[%dma_start3A, %dma_start3A_114] : memref<9x4076xf32, #tpu.memory_space<vmem>> -> memref<8x4076xf32, #tpu.memory_space<vmem>>
      %dma_start3A_116 = arith.constant 0 : i32
      %dma_start3A_117 = tpu.memref_slice %arg5[%multiple_of3A, %dma_start3A_116] : memref<513x4076xf32, #tpu.memory_space<hbm>> -> memref<8x4076xf32, #tpu.memory_space<hbm>>
      %dma_start3A_118 = arith.constant 0 : i32
      %dma_start3A_119 = tpu.memref_slice %arg5[%multiple_of3A, %dma_start3A_118] : memref<513x4076xf32, #tpu.memory_space<hbm>> -> memref<8x4076xf32, #tpu.memory_space<hbm>>
      %dma_start3A_120 = arith.constant 0 : i32
      %dma_start3A_121 = arith.constant 0 : i32
      %dma_start3A_122 = tpu.memref_slice %arg7[%dma_start3A_120, %dma_start3A_121] : memref<9x4076xf32, #tpu.memory_space<vmem>> -> memref<8x4076xf32, #tpu.memory_space<vmem>>
      tpu.enqueue_dma source(%dma_start3A_122 : memref<8x4076xf32, #tpu.memory_space<vmem>>) target(%dma_start3A_119 : memref<8x4076xf32, #tpu.memory_space<hbm>>) target_semaphore(%run_scoped3A : memref<!tpu.dma_semaphore, #tpu.memory_space<semaphore_mem>>)
      %dma_wait3A = arith.constant 0 : i32
      %dma_wait3A_123 = arith.constant 0 : i32
      %dma_wait3A_124 = tpu.memref_slice %arg7[%dma_wait3A, %dma_wait3A_123] : memref<9x4076xf32, #tpu.memory_space<vmem>> -> memref<8x4076xf32, #tpu.memory_space<vmem>>
      %dma_wait3A_125 = arith.constant 0 : i32
      %dma_wait3A_126 = tpu.memref_slice %arg5[%multiple_of3A, %dma_wait3A_125] : memref<513x4076xf32, #tpu.memory_space<hbm>> -> memref<8x4076xf32, #tpu.memory_space<hbm>>
      %dma_wait3A_127 = arith.constant 0 : i32
      %dma_wait3A_128 = tpu.memref_slice %arg5[%multiple_of3A, %dma_wait3A_127] : memref<513x4076xf32, #tpu.memory_space<hbm>> -> memref<8x4076xf32, #tpu.memory_space<hbm>>
      %dma_wait3A_129 = arith.constant 0 : i32
      %dma_wait3A_130 = arith.constant 0 : i32
      %dma_wait3A_131 = tpu.memref_slice %arg7[%dma_wait3A_129, %dma_wait3A_130] : memref<9x4076xf32, #tpu.memory_space<vmem>> -> memref<8x4076xf32, #tpu.memory_space<vmem>>
      tpu.wait_dma2 semaphore(%run_scoped3A : memref<!tpu.dma_semaphore, #tpu.memory_space<semaphore_mem>>) src(%dma_wait3A_131 : memref<8x4076xf32, #tpu.memory_space<vmem>>) dst(%dma_wait3A_128 : memref<8x4076xf32, #tpu.memory_space<hbm>>)
      tpu.yield
    }) : () -> ()
    %lt3A = arith.constant 31 : i32
    %lt3A_108 = arith.cmpi slt, %add3A, %lt3A : i32
    %convert_element_type3A = arith.extui %lt3A_108 : i1 to i32
    %cond3A = arith.constant 0 : i32
    %cond3A_109 = arith.cmpi ne, %convert_element_type3A, %cond3A : i32
    scf.if %cond3A_109 {
      %add3A_114 = arith.constant 32 : i32
      %add3A_115 = arith.addi %add3A, %add3A_114 : i32
      %mul3A_116 = arith.constant 8 : i32
      %mul3A_117 = arith.muli %mul3A_116, %add3A_115 : i32
      %multiple_of3A_118 = tpu.assume_multiple %mul3A_117, 8 : i32
      "tpu.region"() ({
        %run_scoped3A = tpu.sem_alloc : memref<!tpu.dma_semaphore, #tpu.memory_space<semaphore_mem>>
        %dma_start3A = arith.constant 0 : i32
        %dma_start3A_229 = arith.constant 0 : i32
        %dma_start3A_230 = tpu.memref_slice %arg6[%dma_start3A, %dma_start3A_229] : memref<9x4096xf32, #tpu.memory_space<vmem>> -> memref<8x4096xf32, #tpu.memory_space<vmem>>
        %dma_start3A_231 = arith.constant 0 : i32
        %dma_start3A_232 = tpu.memref_slice %arg2[%multiple_of3A_118, %dma_start3A_231] : memref<513x4096xf32, #tpu.memory_space<hbm>> -> memref<8x4096xf32, #tpu.memory_space<hbm>>
        %dma_start3A_233 = arith.constant 0 : i32
        %dma_start3A_234 = arith.constant 0 : i32
        %dma_start3A_235 = tpu.memref_slice %arg6[%dma_start3A_233, %dma_start3A_234] : memref<9x4096xf32, #tpu.memory_space<vmem>> -> memref<8x4096xf32, #tpu.memory_space<vmem>>
        %dma_start3A_236 = arith.constant 0 : i32
        %dma_start3A_237 = tpu.memref_slice %arg2[%multiple_of3A_118, %dma_start3A_236] : memref<513x4096xf32, #tpu.memory_space<hbm>> -> memref<8x4096xf32, #tpu.memory_space<hbm>>
        tpu.enqueue_dma source(%dma_start3A_237 : memref<8x4096xf32, #tpu.memory_space<hbm>>) target(%dma_start3A_235 : memref<8x4096xf32, #tpu.memory_space<vmem>>) target_semaphore(%run_scoped3A : memref<!tpu.dma_semaphore, #tpu.memory_space<semaphore_mem>>)
        %dma_wait3A = arith.constant 0 : i32
        %dma_wait3A_238 = arith.constant 0 : i32
        %dma_wait3A_239 = tpu.memref_slice %arg6[%dma_wait3A, %dma_wait3A_238] : memref<9x4096xf32, #tpu.memory_space<vmem>> -> memref<8x4096xf32, #tpu.memory_space<vmem>>
        %dma_wait3A_240 = arith.constant 0 : i32
        %dma_wait3A_241 = tpu.memref_slice %arg2[%multiple_of3A_118, %dma_wait3A_240] : memref<513x4096xf32, #tpu.memory_space<hbm>> -> memref<8x4096xf32, #tpu.memory_space<hbm>>
        %dma_wait3A_242 = arith.constant 0 : i32
        %dma_wait3A_243 = arith.constant 0 : i32
        %dma_wait3A_244 = tpu.memref_slice %arg6[%dma_wait3A_242, %dma_wait3A_243] : memref<9x4096xf32, #tpu.memory_space<vmem>> -> memref<8x4096xf32, #tpu.memory_space<vmem>>
        %dma_wait3A_245 = arith.constant 0 : i32
        %dma_wait3A_246 = tpu.memref_slice %arg2[%multiple_of3A_118, %dma_wait3A_245] : memref<513x4096xf32, #tpu.memory_space<hbm>> -> memref<8x4096xf32, #tpu.memory_space<hbm>>
        tpu.wait_dma2 semaphore(%run_scoped3A : memref<!tpu.dma_semaphore, #tpu.memory_space<semaphore_mem>>) src(%dma_wait3A_246 : memref<8x4096xf32, #tpu.memory_space<hbm>>) dst(%dma_wait3A_244 : memref<8x4096xf32, #tpu.memory_space<vmem>>)
        tpu.yield
      }) : () -> ()
      %scan3A_119 = arith.constant 0 : i32
      %scan3A_120 = arith.constant 0 : i32
      %scan3A_121 = arith.constant 20 : i32
      %scan3A_122 = arith.addi %scan3A_120, %scan3A_121 : i32
      %scan3A_123 = arith.constant 1 : i32
      scf.for %scan3A_229 = %scan3A_120 to %scan3A_122 step %scan3A_123  : i32 {
        %broadcast_in_dim3A_230 = arith.constant 0 : i32
        %broadcast_in_dim3A_231 = vector.broadcast %broadcast_in_dim3A_230 : i32 to vector<16xi32>
        %parallel_loop3A_232 = arith.constant 0 : i32
        %parallel_loop3A_233 = arith.constant 4064 : i32
        %parallel_loop3A_234 = arith.constant 16 : i32
        scf.for %parallel_loop3A_342 = %parallel_loop3A_232 to %parallel_loop3A_233 step %parallel_loop3A_234  : i32 {
          %parallel_loop3A_343 = arith.addi %parallel_loop3A_342, %scan3A_229 : i32
          %parallel_loop3A_344 = vector.broadcast %parallel_loop3A_343 : i32 to vector<16xi32>
          %parallel_loop3A_345 = arith.addi %parallel_loop3A_344, %iota3A : vector<16xi32>
          %parallel_loop3A_346 = tpu.vector_load_idx %arg6[%broadcast_in_dim3A_231, %parallel_loop3A_345] : memref<9x4096xf32, #tpu.memory_space<vmem>>[vector<16xi32>, vector<16xi32>], vector<16xf32>,
          %parallel_loop3A_347 = arith.constant 0 : i32
          %parallel_loop3A_348 = arith.index_cast %parallel_loop3A_347 : i32 to index
          %parallel_loop3A_349 = arith.index_cast %parallel_loop3A_342 : i32 to index
          %parallel_loop3A_350 = tpu.vector_load %arg7[%parallel_loop3A_348, %parallel_loop3A_349] {strides = array<i32>} : memref<9x4076xf32, #tpu.memory_space<vmem>>, vector<16xf32>,
          tpu.vector_store %arg7[%parallel_loop3A_348, %parallel_loop3A_349], %parallel_loop3A_346 {strides = array<i32>} : memref<9x4076xf32, #tpu.memory_space<vmem>>, vector<16xf32>,
        } {sc.loop_unroll_factor = 1 : i64, sc.parallel_access}
        %add3A_235 = arith.constant 4060 : i32
        %add3A_236 = arith.addi %add3A_235, %scan3A_229 : i32
        %add3A_237 = vector.broadcast %add3A_236 : i32 to vector<16xi32>
        %add3A_238 = arith.addi %add3A_237, %iota3A : vector<16xi32>
        %gather3A_239 = tpu.vector_load_idx %arg6[%broadcast_in_dim3A_231, %add3A_238] : memref<9x4096xf32, #tpu.memory_space<vmem>>[vector<16xi32>, vector<16xi32>], vector<16xf32>,
        %swap3A_240 = arith.constant 0 : i32
        %swap3A_241 = arith.index_cast %swap3A_240 : i32 to index
        %swap3A_242 = arith.constant 4060 : index
        %swap3A_243 = tpu.vector_load %arg7[%swap3A_241, %swap3A_242] {strides = array<i32>} : memref<9x4076xf32, #tpu.memory_space<vmem>>, vector<16xf32>,
        tpu.vector_store %arg7[%swap3A_241, %swap3A_242], %gather3A_239 {strides = array<i32>} : memref<9x4076xf32, #tpu.memory_space<vmem>>, vector<16xf32>,
        %broadcast_in_dim3A_244 = arith.constant 1 : i32
        %broadcast_in_dim3A_245 = vector.broadcast %broadcast_in_dim3A_244 : i32 to vector<16xi32>
        %parallel_loop3A_246 = arith.constant 0 : i32
        %parallel_loop3A_247 = arith.constant 4064 : i32
        %parallel_loop3A_248 = arith.constant 16 : i32
        scf.for %parallel_loop3A_342 = %parallel_loop3A_246 to %parallel_loop3A_247 step %parallel_loop3A_248  : i32 {
          %parallel_loop3A_343 = arith.addi %parallel_loop3A_342, %scan3A_229 : i32
          %parallel_loop3A_344 = vector.broadcast %parallel_loop3A_343 : i32 to vector<16xi32>
          %parallel_loop3A_345 = arith.addi %parallel_loop3A_344, %iota3A : vector<16xi32>
          %parallel_loop3A_346 = tpu.vector_load_idx %arg6[%broadcast_in_dim3A_245, %parallel_loop3A_345] : memref<9x4096xf32, #tpu.memory_space<vmem>>[vector<16xi32>, vector<16xi32>], vector<16xf32>,
          %parallel_loop3A_347 = arith.constant 1 : i32
          %parallel_loop3A_348 = arith.index_cast %parallel_loop3A_347 : i32 to index
          %parallel_loop3A_349 = arith.index_cast %parallel_loop3A_342 : i32 to index
          %parallel_loop3A_350 = tpu.vector_load %arg7[%parallel_loop3A_348, %parallel_loop3A_349] {strides = array<i32>} : memref<9x4076xf32, #tpu.memory_space<vmem>>, vector<16xf32>,
          tpu.vector_store %arg7[%parallel_loop3A_348, %parallel_loop3A_349], %parallel_loop3A_346 {strides = array<i32>} : memref<9x4076xf32, #tpu.memory_space<vmem>>, vector<16xf32>,
        } {sc.loop_unroll_factor = 1 : i64, sc.parallel_access}
        %add3A_249 = arith.constant 4060 : i32
        %add3A_250 = arith.addi %add3A_249, %scan3A_229 : i32
        %add3A_251 = vector.broadcast %add3A_250 : i32 to vector<16xi32>
        %add3A_252 = arith.addi %add3A_251, %iota3A : vector<16xi32>
        %gather3A_253 = tpu.vector_load_idx %arg6[%broadcast_in_dim3A_245, %add3A_252] : memref<9x4096xf32, #tpu.memory_space<vmem>>[vector<16xi32>, vector<16xi32>], vector<16xf32>,
        %swap3A_254 = arith.constant 1 : i32
        %swap3A_255 = arith.index_cast %swap3A_254 : i32 to index
        %swap3A_256 = arith.constant 4060 : index
        %swap3A_257 = tpu.vector_load %arg7[%swap3A_255, %swap3A_256] {strides = array<i32>} : memref<9x4076xf32, #tpu.memory_space<vmem>>, vector<16xf32>,
        tpu.vector_store %arg7[%swap3A_255, %swap3A_256], %gather3A_253 {strides = array<i32>} : memref<9x4076xf32, #tpu.memory_space<vmem>>, vector<16xf32>,
        %broadcast_in_dim3A_258 = arith.constant 2 : i32
        %broadcast_in_dim3A_259 = vector.broadcast %broadcast_in_dim3A_258 : i32 to vector<16xi32>
        %parallel_loop3A_260 = arith.constant 0 : i32
        %parallel_loop3A_261 = arith.constant 4064 : i32
        %parallel_loop3A_262 = arith.constant 16 : i32
        scf.for %parallel_loop3A_342 = %parallel_loop3A_260 to %parallel_loop3A_261 step %parallel_loop3A_262  : i32 {
          %parallel_loop3A_343 = arith.addi %parallel_loop3A_342, %scan3A_229 : i32
          %parallel_loop3A_344 = vector.broadcast %parallel_loop3A_343 : i32 to vector<16xi32>
          %parallel_loop3A_345 = arith.addi %parallel_loop3A_344, %iota3A : vector<16xi32>
          %parallel_loop3A_346 = tpu.vector_load_idx %arg6[%broadcast_in_dim3A_259, %parallel_loop3A_345] : memref<9x4096xf32, #tpu.memory_space<vmem>>[vector<16xi32>, vector<16xi32>], vector<16xf32>,
          %parallel_loop3A_347 = arith.constant 2 : i32
          %parallel_loop3A_348 = arith.index_cast %parallel_loop3A_347 : i32 to index
          %parallel_loop3A_349 = arith.index_cast %parallel_loop3A_342 : i32 to index
          %parallel_loop3A_350 = tpu.vector_load %arg7[%parallel_loop3A_348, %parallel_loop3A_349] {strides = array<i32>} : memref<9x4076xf32, #tpu.memory_space<vmem>>, vector<16xf32>,
          tpu.vector_store %arg7[%parallel_loop3A_348, %parallel_loop3A_349], %parallel_loop3A_346 {strides = array<i32>} : memref<9x4076xf32, #tpu.memory_space<vmem>>, vector<16xf32>,
        } {sc.loop_unroll_factor = 1 : i64, sc.parallel_access}
        %add3A_263 = arith.constant 4060 : i32
        %add3A_264 = arith.addi %add3A_263, %scan3A_229 : i32
        %add3A_265 = vector.broadcast %add3A_264 : i32 to vector<16xi32>
        %add3A_266 = arith.addi %add3A_265, %iota3A : vector<16xi32>
        %gather3A_267 = tpu.vector_load_idx %arg6[%broadcast_in_dim3A_259, %add3A_266] : memref<9x4096xf32, #tpu.memory_space<vmem>>[vector<16xi32>, vector<16xi32>], vector<16xf32>,
        %swap3A_268 = arith.constant 2 : i32
        %swap3A_269 = arith.index_cast %swap3A_268 : i32 to index
        %swap3A_270 = arith.constant 4060 : index
        %swap3A_271 = tpu.vector_load %arg7[%swap3A_269, %swap3A_270] {strides = array<i32>} : memref<9x4076xf32, #tpu.memory_space<vmem>>, vector<16xf32>,
        tpu.vector_store %arg7[%swap3A_269, %swap3A_270], %gather3A_267 {strides = array<i32>} : memref<9x4076xf32, #tpu.memory_space<vmem>>, vector<16xf32>,
        %broadcast_in_dim3A_272 = arith.constant 3 : i32
        %broadcast_in_dim3A_273 = vector.broadcast %broadcast_in_dim3A_272 : i32 to vector<16xi32>
        %parallel_loop3A_274 = arith.constant 0 : i32
        %parallel_loop3A_275 = arith.constant 4064 : i32
        %parallel_loop3A_276 = arith.constant 16 : i32
        scf.for %parallel_loop3A_342 = %parallel_loop3A_274 to %parallel_loop3A_275 step %parallel_loop3A_276  : i32 {
          %parallel_loop3A_343 = arith.addi %parallel_loop3A_342, %scan3A_229 : i32
          %parallel_loop3A_344 = vector.broadcast %parallel_loop3A_343 : i32 to vector<16xi32>
          %parallel_loop3A_345 = arith.addi %parallel_loop3A_344, %iota3A : vector<16xi32>
          %parallel_loop3A_346 = tpu.vector_load_idx %arg6[%broadcast_in_dim3A_273, %parallel_loop3A_345] : memref<9x4096xf32, #tpu.memory_space<vmem>>[vector<16xi32>, vector<16xi32>], vector<16xf32>,
          %parallel_loop3A_347 = arith.constant 3 : i32
          %parallel_loop3A_348 = arith.index_cast %parallel_loop3A_347 : i32 to index
          %parallel_loop3A_349 = arith.index_cast %parallel_loop3A_342 : i32 to index
          %parallel_loop3A_350 = tpu.vector_load %arg7[%parallel_loop3A_348, %parallel_loop3A_349] {strides = array<i32>} : memref<9x4076xf32, #tpu.memory_space<vmem>>, vector<16xf32>,
          tpu.vector_store %arg7[%parallel_loop3A_348, %parallel_loop3A_349], %parallel_loop3A_346 {strides = array<i32>} : memref<9x4076xf32, #tpu.memory_space<vmem>>, vector<16xf32>,
        } {sc.loop_unroll_factor = 1 : i64, sc.parallel_access}
        %add3A_277 = arith.constant 4060 : i32
        %add3A_278 = arith.addi %add3A_277, %scan3A_229 : i32
        %add3A_279 = vector.broadcast %add3A_278 : i32 to vector<16xi32>
        %add3A_280 = arith.addi %add3A_279, %iota3A : vector<16xi32>
        %gather3A_281 = tpu.vector_load_idx %arg6[%broadcast_in_dim3A_273, %add3A_280] : memref<9x4096xf32, #tpu.memory_space<vmem>>[vector<16xi32>, vector<16xi32>], vector<16xf32>,
        %swap3A_282 = arith.constant 3 : i32
        %swap3A_283 = arith.index_cast %swap3A_282 : i32 to index
        %swap3A_284 = arith.constant 4060 : index
        %swap3A_285 = tpu.vector_load %arg7[%swap3A_283, %swap3A_284] {strides = array<i32>} : memref<9x4076xf32, #tpu.memory_space<vmem>>, vector<16xf32>,
        tpu.vector_store %arg7[%swap3A_283, %swap3A_284], %gather3A_281 {strides = array<i32>} : memref<9x4076xf32, #tpu.memory_space<vmem>>, vector<16xf32>,
        %broadcast_in_dim3A_286 = arith.constant 4 : i32
        %broadcast_in_dim3A_287 = vector.broadcast %broadcast_in_dim3A_286 : i32 to vector<16xi32>
        %parallel_loop3A_288 = arith.constant 0 : i32
        %parallel_loop3A_289 = arith.constant 4064 : i32
        %parallel_loop3A_290 = arith.constant 16 : i32
        scf.for %parallel_loop3A_342 = %parallel_loop3A_288 to %parallel_loop3A_289 step %parallel_loop3A_290  : i32 {
          %parallel_loop3A_343 = arith.addi %parallel_loop3A_342, %scan3A_229 : i32
          %parallel_loop3A_344 = vector.broadcast %parallel_loop3A_343 : i32 to vector<16xi32>
          %parallel_loop3A_345 = arith.addi %parallel_loop3A_344, %iota3A : vector<16xi32>
          %parallel_loop3A_346 = tpu.vector_load_idx %arg6[%broadcast_in_dim3A_287, %parallel_loop3A_345] : memref<9x4096xf32, #tpu.memory_space<vmem>>[vector<16xi32>, vector<16xi32>], vector<16xf32>,
          %parallel_loop3A_347 = arith.constant 4 : i32
          %parallel_loop3A_348 = arith.index_cast %parallel_loop3A_347 : i32 to index
          %parallel_loop3A_349 = arith.index_cast %parallel_loop3A_342 : i32 to index
          %parallel_loop3A_350 = tpu.vector_load %arg7[%parallel_loop3A_348, %parallel_loop3A_349] {strides = array<i32>} : memref<9x4076xf32, #tpu.memory_space<vmem>>, vector<16xf32>,
          tpu.vector_store %arg7[%parallel_loop3A_348, %parallel_loop3A_349], %parallel_loop3A_346 {strides = array<i32>} : memref<9x4076xf32, #tpu.memory_space<vmem>>, vector<16xf32>,
        } {sc.loop_unroll_factor = 1 : i64, sc.parallel_access}
        %add3A_291 = arith.constant 4060 : i32
        %add3A_292 = arith.addi %add3A_291, %scan3A_229 : i32
        %add3A_293 = vector.broadcast %add3A_292 : i32 to vector<16xi32>
        %add3A_294 = arith.addi %add3A_293, %iota3A : vector<16xi32>
        %gather3A_295 = tpu.vector_load_idx %arg6[%broadcast_in_dim3A_287, %add3A_294] : memref<9x4096xf32, #tpu.memory_space<vmem>>[vector<16xi32>, vector<16xi32>], vector<16xf32>,
        %swap3A_296 = arith.constant 4 : i32
        %swap3A_297 = arith.index_cast %swap3A_296 : i32 to index
        %swap3A_298 = arith.constant 4060 : index
        %swap3A_299 = tpu.vector_load %arg7[%swap3A_297, %swap3A_298] {strides = array<i32>} : memref<9x4076xf32, #tpu.memory_space<vmem>>, vector<16xf32>,
        tpu.vector_store %arg7[%swap3A_297, %swap3A_298], %gather3A_295 {strides = array<i32>} : memref<9x4076xf32, #tpu.memory_space<vmem>>, vector<16xf32>,
        %broadcast_in_dim3A_300 = arith.constant 5 : i32
        %broadcast_in_dim3A_301 = vector.broadcast %broadcast_in_dim3A_300 : i32 to vector<16xi32>
        %parallel_loop3A_302 = arith.constant 0 : i32
        %parallel_loop3A_303 = arith.constant 4064 : i32
        %parallel_loop3A_304 = arith.constant 16 : i32
        scf.for %parallel_loop3A_342 = %parallel_loop3A_302 to %parallel_loop3A_303 step %parallel_loop3A_304  : i32 {
          %parallel_loop3A_343 = arith.addi %parallel_loop3A_342, %scan3A_229 : i32
          %parallel_loop3A_344 = vector.broadcast %parallel_loop3A_343 : i32 to vector<16xi32>
          %parallel_loop3A_345 = arith.addi %parallel_loop3A_344, %iota3A : vector<16xi32>
          %parallel_loop3A_346 = tpu.vector_load_idx %arg6[%broadcast_in_dim3A_301, %parallel_loop3A_345] : memref<9x4096xf32, #tpu.memory_space<vmem>>[vector<16xi32>, vector<16xi32>], vector<16xf32>,
          %parallel_loop3A_347 = arith.constant 5 : i32
          %parallel_loop3A_348 = arith.index_cast %parallel_loop3A_347 : i32 to index
          %parallel_loop3A_349 = arith.index_cast %parallel_loop3A_342 : i32 to index
          %parallel_loop3A_350 = tpu.vector_load %arg7[%parallel_loop3A_348, %parallel_loop3A_349] {strides = array<i32>} : memref<9x4076xf32, #tpu.memory_space<vmem>>, vector<16xf32>,
          tpu.vector_store %arg7[%parallel_loop3A_348, %parallel_loop3A_349], %parallel_loop3A_346 {strides = array<i32>} : memref<9x4076xf32, #tpu.memory_space<vmem>>, vector<16xf32>,
        } {sc.loop_unroll_factor = 1 : i64, sc.parallel_access}
        %add3A_305 = arith.constant 4060 : i32
        %add3A_306 = arith.addi %add3A_305, %scan3A_229 : i32
        %add3A_307 = vector.broadcast %add3A_306 : i32 to vector<16xi32>
        %add3A_308 = arith.addi %add3A_307, %iota3A : vector<16xi32>
        %gather3A_309 = tpu.vector_load_idx %arg6[%broadcast_in_dim3A_301, %add3A_308] : memref<9x4096xf32, #tpu.memory_space<vmem>>[vector<16xi32>, vector<16xi32>], vector<16xf32>,
        %swap3A_310 = arith.constant 5 : i32
        %swap3A_311 = arith.index_cast %swap3A_310 : i32 to index
        %swap3A_312 = arith.constant 4060 : index
        %swap3A_313 = tpu.vector_load %arg7[%swap3A_311, %swap3A_312] {strides = array<i32>} : memref<9x4076xf32, #tpu.memory_space<vmem>>, vector<16xf32>,
        tpu.vector_store %arg7[%swap3A_311, %swap3A_312], %gather3A_309 {strides = array<i32>} : memref<9x4076xf32, #tpu.memory_space<vmem>>, vector<16xf32>,
        %broadcast_in_dim3A_314 = arith.constant 6 : i32
        %broadcast_in_dim3A_315 = vector.broadcast %broadcast_in_dim3A_314 : i32 to vector<16xi32>
        %parallel_loop3A_316 = arith.constant 0 : i32
        %parallel_loop3A_317 = arith.constant 4064 : i32
        %parallel_loop3A_318 = arith.constant 16 : i32
        scf.for %parallel_loop3A_342 = %parallel_loop3A_316 to %parallel_loop3A_317 step %parallel_loop3A_318  : i32 {
          %parallel_loop3A_343 = arith.addi %parallel_loop3A_342, %scan3A_229 : i32
          %parallel_loop3A_344 = vector.broadcast %parallel_loop3A_343 : i32 to vector<16xi32>
          %parallel_loop3A_345 = arith.addi %parallel_loop3A_344, %iota3A : vector<16xi32>
          %parallel_loop3A_346 = tpu.vector_load_idx %arg6[%broadcast_in_dim3A_315, %parallel_loop3A_345] : memref<9x4096xf32, #tpu.memory_space<vmem>>[vector<16xi32>, vector<16xi32>], vector<16xf32>,
          %parallel_loop3A_347 = arith.constant 6 : i32
          %parallel_loop3A_348 = arith.index_cast %parallel_loop3A_347 : i32 to index
          %parallel_loop3A_349 = arith.index_cast %parallel_loop3A_342 : i32 to index
          %parallel_loop3A_350 = tpu.vector_load %arg7[%parallel_loop3A_348, %parallel_loop3A_349] {strides = array<i32>} : memref<9x4076xf32, #tpu.memory_space<vmem>>, vector<16xf32>,
          tpu.vector_store %arg7[%parallel_loop3A_348, %parallel_loop3A_349], %parallel_loop3A_346 {strides = array<i32>} : memref<9x4076xf32, #tpu.memory_space<vmem>>, vector<16xf32>,
        } {sc.loop_unroll_factor = 1 : i64, sc.parallel_access}
        %add3A_319 = arith.constant 4060 : i32
        %add3A_320 = arith.addi %add3A_319, %scan3A_229 : i32
        %add3A_321 = vector.broadcast %add3A_320 : i32 to vector<16xi32>
        %add3A_322 = arith.addi %add3A_321, %iota3A : vector<16xi32>
        %gather3A_323 = tpu.vector_load_idx %arg6[%broadcast_in_dim3A_315, %add3A_322] : memref<9x4096xf32, #tpu.memory_space<vmem>>[vector<16xi32>, vector<16xi32>], vector<16xf32>,
        %swap3A_324 = arith.constant 6 : i32
        %swap3A_325 = arith.index_cast %swap3A_324 : i32 to index
        %swap3A_326 = arith.constant 4060 : index
        %swap3A_327 = tpu.vector_load %arg7[%swap3A_325, %swap3A_326] {strides = array<i32>} : memref<9x4076xf32, #tpu.memory_space<vmem>>, vector<16xf32>,
        tpu.vector_store %arg7[%swap3A_325, %swap3A_326], %gather3A_323 {strides = array<i32>} : memref<9x4076xf32, #tpu.memory_space<vmem>>, vector<16xf32>,
        %broadcast_in_dim3A_328 = arith.constant 7 : i32
        %broadcast_in_dim3A_329 = vector.broadcast %broadcast_in_dim3A_328 : i32 to vector<16xi32>
        %parallel_loop3A_330 = arith.constant 0 : i32
        %parallel_loop3A_331 = arith.constant 4064 : i32
        %parallel_loop3A_332 = arith.constant 16 : i32
        scf.for %parallel_loop3A_342 = %parallel_loop3A_330 to %parallel_loop3A_331 step %parallel_loop3A_332  : i32 {
          %parallel_loop3A_343 = arith.addi %parallel_loop3A_342, %scan3A_229 : i32
          %parallel_loop3A_344 = vector.broadcast %parallel_loop3A_343 : i32 to vector<16xi32>
          %parallel_loop3A_345 = arith.addi %parallel_loop3A_344, %iota3A : vector<16xi32>
          %parallel_loop3A_346 = tpu.vector_load_idx %arg6[%broadcast_in_dim3A_329, %parallel_loop3A_345] : memref<9x4096xf32, #tpu.memory_space<vmem>>[vector<16xi32>, vector<16xi32>], vector<16xf32>,
          %parallel_loop3A_347 = arith.constant 7 : i32
          %parallel_loop3A_348 = arith.index_cast %parallel_loop3A_347 : i32 to index
          %parallel_loop3A_349 = arith.index_cast %parallel_loop3A_342 : i32 to index
          %parallel_loop3A_350 = tpu.vector_load %arg7[%parallel_loop3A_348, %parallel_loop3A_349] {strides = array<i32>} : memref<9x4076xf32, #tpu.memory_space<vmem>>, vector<16xf32>,
          tpu.vector_store %arg7[%parallel_loop3A_348, %parallel_loop3A_349], %parallel_loop3A_346 {strides = array<i32>} : memref<9x4076xf32, #tpu.memory_space<vmem>>, vector<16xf32>,
        } {sc.loop_unroll_factor = 1 : i64, sc.parallel_access}
        %add3A_333 = arith.constant 4060 : i32
        %add3A_334 = arith.addi %add3A_333, %scan3A_229 : i32
        %add3A_335 = vector.broadcast %add3A_334 : i32 to vector<16xi32>
        %add3A_336 = arith.addi %add3A_335, %iota3A : vector<16xi32>
        %gather3A_337 = tpu.vector_load_idx %arg6[%broadcast_in_dim3A_329, %add3A_336] : memref<9x4096xf32, #tpu.memory_space<vmem>>[vector<16xi32>, vector<16xi32>], vector<16xf32>,
        %swap3A_338 = arith.constant 7 : i32
        %swap3A_339 = arith.index_cast %swap3A_338 : i32 to index
        %swap3A_340 = arith.constant 4060 : index
        %swap3A_341 = tpu.vector_load %arg7[%swap3A_339, %swap3A_340] {strides = array<i32>} : memref<9x4076xf32, #tpu.memory_space<vmem>>, vector<16xf32>,
        tpu.vector_store %arg7[%swap3A_339, %swap3A_340], %gather3A_337 {strides = array<i32>} : memref<9x4076xf32, #tpu.memory_space<vmem>>, vector<16xf32>,
        "tpu.region"() ({
          %run_scoped3A = tpu.sem_alloc : memref<!tpu.dma_semaphore, #tpu.memory_space<semaphore_mem>>
          %dma_start3A = arith.constant 0 : i32
          %dma_start3A_342 = arith.constant 0 : i32
          %dma_start3A_343 = tpu.memref_slice %arg7[%dma_start3A, %dma_start3A_342] : memref<9x4076xf32, #tpu.memory_space<vmem>> -> memref<8x4076xf32, #tpu.memory_space<vmem>>
          %dma_start3A_344 = arith.constant 0 : i32
          %dma_start3A_345 = tpu.memref_slice %arg4[%scan3A_229, %multiple_of3A_118, %dma_start3A_344] : memref<20x513x4076xf32, #tpu.memory_space<hbm>> -> memref<1x8x4076xf32, #tpu.memory_space<hbm>>
          %dma_start3A_346 = tpu.memref_squeeze %dma_start3A_345 : memref<1x8x4076xf32, #tpu.memory_space<hbm>> -> memref<8x4076xf32, #tpu.memory_space<hbm>>
          %dma_start3A_347 = arith.constant 0 : i32
          %dma_start3A_348 = tpu.memref_slice %arg4[%scan3A_229, %multiple_of3A_118, %dma_start3A_347] : memref<20x513x4076xf32, #tpu.memory_space<hbm>> -> memref<1x8x4076xf32, #tpu.memory_space<hbm>>
          %dma_start3A_349 = tpu.memref_squeeze %dma_start3A_348 : memref<1x8x4076xf32, #tpu.memory_space<hbm>> -> memref<8x4076xf32, #tpu.memory_space<hbm>>
          %dma_start3A_350 = arith.constant 0 : i32
          %dma_start3A_351 = arith.constant 0 : i32
          %dma_start3A_352 = tpu.memref_slice %arg7[%dma_start3A_350, %dma_start3A_351] : memref<9x4076xf32, #tpu.memory_space<vmem>> -> memref<8x4076xf32, #tpu.memory_space<vmem>>
          tpu.enqueue_dma source(%dma_start3A_352 : memref<8x4076xf32, #tpu.memory_space<vmem>>) target(%dma_start3A_349 : memref<8x4076xf32, #tpu.memory_space<hbm>>) target_semaphore(%run_scoped3A : memref<!tpu.dma_semaphore, #tpu.memory_space<semaphore_mem>>)
          %dma_wait3A = arith.constant 0 : i32
          %dma_wait3A_353 = arith.constant 0 : i32
          %dma_wait3A_354 = tpu.memref_slice %arg7[%dma_wait3A, %dma_wait3A_353] : memref<9x4076xf32, #tpu.memory_space<vmem>> -> memref<8x4076xf32, #tpu.memory_space<vmem>>
          %dma_wait3A_355 = arith.constant 0 : i32
          %dma_wait3A_356 = tpu.memref_slice %arg4[%scan3A_229, %multiple_of3A_118, %dma_wait3A_355] : memref<20x513x4076xf32, #tpu.memory_space<hbm>> -> memref<1x8x4076xf32, #tpu.memory_space<hbm>>
          %dma_wait3A_357 = tpu.memref_squeeze %dma_wait3A_356 : memref<1x8x4076xf32, #tpu.memory_space<hbm>> -> memref<8x4076xf32, #tpu.memory_space<hbm>>
          %dma_wait3A_358 = arith.constant 0 : i32
          %dma_wait3A_359 = tpu.memref_slice %arg4[%scan3A_229, %multiple_of3A_118, %dma_wait3A_358] : memref<20x513x4076xf32, #tpu.memory_space<hbm>> -> memref<1x8x4076xf32, #tpu.memory_space<hbm>>
          %dma_wait3A_360 = tpu.memref_squeeze %dma_wait3A_359 : memref<1x8x4076xf32, #tpu.memory_space<hbm>> -> memref<8x4076xf32, #tpu.memory_space<hbm>>
          %dma_wait3A_361 = arith.constant 0 : i32
          %dma_wait3A_362 = arith.constant 0 : i32
          %dma_wait3A_363 = tpu.memref_slice %arg7[%dma_wait3A_361, %dma_wait3A_362] : memref<9x4076xf32, #tpu.memory_space<vmem>> -> memref<8x4076xf32, #tpu.memory_space<vmem>>
          tpu.wait_dma2 semaphore(%run_scoped3A : memref<!tpu.dma_semaphore, #tpu.memory_space<semaphore_mem>>) src(%dma_wait3A_363 : memref<8x4076xf32, #tpu.memory_space<vmem>>) dst(%dma_wait3A_360 : memref<8x4076xf32, #tpu.memory_space<hbm>>)
          tpu.yield
        }) : () -> ()
      }
      %scan3A_124 = arith.constant 20 : i32
      "tpu.region"() ({
        %run_scoped3A = tpu.sem_alloc : memref<!tpu.dma_semaphore, #tpu.memory_space<semaphore_mem>>
        %dma_start3A = arith.constant 0 : i32
        %dma_start3A_229 = arith.constant 0 : i32
        %dma_start3A_230 = tpu.memref_slice %arg6[%dma_start3A, %dma_start3A_229] : memref<9x4096xf32, #tpu.memory_space<vmem>> -> memref<8x4096xf32, #tpu.memory_space<vmem>>
        %dma_start3A_231 = arith.constant 0 : i32
        %dma_start3A_232 = tpu.memref_slice %arg3[%multiple_of3A_118, %dma_start3A_231] : memref<513x4096xf32, #tpu.memory_space<hbm>> -> memref<8x4096xf32, #tpu.memory_space<hbm>>
        %dma_start3A_233 = arith.constant 0 : i32
        %dma_start3A_234 = arith.constant 0 : i32
        %dma_start3A_235 = tpu.memref_slice %arg6[%dma_start3A_233, %dma_start3A_234] : memref<9x4096xf32, #tpu.memory_space<vmem>> -> memref<8x4096xf32, #tpu.memory_space<vmem>>
        %dma_start3A_236 = arith.constant 0 : i32
        %dma_start3A_237 = tpu.memref_slice %arg3[%multiple_of3A_118, %dma_start3A_236] : memref<513x4096xf32, #tpu.memory_space<hbm>> -> memref<8x4096xf32, #tpu.memory_space<hbm>>
        tpu.enqueue_dma source(%dma_start3A_237 : memref<8x4096xf32, #tpu.memory_space<hbm>>) target(%dma_start3A_235 : memref<8x4096xf32, #tpu.memory_space<vmem>>) target_semaphore(%run_scoped3A : memref<!tpu.dma_semaphore, #tpu.memory_space<semaphore_mem>>)
        %dma_wait3A = arith.constant 0 : i32
        %dma_wait3A_238 = arith.constant 0 : i32
        %dma_wait3A_239 = tpu.memref_slice %arg6[%dma_wait3A, %dma_wait3A_238] : memref<9x4096xf32, #tpu.memory_space<vmem>> -> memref<8x4096xf32, #tpu.memory_space<vmem>>
        %dma_wait3A_240 = arith.constant 0 : i32
        %dma_wait3A_241 = tpu.memref_slice %arg3[%multiple_of3A_118, %dma_wait3A_240] : memref<513x4096xf32, #tpu.memory_space<hbm>> -> memref<8x4096xf32, #tpu.memory_space<hbm>>
        %dma_wait3A_242 = arith.constant 0 : i32
        %dma_wait3A_243 = arith.constant 0 : i32
        %dma_wait3A_244 = tpu.memref_slice %arg6[%dma_wait3A_242, %dma_wait3A_243] : memref<9x4096xf32, #tpu.memory_space<vmem>> -> memref<8x4096xf32, #tpu.memory_space<vmem>>
        %dma_wait3A_245 = arith.constant 0 : i32
        %dma_wait3A_246 = tpu.memref_slice %arg3[%multiple_of3A_118, %dma_wait3A_245] : memref<513x4096xf32, #tpu.memory_space<hbm>> -> memref<8x4096xf32, #tpu.memory_space<hbm>>
        tpu.wait_dma2 semaphore(%run_scoped3A : memref<!tpu.dma_semaphore, #tpu.memory_space<semaphore_mem>>) src(%dma_wait3A_246 : memref<8x4096xf32, #tpu.memory_space<hbm>>) dst(%dma_wait3A_244 : memref<8x4096xf32, #tpu.memory_space<vmem>>)
        tpu.yield
      }) : () -> ()
      %broadcast_in_dim3A_125 = arith.constant 0 : i32
      %broadcast_in_dim3A_126 = vector.broadcast %broadcast_in_dim3A_125 : i32 to vector<16xi32>
      %parallel_loop3A_127 = arith.constant 0 : i32
      %parallel_loop3A_128 = arith.constant 4064 : i32
      %parallel_loop3A_129 = arith.constant 16 : i32
      scf.for %parallel_loop3A_229 = %parallel_loop3A_127 to %parallel_loop3A_128 step %parallel_loop3A_129  : i32 {
        %parallel_loop3A_230 = arith.constant 20 : i32
        %parallel_loop3A_231 = arith.addi %parallel_loop3A_229, %parallel_loop3A_230 : i32
        %parallel_loop3A_232 = vector.broadcast %parallel_loop3A_231 : i32 to vector<16xi32>
        %parallel_loop3A_233 = arith.addi %parallel_loop3A_232, %iota3A : vector<16xi32>
        %parallel_loop3A_234 = tpu.vector_load_idx %arg6[%broadcast_in_dim3A_126, %parallel_loop3A_233] : memref<9x4096xf32, #tpu.memory_space<vmem>>[vector<16xi32>, vector<16xi32>], vector<16xf32>,
        %parallel_loop3A_235 = arith.constant 0 : i32
        %parallel_loop3A_236 = arith.index_cast %parallel_loop3A_235 : i32 to index
        %parallel_loop3A_237 = arith.index_cast %parallel_loop3A_229 : i32 to index
        %parallel_loop3A_238 = tpu.vector_load %arg7[%parallel_loop3A_236, %parallel_loop3A_237] {strides = array<i32>} : memref<9x4076xf32, #tpu.memory_space<vmem>>, vector<16xf32>,
        tpu.vector_store %arg7[%parallel_loop3A_236, %parallel_loop3A_237], %parallel_loop3A_234 {strides = array<i32>} : memref<9x4076xf32, #tpu.memory_space<vmem>>, vector<16xf32>,
      } {sc.loop_unroll_factor = 1 : i64, sc.parallel_access}
      %add3A_130 = arith.constant 4080 : i32
      %add3A_131 = vector.broadcast %add3A_130 : i32 to vector<16xi32>
      %add3A_132 = arith.addi %add3A_131, %iota3A : vector<16xi32>
      %gather3A_133 = tpu.vector_load_idx %arg6[%broadcast_in_dim3A_126, %add3A_132] : memref<9x4096xf32, #tpu.memory_space<vmem>>[vector<16xi32>, vector<16xi32>], vector<16xf32>,
      %swap3A_134 = arith.constant 0 : i32
      %swap3A_135 = arith.index_cast %swap3A_134 : i32 to index
      %swap3A_136 = arith.constant 4060 : index
      %swap3A_137 = tpu.vector_load %arg7[%swap3A_135, %swap3A_136] {strides = array<i32>} : memref<9x4076xf32, #tpu.memory_space<vmem>>, vector<16xf32>,
      tpu.vector_store %arg7[%swap3A_135, %swap3A_136], %gather3A_133 {strides = array<i32>} : memref<9x4076xf32, #tpu.memory_space<vmem>>, vector<16xf32>,
      %broadcast_in_dim3A_138 = arith.constant 1 : i32
      %broadcast_in_dim3A_139 = vector.broadcast %broadcast_in_dim3A_138 : i32 to vector<16xi32>
      %parallel_loop3A_140 = arith.constant 0 : i32
      %parallel_loop3A_141 = arith.constant 4064 : i32
      %parallel_loop3A_142 = arith.constant 16 : i32
      scf.for %parallel_loop3A_229 = %parallel_loop3A_140 to %parallel_loop3A_141 step %parallel_loop3A_142  : i32 {
        %parallel_loop3A_230 = arith.constant 20 : i32
        %parallel_loop3A_231 = arith.addi %parallel_loop3A_229, %parallel_loop3A_230 : i32
        %parallel_loop3A_232 = vector.broadcast %parallel_loop3A_231 : i32 to vector<16xi32>
        %parallel_loop3A_233 = arith.addi %parallel_loop3A_232, %iota3A : vector<16xi32>
        %parallel_loop3A_234 = tpu.vector_load_idx %arg6[%broadcast_in_dim3A_139, %parallel_loop3A_233] : memref<9x4096xf32, #tpu.memory_space<vmem>>[vector<16xi32>, vector<16xi32>], vector<16xf32>,
        %parallel_loop3A_235 = arith.constant 1 : i32
        %parallel_loop3A_236 = arith.index_cast %parallel_loop3A_235 : i32 to index
        %parallel_loop3A_237 = arith.index_cast %parallel_loop3A_229 : i32 to index
        %parallel_loop3A_238 = tpu.vector_load %arg7[%parallel_loop3A_236, %parallel_loop3A_237] {strides = array<i32>} : memref<9x4076xf32, #tpu.memory_space<vmem>>, vector<16xf32>,
        tpu.vector_store %arg7[%parallel_loop3A_236, %parallel_loop3A_237], %parallel_loop3A_234 {strides = array<i32>} : memref<9x4076xf32, #tpu.memory_space<vmem>>, vector<16xf32>,
      } {sc.loop_unroll_factor = 1 : i64, sc.parallel_access}
      %add3A_143 = arith.constant 4080 : i32
      %add3A_144 = vector.broadcast %add3A_143 : i32 to vector<16xi32>
      %add3A_145 = arith.addi %add3A_144, %iota3A : vector<16xi32>
      %gather3A_146 = tpu.vector_load_idx %arg6[%broadcast_in_dim3A_139, %add3A_145] : memref<9x4096xf32, #tpu.memory_space<vmem>>[vector<16xi32>, vector<16xi32>], vector<16xf32>,
      %swap3A_147 = arith.constant 1 : i32
      %swap3A_148 = arith.index_cast %swap3A_147 : i32 to index
      %swap3A_149 = arith.constant 4060 : index
      %swap3A_150 = tpu.vector_load %arg7[%swap3A_148, %swap3A_149] {strides = array<i32>} : memref<9x4076xf32, #tpu.memory_space<vmem>>, vector<16xf32>,
      tpu.vector_store %arg7[%swap3A_148, %swap3A_149], %gather3A_146 {strides = array<i32>} : memref<9x4076xf32, #tpu.memory_space<vmem>>, vector<16xf32>,
      %broadcast_in_dim3A_151 = arith.constant 2 : i32
      %broadcast_in_dim3A_152 = vector.broadcast %broadcast_in_dim3A_151 : i32 to vector<16xi32>
      %parallel_loop3A_153 = arith.constant 0 : i32
      %parallel_loop3A_154 = arith.constant 4064 : i32
      %parallel_loop3A_155 = arith.constant 16 : i32
      scf.for %parallel_loop3A_229 = %parallel_loop3A_153 to %parallel_loop3A_154 step %parallel_loop3A_155  : i32 {
        %parallel_loop3A_230 = arith.constant 20 : i32
        %parallel_loop3A_231 = arith.addi %parallel_loop3A_229, %parallel_loop3A_230 : i32
        %parallel_loop3A_232 = vector.broadcast %parallel_loop3A_231 : i32 to vector<16xi32>
        %parallel_loop3A_233 = arith.addi %parallel_loop3A_232, %iota3A : vector<16xi32>
        %parallel_loop3A_234 = tpu.vector_load_idx %arg6[%broadcast_in_dim3A_152, %parallel_loop3A_233] : memref<9x4096xf32, #tpu.memory_space<vmem>>[vector<16xi32>, vector<16xi32>], vector<16xf32>,
        %parallel_loop3A_235 = arith.constant 2 : i32
        %parallel_loop3A_236 = arith.index_cast %parallel_loop3A_235 : i32 to index
        %parallel_loop3A_237 = arith.index_cast %parallel_loop3A_229 : i32 to index
        %parallel_loop3A_238 = tpu.vector_load %arg7[%parallel_loop3A_236, %parallel_loop3A_237] {strides = array<i32>} : memref<9x4076xf32, #tpu.memory_space<vmem>>, vector<16xf32>,
        tpu.vector_store %arg7[%parallel_loop3A_236, %parallel_loop3A_237], %parallel_loop3A_234 {strides = array<i32>} : memref<9x4076xf32, #tpu.memory_space<vmem>>, vector<16xf32>,
      } {sc.loop_unroll_factor = 1 : i64, sc.parallel_access}
      %add3A_156 = arith.constant 4080 : i32
      %add3A_157 = vector.broadcast %add3A_156 : i32 to vector<16xi32>
      %add3A_158 = arith.addi %add3A_157, %iota3A : vector<16xi32>
      %gather3A_159 = tpu.vector_load_idx %arg6[%broadcast_in_dim3A_152, %add3A_158] : memref<9x4096xf32, #tpu.memory_space<vmem>>[vector<16xi32>, vector<16xi32>], vector<16xf32>,
      %swap3A_160 = arith.constant 2 : i32
      %swap3A_161 = arith.index_cast %swap3A_160 : i32 to index
      %swap3A_162 = arith.constant 4060 : index
      %swap3A_163 = tpu.vector_load %arg7[%swap3A_161, %swap3A_162] {strides = array<i32>} : memref<9x4076xf32, #tpu.memory_space<vmem>>, vector<16xf32>,
      tpu.vector_store %arg7[%swap3A_161, %swap3A_162], %gather3A_159 {strides = array<i32>} : memref<9x4076xf32, #tpu.memory_space<vmem>>, vector<16xf32>,
      %broadcast_in_dim3A_164 = arith.constant 3 : i32
      %broadcast_in_dim3A_165 = vector.broadcast %broadcast_in_dim3A_164 : i32 to vector<16xi32>
      %parallel_loop3A_166 = arith.constant 0 : i32
      %parallel_loop3A_167 = arith.constant 4064 : i32
      %parallel_loop3A_168 = arith.constant 16 : i32
      scf.for %parallel_loop3A_229 = %parallel_loop3A_166 to %parallel_loop3A_167 step %parallel_loop3A_168  : i32 {
        %parallel_loop3A_230 = arith.constant 20 : i32
        %parallel_loop3A_231 = arith.addi %parallel_loop3A_229, %parallel_loop3A_230 : i32
        %parallel_loop3A_232 = vector.broadcast %parallel_loop3A_231 : i32 to vector<16xi32>
        %parallel_loop3A_233 = arith.addi %parallel_loop3A_232, %iota3A : vector<16xi32>
        %parallel_loop3A_234 = tpu.vector_load_idx %arg6[%broadcast_in_dim3A_165, %parallel_loop3A_233] : memref<9x4096xf32, #tpu.memory_space<vmem>>[vector<16xi32>, vector<16xi32>], vector<16xf32>,
        %parallel_loop3A_235 = arith.constant 3 : i32
        %parallel_loop3A_236 = arith.index_cast %parallel_loop3A_235 : i32 to index
        %parallel_loop3A_237 = arith.index_cast %parallel_loop3A_229 : i32 to index
        %parallel_loop3A_238 = tpu.vector_load %arg7[%parallel_loop3A_236, %parallel_loop3A_237] {strides = array<i32>} : memref<9x4076xf32, #tpu.memory_space<vmem>>, vector<16xf32>,
        tpu.vector_store %arg7[%parallel_loop3A_236, %parallel_loop3A_237], %parallel_loop3A_234 {strides = array<i32>} : memref<9x4076xf32, #tpu.memory_space<vmem>>, vector<16xf32>,
      } {sc.loop_unroll_factor = 1 : i64, sc.parallel_access}
      %add3A_169 = arith.constant 4080 : i32
      %add3A_170 = vector.broadcast %add3A_169 : i32 to vector<16xi32>
      %add3A_171 = arith.addi %add3A_170, %iota3A : vector<16xi32>
      %gather3A_172 = tpu.vector_load_idx %arg6[%broadcast_in_dim3A_165, %add3A_171] : memref<9x4096xf32, #tpu.memory_space<vmem>>[vector<16xi32>, vector<16xi32>], vector<16xf32>,
      %swap3A_173 = arith.constant 3 : i32
      %swap3A_174 = arith.index_cast %swap3A_173 : i32 to index
      %swap3A_175 = arith.constant 4060 : index
      %swap3A_176 = tpu.vector_load %arg7[%swap3A_174, %swap3A_175] {strides = array<i32>} : memref<9x4076xf32, #tpu.memory_space<vmem>>, vector<16xf32>,
      tpu.vector_store %arg7[%swap3A_174, %swap3A_175], %gather3A_172 {strides = array<i32>} : memref<9x4076xf32, #tpu.memory_space<vmem>>, vector<16xf32>,
      %broadcast_in_dim3A_177 = arith.constant 4 : i32
      %broadcast_in_dim3A_178 = vector.broadcast %broadcast_in_dim3A_177 : i32 to vector<16xi32>
      %parallel_loop3A_179 = arith.constant 0 : i32
      %parallel_loop3A_180 = arith.constant 4064 : i32
      %parallel_loop3A_181 = arith.constant 16 : i32
      scf.for %parallel_loop3A_229 = %parallel_loop3A_179 to %parallel_loop3A_180 step %parallel_loop3A_181  : i32 {
        %parallel_loop3A_230 = arith.constant 20 : i32
        %parallel_loop3A_231 = arith.addi %parallel_loop3A_229, %parallel_loop3A_230 : i32
        %parallel_loop3A_232 = vector.broadcast %parallel_loop3A_231 : i32 to vector<16xi32>
        %parallel_loop3A_233 = arith.addi %parallel_loop3A_232, %iota3A : vector<16xi32>
        %parallel_loop3A_234 = tpu.vector_load_idx %arg6[%broadcast_in_dim3A_178, %parallel_loop3A_233] : memref<9x4096xf32, #tpu.memory_space<vmem>>[vector<16xi32>, vector<16xi32>], vector<16xf32>,
        %parallel_loop3A_235 = arith.constant 4 : i32
        %parallel_loop3A_236 = arith.index_cast %parallel_loop3A_235 : i32 to index
        %parallel_loop3A_237 = arith.index_cast %parallel_loop3A_229 : i32 to index
        %parallel_loop3A_238 = tpu.vector_load %arg7[%parallel_loop3A_236, %parallel_loop3A_237] {strides = array<i32>} : memref<9x4076xf32, #tpu.memory_space<vmem>>, vector<16xf32>,
        tpu.vector_store %arg7[%parallel_loop3A_236, %parallel_loop3A_237], %parallel_loop3A_234 {strides = array<i32>} : memref<9x4076xf32, #tpu.memory_space<vmem>>, vector<16xf32>,
      } {sc.loop_unroll_factor = 1 : i64, sc.parallel_access}
      %add3A_182 = arith.constant 4080 : i32
      %add3A_183 = vector.broadcast %add3A_182 : i32 to vector<16xi32>
      %add3A_184 = arith.addi %add3A_183, %iota3A : vector<16xi32>
      %gather3A_185 = tpu.vector_load_idx %arg6[%broadcast_in_dim3A_178, %add3A_184] : memref<9x4096xf32, #tpu.memory_space<vmem>>[vector<16xi32>, vector<16xi32>], vector<16xf32>,
      %swap3A_186 = arith.constant 4 : i32
      %swap3A_187 = arith.index_cast %swap3A_186 : i32 to index
      %swap3A_188 = arith.constant 4060 : index
      %swap3A_189 = tpu.vector_load %arg7[%swap3A_187, %swap3A_188] {strides = array<i32>} : memref<9x4076xf32, #tpu.memory_space<vmem>>, vector<16xf32>,
      tpu.vector_store %arg7[%swap3A_187, %swap3A_188], %gather3A_185 {strides = array<i32>} : memref<9x4076xf32, #tpu.memory_space<vmem>>, vector<16xf32>,
      %broadcast_in_dim3A_190 = arith.constant 5 : i32
      %broadcast_in_dim3A_191 = vector.broadcast %broadcast_in_dim3A_190 : i32 to vector<16xi32>
      %parallel_loop3A_192 = arith.constant 0 : i32
      %parallel_loop3A_193 = arith.constant 4064 : i32
      %parallel_loop3A_194 = arith.constant 16 : i32
      scf.for %parallel_loop3A_229 = %parallel_loop3A_192 to %parallel_loop3A_193 step %parallel_loop3A_194  : i32 {
        %parallel_loop3A_230 = arith.constant 20 : i32
        %parallel_loop3A_231 = arith.addi %parallel_loop3A_229, %parallel_loop3A_230 : i32
        %parallel_loop3A_232 = vector.broadcast %parallel_loop3A_231 : i32 to vector<16xi32>
        %parallel_loop3A_233 = arith.addi %parallel_loop3A_232, %iota3A : vector<16xi32>
        %parallel_loop3A_234 = tpu.vector_load_idx %arg6[%broadcast_in_dim3A_191, %parallel_loop3A_233] : memref<9x4096xf32, #tpu.memory_space<vmem>>[vector<16xi32>, vector<16xi32>], vector<16xf32>,
        %parallel_loop3A_235 = arith.constant 5 : i32
        %parallel_loop3A_236 = arith.index_cast %parallel_loop3A_235 : i32 to index
        %parallel_loop3A_237 = arith.index_cast %parallel_loop3A_229 : i32 to index
        %parallel_loop3A_238 = tpu.vector_load %arg7[%parallel_loop3A_236, %parallel_loop3A_237] {strides = array<i32>} : memref<9x4076xf32, #tpu.memory_space<vmem>>, vector<16xf32>,
        tpu.vector_store %arg7[%parallel_loop3A_236, %parallel_loop3A_237], %parallel_loop3A_234 {strides = array<i32>} : memref<9x4076xf32, #tpu.memory_space<vmem>>, vector<16xf32>,
      } {sc.loop_unroll_factor = 1 : i64, sc.parallel_access}
      %add3A_195 = arith.constant 4080 : i32
      %add3A_196 = vector.broadcast %add3A_195 : i32 to vector<16xi32>
      %add3A_197 = arith.addi %add3A_196, %iota3A : vector<16xi32>
      %gather3A_198 = tpu.vector_load_idx %arg6[%broadcast_in_dim3A_191, %add3A_197] : memref<9x4096xf32, #tpu.memory_space<vmem>>[vector<16xi32>, vector<16xi32>], vector<16xf32>,
      %swap3A_199 = arith.constant 5 : i32
      %swap3A_200 = arith.index_cast %swap3A_199 : i32 to index
      %swap3A_201 = arith.constant 4060 : index
      %swap3A_202 = tpu.vector_load %arg7[%swap3A_200, %swap3A_201] {strides = array<i32>} : memref<9x4076xf32, #tpu.memory_space<vmem>>, vector<16xf32>,
      tpu.vector_store %arg7[%swap3A_200, %swap3A_201], %gather3A_198 {strides = array<i32>} : memref<9x4076xf32, #tpu.memory_space<vmem>>, vector<16xf32>,
      %broadcast_in_dim3A_203 = arith.constant 6 : i32
      %broadcast_in_dim3A_204 = vector.broadcast %broadcast_in_dim3A_203 : i32 to vector<16xi32>
      %parallel_loop3A_205 = arith.constant 0 : i32
      %parallel_loop3A_206 = arith.constant 4064 : i32
      %parallel_loop3A_207 = arith.constant 16 : i32
      scf.for %parallel_loop3A_229 = %parallel_loop3A_205 to %parallel_loop3A_206 step %parallel_loop3A_207  : i32 {
        %parallel_loop3A_230 = arith.constant 20 : i32
        %parallel_loop3A_231 = arith.addi %parallel_loop3A_229, %parallel_loop3A_230 : i32
        %parallel_loop3A_232 = vector.broadcast %parallel_loop3A_231 : i32 to vector<16xi32>
        %parallel_loop3A_233 = arith.addi %parallel_loop3A_232, %iota3A : vector<16xi32>
        %parallel_loop3A_234 = tpu.vector_load_idx %arg6[%broadcast_in_dim3A_204, %parallel_loop3A_233] : memref<9x4096xf32, #tpu.memory_space<vmem>>[vector<16xi32>, vector<16xi32>], vector<16xf32>,
        %parallel_loop3A_235 = arith.constant 6 : i32
        %parallel_loop3A_236 = arith.index_cast %parallel_loop3A_235 : i32 to index
        %parallel_loop3A_237 = arith.index_cast %parallel_loop3A_229 : i32 to index
        %parallel_loop3A_238 = tpu.vector_load %arg7[%parallel_loop3A_236, %parallel_loop3A_237] {strides = array<i32>} : memref<9x4076xf32, #tpu.memory_space<vmem>>, vector<16xf32>,
        tpu.vector_store %arg7[%parallel_loop3A_236, %parallel_loop3A_237], %parallel_loop3A_234 {strides = array<i32>} : memref<9x4076xf32, #tpu.memory_space<vmem>>, vector<16xf32>,
      } {sc.loop_unroll_factor = 1 : i64, sc.parallel_access}
      %add3A_208 = arith.constant 4080 : i32
      %add3A_209 = vector.broadcast %add3A_208 : i32 to vector<16xi32>
      %add3A_210 = arith.addi %add3A_209, %iota3A : vector<16xi32>
      %gather3A_211 = tpu.vector_load_idx %arg6[%broadcast_in_dim3A_204, %add3A_210] : memref<9x4096xf32, #tpu.memory_space<vmem>>[vector<16xi32>, vector<16xi32>], vector<16xf32>,
      %swap3A_212 = arith.constant 6 : i32
      %swap3A_213 = arith.index_cast %swap3A_212 : i32 to index
      %swap3A_214 = arith.constant 4060 : index
      %swap3A_215 = tpu.vector_load %arg7[%swap3A_213, %swap3A_214] {strides = array<i32>} : memref<9x4076xf32, #tpu.memory_space<vmem>>, vector<16xf32>,
      tpu.vector_store %arg7[%swap3A_213, %swap3A_214], %gather3A_211 {strides = array<i32>} : memref<9x4076xf32, #tpu.memory_space<vmem>>, vector<16xf32>,
      %broadcast_in_dim3A_216 = arith.constant 7 : i32
      %broadcast_in_dim3A_217 = vector.broadcast %broadcast_in_dim3A_216 : i32 to vector<16xi32>
      %parallel_loop3A_218 = arith.constant 0 : i32
      %parallel_loop3A_219 = arith.constant 4064 : i32
      %parallel_loop3A_220 = arith.constant 16 : i32
      scf.for %parallel_loop3A_229 = %parallel_loop3A_218 to %parallel_loop3A_219 step %parallel_loop3A_220  : i32 {
        %parallel_loop3A_230 = arith.constant 20 : i32
        %parallel_loop3A_231 = arith.addi %parallel_loop3A_229, %parallel_loop3A_230 : i32
        %parallel_loop3A_232 = vector.broadcast %parallel_loop3A_231 : i32 to vector<16xi32>
        %parallel_loop3A_233 = arith.addi %parallel_loop3A_232, %iota3A : vector<16xi32>
        %parallel_loop3A_234 = tpu.vector_load_idx %arg6[%broadcast_in_dim3A_217, %parallel_loop3A_233] : memref<9x4096xf32, #tpu.memory_space<vmem>>[vector<16xi32>, vector<16xi32>], vector<16xf32>,
        %parallel_loop3A_235 = arith.constant 7 : i32
        %parallel_loop3A_236 = arith.index_cast %parallel_loop3A_235 : i32 to index
        %parallel_loop3A_237 = arith.index_cast %parallel_loop3A_229 : i32 to index
        %parallel_loop3A_238 = tpu.vector_load %arg7[%parallel_loop3A_236, %parallel_loop3A_237] {strides = array<i32>} : memref<9x4076xf32, #tpu.memory_space<vmem>>, vector<16xf32>,
        tpu.vector_store %arg7[%parallel_loop3A_236, %parallel_loop3A_237], %parallel_loop3A_234 {strides = array<i32>} : memref<9x4076xf32, #tpu.memory_space<vmem>>, vector<16xf32>,
      } {sc.loop_unroll_factor = 1 : i64, sc.parallel_access}
      %add3A_221 = arith.constant 4080 : i32
      %add3A_222 = vector.broadcast %add3A_221 : i32 to vector<16xi32>
      %add3A_223 = arith.addi %add3A_222, %iota3A : vector<16xi32>
      %gather3A_224 = tpu.vector_load_idx %arg6[%broadcast_in_dim3A_217, %add3A_223] : memref<9x4096xf32, #tpu.memory_space<vmem>>[vector<16xi32>, vector<16xi32>], vector<16xf32>,
      %swap3A_225 = arith.constant 7 : i32
      %swap3A_226 = arith.index_cast %swap3A_225 : i32 to index
      %swap3A_227 = arith.constant 4060 : index
      %swap3A_228 = tpu.vector_load %arg7[%swap3A_226, %swap3A_227] {strides = array<i32>} : memref<9x4076xf32, #tpu.memory_space<vmem>>, vector<16xf32>,
      tpu.vector_store %arg7[%swap3A_226, %swap3A_227], %gather3A_224 {strides = array<i32>} : memref<9x4076xf32, #tpu.memory_space<vmem>>, vector<16xf32>,
      "tpu.region"() ({
        %run_scoped3A = tpu.sem_alloc : memref<!tpu.dma_semaphore, #tpu.memory_space<semaphore_mem>>
        %dma_start3A = arith.constant 0 : i32
        %dma_start3A_229 = arith.constant 0 : i32
        %dma_start3A_230 = tpu.memref_slice %arg7[%dma_start3A, %dma_start3A_229] : memref<9x4076xf32, #tpu.memory_space<vmem>> -> memref<8x4076xf32, #tpu.memory_space<vmem>>
        %dma_start3A_231 = arith.constant 0 : i32
        %dma_start3A_232 = tpu.memref_slice %arg5[%multiple_of3A_118, %dma_start3A_231] : memref<513x4076xf32, #tpu.memory_space<hbm>> -> memref<8x4076xf32, #tpu.memory_space<hbm>>
        %dma_start3A_233 = arith.constant 0 : i32
        %dma_start3A_234 = tpu.memref_slice %arg5[%multiple_of3A_118, %dma_start3A_233] : memref<513x4076xf32, #tpu.memory_space<hbm>> -> memref<8x4076xf32, #tpu.memory_space<hbm>>
        %dma_start3A_235 = arith.constant 0 : i32
        %dma_start3A_236 = arith.constant 0 : i32
        %dma_start3A_237 = tpu.memref_slice %arg7[%dma_start3A_235, %dma_start3A_236] : memref<9x4076xf32, #tpu.memory_space<vmem>> -> memref<8x4076xf32, #tpu.memory_space<vmem>>
        tpu.enqueue_dma source(%dma_start3A_237 : memref<8x4076xf32, #tpu.memory_space<vmem>>) target(%dma_start3A_234 : memref<8x4076xf32, #tpu.memory_space<hbm>>) target_semaphore(%run_scoped3A : memref<!tpu.dma_semaphore, #tpu.memory_space<semaphore_mem>>)
        %dma_wait3A = arith.constant 0 : i32
        %dma_wait3A_238 = arith.constant 0 : i32
        %dma_wait3A_239 = tpu.memref_slice %arg7[%dma_wait3A, %dma_wait3A_238] : memref<9x4076xf32, #tpu.memory_space<vmem>> -> memref<8x4076xf32, #tpu.memory_space<vmem>>
        %dma_wait3A_240 = arith.constant 0 : i32
        %dma_wait3A_241 = tpu.memref_slice %arg5[%multiple_of3A_118, %dma_wait3A_240] : memref<513x4076xf32, #tpu.memory_space<hbm>> -> memref<8x4076xf32, #tpu.memory_space<hbm>>
        %dma_wait3A_242 = arith.constant 0 : i32
        %dma_wait3A_243 = tpu.memref_slice %arg5[%multiple_of3A_118, %dma_wait3A_242] : memref<513x4076xf32, #tpu.memory_space<hbm>> -> memref<8x4076xf32, #tpu.memory_space<hbm>>
        %dma_wait3A_244 = arith.constant 0 : i32
        %dma_wait3A_245 = arith.constant 0 : i32
        %dma_wait3A_246 = tpu.memref_slice %arg7[%dma_wait3A_244, %dma_wait3A_245] : memref<9x4076xf32, #tpu.memory_space<vmem>> -> memref<8x4076xf32, #tpu.memory_space<vmem>>
        tpu.wait_dma2 semaphore(%run_scoped3A : memref<!tpu.dma_semaphore, #tpu.memory_space<semaphore_mem>>) src(%dma_wait3A_246 : memref<8x4076xf32, #tpu.memory_space<vmem>>) dst(%dma_wait3A_243 : memref<8x4076xf32, #tpu.memory_space<hbm>>)
        tpu.yield
      }) : () -> ()
    } else {
    }
    %eq3A = arith.constant 31 : i32
    %eq3A_110 = arith.cmpi eq, %add3A, %eq3A : i32
    %convert_element_type3A_111 = arith.extui %eq3A_110 : i1 to i32
    %cond3A_112 = arith.constant 0 : i32
    %cond3A_113 = arith.cmpi ne, %convert_element_type3A_111, %cond3A_112 : i32
    scf.if %cond3A_113 {
      "tpu.region"() ({
        %run_scoped3A = tpu.sem_alloc : memref<!tpu.dma_semaphore, #tpu.memory_space<semaphore_mem>>
        %dma_start3A = arith.constant 504 : i32
        %dma_start3A_237 = arith.constant 0 : i32
        %dma_start3A_238 = tpu.memref_slice %arg2[%dma_start3A, %dma_start3A_237] : memref<513x4096xf32, #tpu.memory_space<hbm>> -> memref<9x4096xf32, #tpu.memory_space<hbm>>
        %dma_start3A_239 = arith.constant 504 : i32
        %dma_start3A_240 = arith.constant 0 : i32
        %dma_start3A_241 = tpu.memref_slice %arg2[%dma_start3A_239, %dma_start3A_240] : memref<513x4096xf32, #tpu.memory_space<hbm>> -> memref<9x4096xf32, #tpu.memory_space<hbm>>
        tpu.enqueue_dma source(%dma_start3A_241 : memref<9x4096xf32, #tpu.memory_space<hbm>>) target(%arg6 : memref<9x4096xf32, #tpu.memory_space<vmem>>) target_semaphore(%run_scoped3A : memref<!tpu.dma_semaphore, #tpu.memory_space<semaphore_mem>>)
        %dma_wait3A = arith.constant 504 : i32
        %dma_wait3A_242 = arith.constant 0 : i32
        %dma_wait3A_243 = tpu.memref_slice %arg2[%dma_wait3A, %dma_wait3A_242] : memref<513x4096xf32, #tpu.memory_space<hbm>> -> memref<9x4096xf32, #tpu.memory_space<hbm>>
        %dma_wait3A_244 = arith.constant 504 : i32
        %dma_wait3A_245 = arith.constant 0 : i32
        %dma_wait3A_246 = tpu.memref_slice %arg2[%dma_wait3A_244, %dma_wait3A_245] : memref<513x4096xf32, #tpu.memory_space<hbm>> -> memref<9x4096xf32, #tpu.memory_space<hbm>>
        tpu.wait_dma2 semaphore(%run_scoped3A : memref<!tpu.dma_semaphore, #tpu.memory_space<semaphore_mem>>) src(%dma_wait3A_246 : memref<9x4096xf32, #tpu.memory_space<hbm>>) dst(%arg6 : memref<9x4096xf32, #tpu.memory_space<vmem>>)
        tpu.yield
      }) : () -> ()
      %scan3A_114 = arith.constant 0 : i32
      %scan3A_115 = arith.constant 0 : i32
      %scan3A_116 = arith.constant 20 : i32
      %scan3A_117 = arith.addi %scan3A_115, %scan3A_116 : i32
      %scan3A_118 = arith.constant 1 : i32
      scf.for %scan3A_237 = %scan3A_115 to %scan3A_117 step %scan3A_118  : i32 {
        %broadcast_in_dim3A_238 = arith.constant 0 : i32
        %broadcast_in_dim3A_239 = vector.broadcast %broadcast_in_dim3A_238 : i32 to vector<16xi32>
        %parallel_loop3A_240 = arith.constant 0 : i32
        %parallel_loop3A_241 = arith.constant 4064 : i32
        %parallel_loop3A_242 = arith.constant 16 : i32
        scf.for %parallel_loop3A_364 = %parallel_loop3A_240 to %parallel_loop3A_241 step %parallel_loop3A_242  : i32 {
          %parallel_loop3A_365 = arith.addi %parallel_loop3A_364, %scan3A_237 : i32
          %parallel_loop3A_366 = vector.broadcast %parallel_loop3A_365 : i32 to vector<16xi32>
          %parallel_loop3A_367 = arith.addi %parallel_loop3A_366, %iota3A : vector<16xi32>
          %parallel_loop3A_368 = tpu.vector_load_idx %arg6[%broadcast_in_dim3A_239, %parallel_loop3A_367] : memref<9x4096xf32, #tpu.memory_space<vmem>>[vector<16xi32>, vector<16xi32>], vector<16xf32>,
          %parallel_loop3A_369 = arith.constant 0 : i32
          %parallel_loop3A_370 = arith.index_cast %parallel_loop3A_369 : i32 to index
          %parallel_loop3A_371 = arith.index_cast %parallel_loop3A_364 : i32 to index
          %parallel_loop3A_372 = tpu.vector_load %arg7[%parallel_loop3A_370, %parallel_loop3A_371] {strides = array<i32>} : memref<9x4076xf32, #tpu.memory_space<vmem>>, vector<16xf32>,
          tpu.vector_store %arg7[%parallel_loop3A_370, %parallel_loop3A_371], %parallel_loop3A_368 {strides = array<i32>} : memref<9x4076xf32, #tpu.memory_space<vmem>>, vector<16xf32>,
        } {sc.loop_unroll_factor = 1 : i64, sc.parallel_access}
        %add3A_243 = arith.constant 4060 : i32
        %add3A_244 = arith.addi %add3A_243, %scan3A_237 : i32
        %add3A_245 = vector.broadcast %add3A_244 : i32 to vector<16xi32>
        %add3A_246 = arith.addi %add3A_245, %iota3A : vector<16xi32>
        %gather3A_247 = tpu.vector_load_idx %arg6[%broadcast_in_dim3A_239, %add3A_246] : memref<9x4096xf32, #tpu.memory_space<vmem>>[vector<16xi32>, vector<16xi32>], vector<16xf32>,
        %swap3A_248 = arith.constant 0 : i32
        %swap3A_249 = arith.index_cast %swap3A_248 : i32 to index
        %swap3A_250 = arith.constant 4060 : index
        %swap3A_251 = tpu.vector_load %arg7[%swap3A_249, %swap3A_250] {strides = array<i32>} : memref<9x4076xf32, #tpu.memory_space<vmem>>, vector<16xf32>,
        tpu.vector_store %arg7[%swap3A_249, %swap3A_250], %gather3A_247 {strides = array<i32>} : memref<9x4076xf32, #tpu.memory_space<vmem>>, vector<16xf32>,
        %broadcast_in_dim3A_252 = arith.constant 1 : i32
        %broadcast_in_dim3A_253 = vector.broadcast %broadcast_in_dim3A_252 : i32 to vector<16xi32>
        %parallel_loop3A_254 = arith.constant 0 : i32
        %parallel_loop3A_255 = arith.constant 4064 : i32
        %parallel_loop3A_256 = arith.constant 16 : i32
        scf.for %parallel_loop3A_364 = %parallel_loop3A_254 to %parallel_loop3A_255 step %parallel_loop3A_256  : i32 {
          %parallel_loop3A_365 = arith.addi %parallel_loop3A_364, %scan3A_237 : i32
          %parallel_loop3A_366 = vector.broadcast %parallel_loop3A_365 : i32 to vector<16xi32>
          %parallel_loop3A_367 = arith.addi %parallel_loop3A_366, %iota3A : vector<16xi32>
          %parallel_loop3A_368 = tpu.vector_load_idx %arg6[%broadcast_in_dim3A_253, %parallel_loop3A_367] : memref<9x4096xf32, #tpu.memory_space<vmem>>[vector<16xi32>, vector<16xi32>], vector<16xf32>,
          %parallel_loop3A_369 = arith.constant 1 : i32
          %parallel_loop3A_370 = arith.index_cast %parallel_loop3A_369 : i32 to index
          %parallel_loop3A_371 = arith.index_cast %parallel_loop3A_364 : i32 to index
          %parallel_loop3A_372 = tpu.vector_load %arg7[%parallel_loop3A_370, %parallel_loop3A_371] {strides = array<i32>} : memref<9x4076xf32, #tpu.memory_space<vmem>>, vector<16xf32>,
          tpu.vector_store %arg7[%parallel_loop3A_370, %parallel_loop3A_371], %parallel_loop3A_368 {strides = array<i32>} : memref<9x4076xf32, #tpu.memory_space<vmem>>, vector<16xf32>,
        } {sc.loop_unroll_factor = 1 : i64, sc.parallel_access}
        %add3A_257 = arith.constant 4060 : i32
        %add3A_258 = arith.addi %add3A_257, %scan3A_237 : i32
        %add3A_259 = vector.broadcast %add3A_258 : i32 to vector<16xi32>
        %add3A_260 = arith.addi %add3A_259, %iota3A : vector<16xi32>
        %gather3A_261 = tpu.vector_load_idx %arg6[%broadcast_in_dim3A_253, %add3A_260] : memref<9x4096xf32, #tpu.memory_space<vmem>>[vector<16xi32>, vector<16xi32>], vector<16xf32>,
        %swap3A_262 = arith.constant 1 : i32
        %swap3A_263 = arith.index_cast %swap3A_262 : i32 to index
        %swap3A_264 = arith.constant 4060 : index
        %swap3A_265 = tpu.vector_load %arg7[%swap3A_263, %swap3A_264] {strides = array<i32>} : memref<9x4076xf32, #tpu.memory_space<vmem>>, vector<16xf32>,
        tpu.vector_store %arg7[%swap3A_263, %swap3A_264], %gather3A_261 {strides = array<i32>} : memref<9x4076xf32, #tpu.memory_space<vmem>>, vector<16xf32>,
        %broadcast_in_dim3A_266 = arith.constant 2 : i32
        %broadcast_in_dim3A_267 = vector.broadcast %broadcast_in_dim3A_266 : i32 to vector<16xi32>
        %parallel_loop3A_268 = arith.constant 0 : i32
        %parallel_loop3A_269 = arith.constant 4064 : i32
        %parallel_loop3A_270 = arith.constant 16 : i32
        scf.for %parallel_loop3A_364 = %parallel_loop3A_268 to %parallel_loop3A_269 step %parallel_loop3A_270  : i32 {
          %parallel_loop3A_365 = arith.addi %parallel_loop3A_364, %scan3A_237 : i32
          %parallel_loop3A_366 = vector.broadcast %parallel_loop3A_365 : i32 to vector<16xi32>
          %parallel_loop3A_367 = arith.addi %parallel_loop3A_366, %iota3A : vector<16xi32>
          %parallel_loop3A_368 = tpu.vector_load_idx %arg6[%broadcast_in_dim3A_267, %parallel_loop3A_367] : memref<9x4096xf32, #tpu.memory_space<vmem>>[vector<16xi32>, vector<16xi32>], vector<16xf32>,
          %parallel_loop3A_369 = arith.constant 2 : i32
          %parallel_loop3A_370 = arith.index_cast %parallel_loop3A_369 : i32 to index
          %parallel_loop3A_371 = arith.index_cast %parallel_loop3A_364 : i32 to index
          %parallel_loop3A_372 = tpu.vector_load %arg7[%parallel_loop3A_370, %parallel_loop3A_371] {strides = array<i32>} : memref<9x4076xf32, #tpu.memory_space<vmem>>, vector<16xf32>,
          tpu.vector_store %arg7[%parallel_loop3A_370, %parallel_loop3A_371], %parallel_loop3A_368 {strides = array<i32>} : memref<9x4076xf32, #tpu.memory_space<vmem>>, vector<16xf32>,
        } {sc.loop_unroll_factor = 1 : i64, sc.parallel_access}
        %add3A_271 = arith.constant 4060 : i32
        %add3A_272 = arith.addi %add3A_271, %scan3A_237 : i32
        %add3A_273 = vector.broadcast %add3A_272 : i32 to vector<16xi32>
        %add3A_274 = arith.addi %add3A_273, %iota3A : vector<16xi32>
        %gather3A_275 = tpu.vector_load_idx %arg6[%broadcast_in_dim3A_267, %add3A_274] : memref<9x4096xf32, #tpu.memory_space<vmem>>[vector<16xi32>, vector<16xi32>], vector<16xf32>,
        %swap3A_276 = arith.constant 2 : i32
        %swap3A_277 = arith.index_cast %swap3A_276 : i32 to index
        %swap3A_278 = arith.constant 4060 : index
        %swap3A_279 = tpu.vector_load %arg7[%swap3A_277, %swap3A_278] {strides = array<i32>} : memref<9x4076xf32, #tpu.memory_space<vmem>>, vector<16xf32>,
        tpu.vector_store %arg7[%swap3A_277, %swap3A_278], %gather3A_275 {strides = array<i32>} : memref<9x4076xf32, #tpu.memory_space<vmem>>, vector<16xf32>,
        %broadcast_in_dim3A_280 = arith.constant 3 : i32
        %broadcast_in_dim3A_281 = vector.broadcast %broadcast_in_dim3A_280 : i32 to vector<16xi32>
        %parallel_loop3A_282 = arith.constant 0 : i32
        %parallel_loop3A_283 = arith.constant 4064 : i32
        %parallel_loop3A_284 = arith.constant 16 : i32
        scf.for %parallel_loop3A_364 = %parallel_loop3A_282 to %parallel_loop3A_283 step %parallel_loop3A_284  : i32 {
          %parallel_loop3A_365 = arith.addi %parallel_loop3A_364, %scan3A_237 : i32
          %parallel_loop3A_366 = vector.broadcast %parallel_loop3A_365 : i32 to vector<16xi32>
          %parallel_loop3A_367 = arith.addi %parallel_loop3A_366, %iota3A : vector<16xi32>
          %parallel_loop3A_368 = tpu.vector_load_idx %arg6[%broadcast_in_dim3A_281, %parallel_loop3A_367] : memref<9x4096xf32, #tpu.memory_space<vmem>>[vector<16xi32>, vector<16xi32>], vector<16xf32>,
          %parallel_loop3A_369 = arith.constant 3 : i32
          %parallel_loop3A_370 = arith.index_cast %parallel_loop3A_369 : i32 to index
          %parallel_loop3A_371 = arith.index_cast %parallel_loop3A_364 : i32 to index
          %parallel_loop3A_372 = tpu.vector_load %arg7[%parallel_loop3A_370, %parallel_loop3A_371] {strides = array<i32>} : memref<9x4076xf32, #tpu.memory_space<vmem>>, vector<16xf32>,
          tpu.vector_store %arg7[%parallel_loop3A_370, %parallel_loop3A_371], %parallel_loop3A_368 {strides = array<i32>} : memref<9x4076xf32, #tpu.memory_space<vmem>>, vector<16xf32>,
        } {sc.loop_unroll_factor = 1 : i64, sc.parallel_access}
        %add3A_285 = arith.constant 4060 : i32
        %add3A_286 = arith.addi %add3A_285, %scan3A_237 : i32
        %add3A_287 = vector.broadcast %add3A_286 : i32 to vector<16xi32>
        %add3A_288 = arith.addi %add3A_287, %iota3A : vector<16xi32>
        %gather3A_289 = tpu.vector_load_idx %arg6[%broadcast_in_dim3A_281, %add3A_288] : memref<9x4096xf32, #tpu.memory_space<vmem>>[vector<16xi32>, vector<16xi32>], vector<16xf32>,
        %swap3A_290 = arith.constant 3 : i32
        %swap3A_291 = arith.index_cast %swap3A_290 : i32 to index
        %swap3A_292 = arith.constant 4060 : index
        %swap3A_293 = tpu.vector_load %arg7[%swap3A_291, %swap3A_292] {strides = array<i32>} : memref<9x4076xf32, #tpu.memory_space<vmem>>, vector<16xf32>,
        tpu.vector_store %arg7[%swap3A_291, %swap3A_292], %gather3A_289 {strides = array<i32>} : memref<9x4076xf32, #tpu.memory_space<vmem>>, vector<16xf32>,
        %broadcast_in_dim3A_294 = arith.constant 4 : i32
        %broadcast_in_dim3A_295 = vector.broadcast %broadcast_in_dim3A_294 : i32 to vector<16xi32>
        %parallel_loop3A_296 = arith.constant 0 : i32
        %parallel_loop3A_297 = arith.constant 4064 : i32
        %parallel_loop3A_298 = arith.constant 16 : i32
        scf.for %parallel_loop3A_364 = %parallel_loop3A_296 to %parallel_loop3A_297 step %parallel_loop3A_298  : i32 {
          %parallel_loop3A_365 = arith.addi %parallel_loop3A_364, %scan3A_237 : i32
          %parallel_loop3A_366 = vector.broadcast %parallel_loop3A_365 : i32 to vector<16xi32>
          %parallel_loop3A_367 = arith.addi %parallel_loop3A_366, %iota3A : vector<16xi32>
          %parallel_loop3A_368 = tpu.vector_load_idx %arg6[%broadcast_in_dim3A_295, %parallel_loop3A_367] : memref<9x4096xf32, #tpu.memory_space<vmem>>[vector<16xi32>, vector<16xi32>], vector<16xf32>,
          %parallel_loop3A_369 = arith.constant 4 : i32
          %parallel_loop3A_370 = arith.index_cast %parallel_loop3A_369 : i32 to index
          %parallel_loop3A_371 = arith.index_cast %parallel_loop3A_364 : i32 to index
          %parallel_loop3A_372 = tpu.vector_load %arg7[%parallel_loop3A_370, %parallel_loop3A_371] {strides = array<i32>} : memref<9x4076xf32, #tpu.memory_space<vmem>>, vector<16xf32>,
          tpu.vector_store %arg7[%parallel_loop3A_370, %parallel_loop3A_371], %parallel_loop3A_368 {strides = array<i32>} : memref<9x4076xf32, #tpu.memory_space<vmem>>, vector<16xf32>,
        } {sc.loop_unroll_factor = 1 : i64, sc.parallel_access}
        %add3A_299 = arith.constant 4060 : i32
        %add3A_300 = arith.addi %add3A_299, %scan3A_237 : i32
        %add3A_301 = vector.broadcast %add3A_300 : i32 to vector<16xi32>
        %add3A_302 = arith.addi %add3A_301, %iota3A : vector<16xi32>
        %gather3A_303 = tpu.vector_load_idx %arg6[%broadcast_in_dim3A_295, %add3A_302] : memref<9x4096xf32, #tpu.memory_space<vmem>>[vector<16xi32>, vector<16xi32>], vector<16xf32>,
        %swap3A_304 = arith.constant 4 : i32
        %swap3A_305 = arith.index_cast %swap3A_304 : i32 to index
        %swap3A_306 = arith.constant 4060 : index
        %swap3A_307 = tpu.vector_load %arg7[%swap3A_305, %swap3A_306] {strides = array<i32>} : memref<9x4076xf32, #tpu.memory_space<vmem>>, vector<16xf32>,
        tpu.vector_store %arg7[%swap3A_305, %swap3A_306], %gather3A_303 {strides = array<i32>} : memref<9x4076xf32, #tpu.memory_space<vmem>>, vector<16xf32>,
        %broadcast_in_dim3A_308 = arith.constant 5 : i32
        %broadcast_in_dim3A_309 = vector.broadcast %broadcast_in_dim3A_308 : i32 to vector<16xi32>
        %parallel_loop3A_310 = arith.constant 0 : i32
        %parallel_loop3A_311 = arith.constant 4064 : i32
        %parallel_loop3A_312 = arith.constant 16 : i32
        scf.for %parallel_loop3A_364 = %parallel_loop3A_310 to %parallel_loop3A_311 step %parallel_loop3A_312  : i32 {
          %parallel_loop3A_365 = arith.addi %parallel_loop3A_364, %scan3A_237 : i32
          %parallel_loop3A_366 = vector.broadcast %parallel_loop3A_365 : i32 to vector<16xi32>
          %parallel_loop3A_367 = arith.addi %parallel_loop3A_366, %iota3A : vector<16xi32>
          %parallel_loop3A_368 = tpu.vector_load_idx %arg6[%broadcast_in_dim3A_309, %parallel_loop3A_367] : memref<9x4096xf32, #tpu.memory_space<vmem>>[vector<16xi32>, vector<16xi32>], vector<16xf32>,
          %parallel_loop3A_369 = arith.constant 5 : i32
          %parallel_loop3A_370 = arith.index_cast %parallel_loop3A_369 : i32 to index
          %parallel_loop3A_371 = arith.index_cast %parallel_loop3A_364 : i32 to index
          %parallel_loop3A_372 = tpu.vector_load %arg7[%parallel_loop3A_370, %parallel_loop3A_371] {strides = array<i32>} : memref<9x4076xf32, #tpu.memory_space<vmem>>, vector<16xf32>,
          tpu.vector_store %arg7[%parallel_loop3A_370, %parallel_loop3A_371], %parallel_loop3A_368 {strides = array<i32>} : memref<9x4076xf32, #tpu.memory_space<vmem>>, vector<16xf32>,
        } {sc.loop_unroll_factor = 1 : i64, sc.parallel_access}
        %add3A_313 = arith.constant 4060 : i32
        %add3A_314 = arith.addi %add3A_313, %scan3A_237 : i32
        %add3A_315 = vector.broadcast %add3A_314 : i32 to vector<16xi32>
        %add3A_316 = arith.addi %add3A_315, %iota3A : vector<16xi32>
        %gather3A_317 = tpu.vector_load_idx %arg6[%broadcast_in_dim3A_309, %add3A_316] : memref<9x4096xf32, #tpu.memory_space<vmem>>[vector<16xi32>, vector<16xi32>], vector<16xf32>,
        %swap3A_318 = arith.constant 5 : i32
        %swap3A_319 = arith.index_cast %swap3A_318 : i32 to index
        %swap3A_320 = arith.constant 4060 : index
        %swap3A_321 = tpu.vector_load %arg7[%swap3A_319, %swap3A_320] {strides = array<i32>} : memref<9x4076xf32, #tpu.memory_space<vmem>>, vector<16xf32>,
        tpu.vector_store %arg7[%swap3A_319, %swap3A_320], %gather3A_317 {strides = array<i32>} : memref<9x4076xf32, #tpu.memory_space<vmem>>, vector<16xf32>,
        %broadcast_in_dim3A_322 = arith.constant 6 : i32
        %broadcast_in_dim3A_323 = vector.broadcast %broadcast_in_dim3A_322 : i32 to vector<16xi32>
        %parallel_loop3A_324 = arith.constant 0 : i32
        %parallel_loop3A_325 = arith.constant 4064 : i32
        %parallel_loop3A_326 = arith.constant 16 : i32
        scf.for %parallel_loop3A_364 = %parallel_loop3A_324 to %parallel_loop3A_325 step %parallel_loop3A_326  : i32 {
          %parallel_loop3A_365 = arith.addi %parallel_loop3A_364, %scan3A_237 : i32
          %parallel_loop3A_366 = vector.broadcast %parallel_loop3A_365 : i32 to vector<16xi32>
          %parallel_loop3A_367 = arith.addi %parallel_loop3A_366, %iota3A : vector<16xi32>
          %parallel_loop3A_368 = tpu.vector_load_idx %arg6[%broadcast_in_dim3A_323, %parallel_loop3A_367] : memref<9x4096xf32, #tpu.memory_space<vmem>>[vector<16xi32>, vector<16xi32>], vector<16xf32>,
          %parallel_loop3A_369 = arith.constant 6 : i32
          %parallel_loop3A_370 = arith.index_cast %parallel_loop3A_369 : i32 to index
          %parallel_loop3A_371 = arith.index_cast %parallel_loop3A_364 : i32 to index
          %parallel_loop3A_372 = tpu.vector_load %arg7[%parallel_loop3A_370, %parallel_loop3A_371] {strides = array<i32>} : memref<9x4076xf32, #tpu.memory_space<vmem>>, vector<16xf32>,
          tpu.vector_store %arg7[%parallel_loop3A_370, %parallel_loop3A_371], %parallel_loop3A_368 {strides = array<i32>} : memref<9x4076xf32, #tpu.memory_space<vmem>>, vector<16xf32>,
        } {sc.loop_unroll_factor = 1 : i64, sc.parallel_access}
        %add3A_327 = arith.constant 4060 : i32
        %add3A_328 = arith.addi %add3A_327, %scan3A_237 : i32
        %add3A_329 = vector.broadcast %add3A_328 : i32 to vector<16xi32>
        %add3A_330 = arith.addi %add3A_329, %iota3A : vector<16xi32>
        %gather3A_331 = tpu.vector_load_idx %arg6[%broadcast_in_dim3A_323, %add3A_330] : memref<9x4096xf32, #tpu.memory_space<vmem>>[vector<16xi32>, vector<16xi32>], vector<16xf32>,
        %swap3A_332 = arith.constant 6 : i32
        %swap3A_333 = arith.index_cast %swap3A_332 : i32 to index
        %swap3A_334 = arith.constant 4060 : index
        %swap3A_335 = tpu.vector_load %arg7[%swap3A_333, %swap3A_334] {strides = array<i32>} : memref<9x4076xf32, #tpu.memory_space<vmem>>, vector<16xf32>,
        tpu.vector_store %arg7[%swap3A_333, %swap3A_334], %gather3A_331 {strides = array<i32>} : memref<9x4076xf32, #tpu.memory_space<vmem>>, vector<16xf32>,
        %broadcast_in_dim3A_336 = arith.constant 7 : i32
        %broadcast_in_dim3A_337 = vector.broadcast %broadcast_in_dim3A_336 : i32 to vector<16xi32>
        %parallel_loop3A_338 = arith.constant 0 : i32
        %parallel_loop3A_339 = arith.constant 4064 : i32
        %parallel_loop3A_340 = arith.constant 16 : i32
        scf.for %parallel_loop3A_364 = %parallel_loop3A_338 to %parallel_loop3A_339 step %parallel_loop3A_340  : i32 {
          %parallel_loop3A_365 = arith.addi %parallel_loop3A_364, %scan3A_237 : i32
          %parallel_loop3A_366 = vector.broadcast %parallel_loop3A_365 : i32 to vector<16xi32>
          %parallel_loop3A_367 = arith.addi %parallel_loop3A_366, %iota3A : vector<16xi32>
          %parallel_loop3A_368 = tpu.vector_load_idx %arg6[%broadcast_in_dim3A_337, %parallel_loop3A_367] : memref<9x4096xf32, #tpu.memory_space<vmem>>[vector<16xi32>, vector<16xi32>], vector<16xf32>,
          %parallel_loop3A_369 = arith.constant 7 : i32
          %parallel_loop3A_370 = arith.index_cast %parallel_loop3A_369 : i32 to index
          %parallel_loop3A_371 = arith.index_cast %parallel_loop3A_364 : i32 to index
          %parallel_loop3A_372 = tpu.vector_load %arg7[%parallel_loop3A_370, %parallel_loop3A_371] {strides = array<i32>} : memref<9x4076xf32, #tpu.memory_space<vmem>>, vector<16xf32>,
          tpu.vector_store %arg7[%parallel_loop3A_370, %parallel_loop3A_371], %parallel_loop3A_368 {strides = array<i32>} : memref<9x4076xf32, #tpu.memory_space<vmem>>, vector<16xf32>,
        } {sc.loop_unroll_factor = 1 : i64, sc.parallel_access}
        %add3A_341 = arith.constant 4060 : i32
        %add3A_342 = arith.addi %add3A_341, %scan3A_237 : i32
        %add3A_343 = vector.broadcast %add3A_342 : i32 to vector<16xi32>
        %add3A_344 = arith.addi %add3A_343, %iota3A : vector<16xi32>
        %gather3A_345 = tpu.vector_load_idx %arg6[%broadcast_in_dim3A_337, %add3A_344] : memref<9x4096xf32, #tpu.memory_space<vmem>>[vector<16xi32>, vector<16xi32>], vector<16xf32>,
        %swap3A_346 = arith.constant 7 : i32
        %swap3A_347 = arith.index_cast %swap3A_346 : i32 to index
        %swap3A_348 = arith.constant 4060 : index
        %swap3A_349 = tpu.vector_load %arg7[%swap3A_347, %swap3A_348] {strides = array<i32>} : memref<9x4076xf32, #tpu.memory_space<vmem>>, vector<16xf32>,
        tpu.vector_store %arg7[%swap3A_347, %swap3A_348], %gather3A_345 {strides = array<i32>} : memref<9x4076xf32, #tpu.memory_space<vmem>>, vector<16xf32>,
        %broadcast_in_dim3A_350 = arith.constant 8 : i32
        %broadcast_in_dim3A_351 = vector.broadcast %broadcast_in_dim3A_350 : i32 to vector<16xi32>
        %parallel_loop3A_352 = arith.constant 0 : i32
        %parallel_loop3A_353 = arith.constant 4064 : i32
        %parallel_loop3A_354 = arith.constant 16 : i32
        scf.for %parallel_loop3A_364 = %parallel_loop3A_352 to %parallel_loop3A_353 step %parallel_loop3A_354  : i32 {
          %parallel_loop3A_365 = arith.addi %parallel_loop3A_364, %scan3A_237 : i32
          %parallel_loop3A_366 = vector.broadcast %parallel_loop3A_365 : i32 to vector<16xi32>
          %parallel_loop3A_367 = arith.addi %parallel_loop3A_366, %iota3A : vector<16xi32>
          %parallel_loop3A_368 = tpu.vector_load_idx %arg6[%broadcast_in_dim3A_351, %parallel_loop3A_367] : memref<9x4096xf32, #tpu.memory_space<vmem>>[vector<16xi32>, vector<16xi32>], vector<16xf32>,
          %parallel_loop3A_369 = arith.constant 8 : i32
          %parallel_loop3A_370 = arith.index_cast %parallel_loop3A_369 : i32 to index
          %parallel_loop3A_371 = arith.index_cast %parallel_loop3A_364 : i32 to index
          %parallel_loop3A_372 = tpu.vector_load %arg7[%parallel_loop3A_370, %parallel_loop3A_371] {strides = array<i32>} : memref<9x4076xf32, #tpu.memory_space<vmem>>, vector<16xf32>,
          tpu.vector_store %arg7[%parallel_loop3A_370, %parallel_loop3A_371], %parallel_loop3A_368 {strides = array<i32>} : memref<9x4076xf32, #tpu.memory_space<vmem>>, vector<16xf32>,
        } {sc.loop_unroll_factor = 1 : i64, sc.parallel_access}
        %add3A_355 = arith.constant 4060 : i32
        %add3A_356 = arith.addi %add3A_355, %scan3A_237 : i32
        %add3A_357 = vector.broadcast %add3A_356 : i32 to vector<16xi32>
        %add3A_358 = arith.addi %add3A_357, %iota3A : vector<16xi32>
        %gather3A_359 = tpu.vector_load_idx %arg6[%broadcast_in_dim3A_351, %add3A_358] : memref<9x4096xf32, #tpu.memory_space<vmem>>[vector<16xi32>, vector<16xi32>], vector<16xf32>,
        %swap3A_360 = arith.constant 8 : i32
        %swap3A_361 = arith.index_cast %swap3A_360 : i32 to index
        %swap3A_362 = arith.constant 4060 : index
        %swap3A_363 = tpu.vector_load %arg7[%swap3A_361, %swap3A_362] {strides = array<i32>} : memref<9x4076xf32, #tpu.memory_space<vmem>>, vector<16xf32>,
        tpu.vector_store %arg7[%swap3A_361, %swap3A_362], %gather3A_359 {strides = array<i32>} : memref<9x4076xf32, #tpu.memory_space<vmem>>, vector<16xf32>,
        "tpu.region"() ({
          %run_scoped3A = tpu.sem_alloc : memref<!tpu.dma_semaphore, #tpu.memory_space<semaphore_mem>>
          %dma_start3A = arith.constant 504 : i32
          %dma_start3A_364 = arith.constant 0 : i32
          %dma_start3A_365 = tpu.memref_slice %arg4[%scan3A_237, %dma_start3A, %dma_start3A_364] : memref<20x513x4076xf32, #tpu.memory_space<hbm>> -> memref<1x9x4076xf32, #tpu.memory_space<hbm>>
          %dma_start3A_366 = tpu.memref_squeeze %dma_start3A_365 : memref<1x9x4076xf32, #tpu.memory_space<hbm>> -> memref<9x4076xf32, #tpu.memory_space<hbm>>
          %dma_start3A_367 = arith.constant 504 : i32
          %dma_start3A_368 = arith.constant 0 : i32
          %dma_start3A_369 = tpu.memref_slice %arg4[%scan3A_237, %dma_start3A_367, %dma_start3A_368] : memref<20x513x4076xf32, #tpu.memory_space<hbm>> -> memref<1x9x4076xf32, #tpu.memory_space<hbm>>
          %dma_start3A_370 = tpu.memref_squeeze %dma_start3A_369 : memref<1x9x4076xf32, #tpu.memory_space<hbm>> -> memref<9x4076xf32, #tpu.memory_space<hbm>>
          tpu.enqueue_dma source(%arg7 : memref<9x4076xf32, #tpu.memory_space<vmem>>) target(%dma_start3A_370 : memref<9x4076xf32, #tpu.memory_space<hbm>>) target_semaphore(%run_scoped3A : memref<!tpu.dma_semaphore, #tpu.memory_space<semaphore_mem>>)
          %dma_wait3A = arith.constant 504 : i32
          %dma_wait3A_371 = arith.constant 0 : i32
          %dma_wait3A_372 = tpu.memref_slice %arg4[%scan3A_237, %dma_wait3A, %dma_wait3A_371] : memref<20x513x4076xf32, #tpu.memory_space<hbm>> -> memref<1x9x4076xf32, #tpu.memory_space<hbm>>
          %dma_wait3A_373 = tpu.memref_squeeze %dma_wait3A_372 : memref<1x9x4076xf32, #tpu.memory_space<hbm>> -> memref<9x4076xf32, #tpu.memory_space<hbm>>
          %dma_wait3A_374 = arith.constant 504 : i32
          %dma_wait3A_375 = arith.constant 0 : i32
          %dma_wait3A_376 = tpu.memref_slice %arg4[%scan3A_237, %dma_wait3A_374, %dma_wait3A_375] : memref<20x513x4076xf32, #tpu.memory_space<hbm>> -> memref<1x9x4076xf32, #tpu.memory_space<hbm>>
          %dma_wait3A_377 = tpu.memref_squeeze %dma_wait3A_376 : memref<1x9x4076xf32, #tpu.memory_space<hbm>> -> memref<9x4076xf32, #tpu.memory_space<hbm>>
          tpu.wait_dma2 semaphore(%run_scoped3A : memref<!tpu.dma_semaphore, #tpu.memory_space<semaphore_mem>>) src(%arg7 : memref<9x4076xf32, #tpu.memory_space<vmem>>) dst(%dma_wait3A_377 : memref<9x4076xf32, #tpu.memory_space<hbm>>)
          tpu.yield
        }) : () -> ()
      }
      %scan3A_119 = arith.constant 20 : i32
      "tpu.region"() ({
        %run_scoped3A = tpu.sem_alloc : memref<!tpu.dma_semaphore, #tpu.memory_space<semaphore_mem>>
        %dma_start3A = arith.constant 504 : i32
        %dma_start3A_237 = arith.constant 0 : i32
        %dma_start3A_238 = tpu.memref_slice %arg3[%dma_start3A, %dma_start3A_237] : memref<513x4096xf32, #tpu.memory_space<hbm>> -> memref<9x4096xf32, #tpu.memory_space<hbm>>
        %dma_start3A_239 = arith.constant 504 : i32
        %dma_start3A_240 = arith.constant 0 : i32
        %dma_start3A_241 = tpu.memref_slice %arg3[%dma_start3A_239, %dma_start3A_240] : memref<513x4096xf32, #tpu.memory_space<hbm>> -> memref<9x4096xf32, #tpu.memory_space<hbm>>
        tpu.enqueue_dma source(%dma_start3A_241 : memref<9x4096xf32, #tpu.memory_space<hbm>>) target(%arg6 : memref<9x4096xf32, #tpu.memory_space<vmem>>) target_semaphore(%run_scoped3A : memref<!tpu.dma_semaphore, #tpu.memory_space<semaphore_mem>>)
        %dma_wait3A = arith.constant 504 : i32
        %dma_wait3A_242 = arith.constant 0 : i32
        %dma_wait3A_243 = tpu.memref_slice %arg3[%dma_wait3A, %dma_wait3A_242] : memref<513x4096xf32, #tpu.memory_space<hbm>> -> memref<9x4096xf32, #tpu.memory_space<hbm>>
        %dma_wait3A_244 = arith.constant 504 : i32
        %dma_wait3A_245 = arith.constant 0 : i32
        %dma_wait3A_246 = tpu.memref_slice %arg3[%dma_wait3A_244, %dma_wait3A_245] : memref<513x4096xf32, #tpu.memory_space<hbm>> -> memref<9x4096xf32, #tpu.memory_space<hbm>>
        tpu.wait_dma2 semaphore(%run_scoped3A : memref<!tpu.dma_semaphore, #tpu.memory_space<semaphore_mem>>) src(%dma_wait3A_246 : memref<9x4096xf32, #tpu.memory_space<hbm>>) dst(%arg6 : memref<9x4096xf32, #tpu.memory_space<vmem>>)
        tpu.yield
      }) : () -> ()
      %broadcast_in_dim3A_120 = arith.constant 0 : i32
      %broadcast_in_dim3A_121 = vector.broadcast %broadcast_in_dim3A_120 : i32 to vector<16xi32>
      %parallel_loop3A_122 = arith.constant 0 : i32
      %parallel_loop3A_123 = arith.constant 4064 : i32
      %parallel_loop3A_124 = arith.constant 16 : i32
      scf.for %parallel_loop3A_237 = %parallel_loop3A_122 to %parallel_loop3A_123 step %parallel_loop3A_124  : i32 {
        %parallel_loop3A_238 = arith.constant 20 : i32
        %parallel_loop3A_239 = arith.addi %parallel_loop3A_237, %parallel_loop3A_238 : i32
        %parallel_loop3A_240 = vector.broadcast %parallel_loop3A_239 : i32 to vector<16xi32>
        %parallel_loop3A_241 = arith.addi %parallel_loop3A_240, %iota3A : vector<16xi32>
        %parallel_loop3A_242 = tpu.vector_load_idx %arg6[%broadcast_in_dim3A_121, %parallel_loop3A_241] : memref<9x4096xf32, #tpu.memory_space<vmem>>[vector<16xi32>, vector<16xi32>], vector<16xf32>,
        %parallel_loop3A_243 = arith.constant 0 : i32
        %parallel_loop3A_244 = arith.index_cast %parallel_loop3A_243 : i32 to index
        %parallel_loop3A_245 = arith.index_cast %parallel_loop3A_237 : i32 to index
        %parallel_loop3A_246 = tpu.vector_load %arg7[%parallel_loop3A_244, %parallel_loop3A_245] {strides = array<i32>} : memref<9x4076xf32, #tpu.memory_space<vmem>>, vector<16xf32>,
        tpu.vector_store %arg7[%parallel_loop3A_244, %parallel_loop3A_245], %parallel_loop3A_242 {strides = array<i32>} : memref<9x4076xf32, #tpu.memory_space<vmem>>, vector<16xf32>,
      } {sc.loop_unroll_factor = 1 : i64, sc.parallel_access}
      %add3A_125 = arith.constant 4080 : i32
      %add3A_126 = vector.broadcast %add3A_125 : i32 to vector<16xi32>
      %add3A_127 = arith.addi %add3A_126, %iota3A : vector<16xi32>
      %gather3A_128 = tpu.vector_load_idx %arg6[%broadcast_in_dim3A_121, %add3A_127] : memref<9x4096xf32, #tpu.memory_space<vmem>>[vector<16xi32>, vector<16xi32>], vector<16xf32>,
      %swap3A_129 = arith.constant 0 : i32
      %swap3A_130 = arith.index_cast %swap3A_129 : i32 to index
      %swap3A_131 = arith.constant 4060 : index
      %swap3A_132 = tpu.vector_load %arg7[%swap3A_130, %swap3A_131] {strides = array<i32>} : memref<9x4076xf32, #tpu.memory_space<vmem>>, vector<16xf32>,
      tpu.vector_store %arg7[%swap3A_130, %swap3A_131], %gather3A_128 {strides = array<i32>} : memref<9x4076xf32, #tpu.memory_space<vmem>>, vector<16xf32>,
      %broadcast_in_dim3A_133 = arith.constant 1 : i32
      %broadcast_in_dim3A_134 = vector.broadcast %broadcast_in_dim3A_133 : i32 to vector<16xi32>
      %parallel_loop3A_135 = arith.constant 0 : i32
      %parallel_loop3A_136 = arith.constant 4064 : i32
      %parallel_loop3A_137 = arith.constant 16 : i32
      scf.for %parallel_loop3A_237 = %parallel_loop3A_135 to %parallel_loop3A_136 step %parallel_loop3A_137  : i32 {
        %parallel_loop3A_238 = arith.constant 20 : i32
        %parallel_loop3A_239 = arith.addi %parallel_loop3A_237, %parallel_loop3A_238 : i32
        %parallel_loop3A_240 = vector.broadcast %parallel_loop3A_239 : i32 to vector<16xi32>
        %parallel_loop3A_241 = arith.addi %parallel_loop3A_240, %iota3A : vector<16xi32>
        %parallel_loop3A_242 = tpu.vector_load_idx %arg6[%broadcast_in_dim3A_134, %parallel_loop3A_241] : memref<9x4096xf32, #tpu.memory_space<vmem>>[vector<16xi32>, vector<16xi32>], vector<16xf32>,
        %parallel_loop3A_243 = arith.constant 1 : i32
        %parallel_loop3A_244 = arith.index_cast %parallel_loop3A_243 : i32 to index
        %parallel_loop3A_245 = arith.index_cast %parallel_loop3A_237 : i32 to index
        %parallel_loop3A_246 = tpu.vector_load %arg7[%parallel_loop3A_244, %parallel_loop3A_245] {strides = array<i32>} : memref<9x4076xf32, #tpu.memory_space<vmem>>, vector<16xf32>,
        tpu.vector_store %arg7[%parallel_loop3A_244, %parallel_loop3A_245], %parallel_loop3A_242 {strides = array<i32>} : memref<9x4076xf32, #tpu.memory_space<vmem>>, vector<16xf32>,
      } {sc.loop_unroll_factor = 1 : i64, sc.parallel_access}
      %add3A_138 = arith.constant 4080 : i32
      %add3A_139 = vector.broadcast %add3A_138 : i32 to vector<16xi32>
      %add3A_140 = arith.addi %add3A_139, %iota3A : vector<16xi32>
      %gather3A_141 = tpu.vector_load_idx %arg6[%broadcast_in_dim3A_134, %add3A_140] : memref<9x4096xf32, #tpu.memory_space<vmem>>[vector<16xi32>, vector<16xi32>], vector<16xf32>,
      %swap3A_142 = arith.constant 1 : i32
      %swap3A_143 = arith.index_cast %swap3A_142 : i32 to index
      %swap3A_144 = arith.constant 4060 : index
      %swap3A_145 = tpu.vector_load %arg7[%swap3A_143, %swap3A_144] {strides = array<i32>} : memref<9x4076xf32, #tpu.memory_space<vmem>>, vector<16xf32>,
      tpu.vector_store %arg7[%swap3A_143, %swap3A_144], %gather3A_141 {strides = array<i32>} : memref<9x4076xf32, #tpu.memory_space<vmem>>, vector<16xf32>,
      %broadcast_in_dim3A_146 = arith.constant 2 : i32
      %broadcast_in_dim3A_147 = vector.broadcast %broadcast_in_dim3A_146 : i32 to vector<16xi32>
      %parallel_loop3A_148 = arith.constant 0 : i32
      %parallel_loop3A_149 = arith.constant 4064 : i32
      %parallel_loop3A_150 = arith.constant 16 : i32
      scf.for %parallel_loop3A_237 = %parallel_loop3A_148 to %parallel_loop3A_149 step %parallel_loop3A_150  : i32 {
        %parallel_loop3A_238 = arith.constant 20 : i32
        %parallel_loop3A_239 = arith.addi %parallel_loop3A_237, %parallel_loop3A_238 : i32
        %parallel_loop3A_240 = vector.broadcast %parallel_loop3A_239 : i32 to vector<16xi32>
        %parallel_loop3A_241 = arith.addi %parallel_loop3A_240, %iota3A : vector<16xi32>
        %parallel_loop3A_242 = tpu.vector_load_idx %arg6[%broadcast_in_dim3A_147, %parallel_loop3A_241] : memref<9x4096xf32, #tpu.memory_space<vmem>>[vector<16xi32>, vector<16xi32>], vector<16xf32>,
        %parallel_loop3A_243 = arith.constant 2 : i32
        %parallel_loop3A_244 = arith.index_cast %parallel_loop3A_243 : i32 to index
        %parallel_loop3A_245 = arith.index_cast %parallel_loop3A_237 : i32 to index
        %parallel_loop3A_246 = tpu.vector_load %arg7[%parallel_loop3A_244, %parallel_loop3A_245] {strides = array<i32>} : memref<9x4076xf32, #tpu.memory_space<vmem>>, vector<16xf32>,
        tpu.vector_store %arg7[%parallel_loop3A_244, %parallel_loop3A_245], %parallel_loop3A_242 {strides = array<i32>} : memref<9x4076xf32, #tpu.memory_space<vmem>>, vector<16xf32>,
      } {sc.loop_unroll_factor = 1 : i64, sc.parallel_access}
      %add3A_151 = arith.constant 4080 : i32
      %add3A_152 = vector.broadcast %add3A_151 : i32 to vector<16xi32>
      %add3A_153 = arith.addi %add3A_152, %iota3A : vector<16xi32>
      %gather3A_154 = tpu.vector_load_idx %arg6[%broadcast_in_dim3A_147, %add3A_153] : memref<9x4096xf32, #tpu.memory_space<vmem>>[vector<16xi32>, vector<16xi32>], vector<16xf32>,
      %swap3A_155 = arith.constant 2 : i32
      %swap3A_156 = arith.index_cast %swap3A_155 : i32 to index
      %swap3A_157 = arith.constant 4060 : index
      %swap3A_158 = tpu.vector_load %arg7[%swap3A_156, %swap3A_157] {strides = array<i32>} : memref<9x4076xf32, #tpu.memory_space<vmem>>, vector<16xf32>,
      tpu.vector_store %arg7[%swap3A_156, %swap3A_157], %gather3A_154 {strides = array<i32>} : memref<9x4076xf32, #tpu.memory_space<vmem>>, vector<16xf32>,
      %broadcast_in_dim3A_159 = arith.constant 3 : i32
      %broadcast_in_dim3A_160 = vector.broadcast %broadcast_in_dim3A_159 : i32 to vector<16xi32>
      %parallel_loop3A_161 = arith.constant 0 : i32
      %parallel_loop3A_162 = arith.constant 4064 : i32
      %parallel_loop3A_163 = arith.constant 16 : i32
      scf.for %parallel_loop3A_237 = %parallel_loop3A_161 to %parallel_loop3A_162 step %parallel_loop3A_163  : i32 {
        %parallel_loop3A_238 = arith.constant 20 : i32
        %parallel_loop3A_239 = arith.addi %parallel_loop3A_237, %parallel_loop3A_238 : i32
        %parallel_loop3A_240 = vector.broadcast %parallel_loop3A_239 : i32 to vector<16xi32>
        %parallel_loop3A_241 = arith.addi %parallel_loop3A_240, %iota3A : vector<16xi32>
        %parallel_loop3A_242 = tpu.vector_load_idx %arg6[%broadcast_in_dim3A_160, %parallel_loop3A_241] : memref<9x4096xf32, #tpu.memory_space<vmem>>[vector<16xi32>, vector<16xi32>], vector<16xf32>,
        %parallel_loop3A_243 = arith.constant 3 : i32
        %parallel_loop3A_244 = arith.index_cast %parallel_loop3A_243 : i32 to index
        %parallel_loop3A_245 = arith.index_cast %parallel_loop3A_237 : i32 to index
        %parallel_loop3A_246 = tpu.vector_load %arg7[%parallel_loop3A_244, %parallel_loop3A_245] {strides = array<i32>} : memref<9x4076xf32, #tpu.memory_space<vmem>>, vector<16xf32>,
        tpu.vector_store %arg7[%parallel_loop3A_244, %parallel_loop3A_245], %parallel_loop3A_242 {strides = array<i32>} : memref<9x4076xf32, #tpu.memory_space<vmem>>, vector<16xf32>,
      } {sc.loop_unroll_factor = 1 : i64, sc.parallel_access}
      %add3A_164 = arith.constant 4080 : i32
      %add3A_165 = vector.broadcast %add3A_164 : i32 to vector<16xi32>
      %add3A_166 = arith.addi %add3A_165, %iota3A : vector<16xi32>
      %gather3A_167 = tpu.vector_load_idx %arg6[%broadcast_in_dim3A_160, %add3A_166] : memref<9x4096xf32, #tpu.memory_space<vmem>>[vector<16xi32>, vector<16xi32>], vector<16xf32>,
      %swap3A_168 = arith.constant 3 : i32
      %swap3A_169 = arith.index_cast %swap3A_168 : i32 to index
      %swap3A_170 = arith.constant 4060 : index
      %swap3A_171 = tpu.vector_load %arg7[%swap3A_169, %swap3A_170] {strides = array<i32>} : memref<9x4076xf32, #tpu.memory_space<vmem>>, vector<16xf32>,
      tpu.vector_store %arg7[%swap3A_169, %swap3A_170], %gather3A_167 {strides = array<i32>} : memref<9x4076xf32, #tpu.memory_space<vmem>>, vector<16xf32>,
      %broadcast_in_dim3A_172 = arith.constant 4 : i32
      %broadcast_in_dim3A_173 = vector.broadcast %broadcast_in_dim3A_172 : i32 to vector<16xi32>
      %parallel_loop3A_174 = arith.constant 0 : i32
      %parallel_loop3A_175 = arith.constant 4064 : i32
      %parallel_loop3A_176 = arith.constant 16 : i32
      scf.for %parallel_loop3A_237 = %parallel_loop3A_174 to %parallel_loop3A_175 step %parallel_loop3A_176  : i32 {
        %parallel_loop3A_238 = arith.constant 20 : i32
        %parallel_loop3A_239 = arith.addi %parallel_loop3A_237, %parallel_loop3A_238 : i32
        %parallel_loop3A_240 = vector.broadcast %parallel_loop3A_239 : i32 to vector<16xi32>
        %parallel_loop3A_241 = arith.addi %parallel_loop3A_240, %iota3A : vector<16xi32>
        %parallel_loop3A_242 = tpu.vector_load_idx %arg6[%broadcast_in_dim3A_173, %parallel_loop3A_241] : memref<9x4096xf32, #tpu.memory_space<vmem>>[vector<16xi32>, vector<16xi32>], vector<16xf32>,
        %parallel_loop3A_243 = arith.constant 4 : i32
        %parallel_loop3A_244 = arith.index_cast %parallel_loop3A_243 : i32 to index
        %parallel_loop3A_245 = arith.index_cast %parallel_loop3A_237 : i32 to index
        %parallel_loop3A_246 = tpu.vector_load %arg7[%parallel_loop3A_244, %parallel_loop3A_245] {strides = array<i32>} : memref<9x4076xf32, #tpu.memory_space<vmem>>, vector<16xf32>,
        tpu.vector_store %arg7[%parallel_loop3A_244, %parallel_loop3A_245], %parallel_loop3A_242 {strides = array<i32>} : memref<9x4076xf32, #tpu.memory_space<vmem>>, vector<16xf32>,
      } {sc.loop_unroll_factor = 1 : i64, sc.parallel_access}
      %add3A_177 = arith.constant 4080 : i32
      %add3A_178 = vector.broadcast %add3A_177 : i32 to vector<16xi32>
      %add3A_179 = arith.addi %add3A_178, %iota3A : vector<16xi32>
      %gather3A_180 = tpu.vector_load_idx %arg6[%broadcast_in_dim3A_173, %add3A_179] : memref<9x4096xf32, #tpu.memory_space<vmem>>[vector<16xi32>, vector<16xi32>], vector<16xf32>,
      %swap3A_181 = arith.constant 4 : i32
      %swap3A_182 = arith.index_cast %swap3A_181 : i32 to index
      %swap3A_183 = arith.constant 4060 : index
      %swap3A_184 = tpu.vector_load %arg7[%swap3A_182, %swap3A_183] {strides = array<i32>} : memref<9x4076xf32, #tpu.memory_space<vmem>>, vector<16xf32>,
      tpu.vector_store %arg7[%swap3A_182, %swap3A_183], %gather3A_180 {strides = array<i32>} : memref<9x4076xf32, #tpu.memory_space<vmem>>, vector<16xf32>,
      %broadcast_in_dim3A_185 = arith.constant 5 : i32
      %broadcast_in_dim3A_186 = vector.broadcast %broadcast_in_dim3A_185 : i32 to vector<16xi32>
      %parallel_loop3A_187 = arith.constant 0 : i32
      %parallel_loop3A_188 = arith.constant 4064 : i32
      %parallel_loop3A_189 = arith.constant 16 : i32
      scf.for %parallel_loop3A_237 = %parallel_loop3A_187 to %parallel_loop3A_188 step %parallel_loop3A_189  : i32 {
        %parallel_loop3A_238 = arith.constant 20 : i32
        %parallel_loop3A_239 = arith.addi %parallel_loop3A_237, %parallel_loop3A_238 : i32
        %parallel_loop3A_240 = vector.broadcast %parallel_loop3A_239 : i32 to vector<16xi32>
        %parallel_loop3A_241 = arith.addi %parallel_loop3A_240, %iota3A : vector<16xi32>
        %parallel_loop3A_242 = tpu.vector_load_idx %arg6[%broadcast_in_dim3A_186, %parallel_loop3A_241] : memref<9x4096xf32, #tpu.memory_space<vmem>>[vector<16xi32>, vector<16xi32>], vector<16xf32>,
        %parallel_loop3A_243 = arith.constant 5 : i32
        %parallel_loop3A_244 = arith.index_cast %parallel_loop3A_243 : i32 to index
        %parallel_loop3A_245 = arith.index_cast %parallel_loop3A_237 : i32 to index
        %parallel_loop3A_246 = tpu.vector_load %arg7[%parallel_loop3A_244, %parallel_loop3A_245] {strides = array<i32>} : memref<9x4076xf32, #tpu.memory_space<vmem>>, vector<16xf32>,
        tpu.vector_store %arg7[%parallel_loop3A_244, %parallel_loop3A_245], %parallel_loop3A_242 {strides = array<i32>} : memref<9x4076xf32, #tpu.memory_space<vmem>>, vector<16xf32>,
      } {sc.loop_unroll_factor = 1 : i64, sc.parallel_access}
      %add3A_190 = arith.constant 4080 : i32
      %add3A_191 = vector.broadcast %add3A_190 : i32 to vector<16xi32>
      %add3A_192 = arith.addi %add3A_191, %iota3A : vector<16xi32>
      %gather3A_193 = tpu.vector_load_idx %arg6[%broadcast_in_dim3A_186, %add3A_192] : memref<9x4096xf32, #tpu.memory_space<vmem>>[vector<16xi32>, vector<16xi32>], vector<16xf32>,
      %swap3A_194 = arith.constant 5 : i32
      %swap3A_195 = arith.index_cast %swap3A_194 : i32 to index
      %swap3A_196 = arith.constant 4060 : index
      %swap3A_197 = tpu.vector_load %arg7[%swap3A_195, %swap3A_196] {strides = array<i32>} : memref<9x4076xf32, #tpu.memory_space<vmem>>, vector<16xf32>,
      tpu.vector_store %arg7[%swap3A_195, %swap3A_196], %gather3A_193 {strides = array<i32>} : memref<9x4076xf32, #tpu.memory_space<vmem>>, vector<16xf32>,
      %broadcast_in_dim3A_198 = arith.constant 6 : i32
      %broadcast_in_dim3A_199 = vector.broadcast %broadcast_in_dim3A_198 : i32 to vector<16xi32>
      %parallel_loop3A_200 = arith.constant 0 : i32
      %parallel_loop3A_201 = arith.constant 4064 : i32
      %parallel_loop3A_202 = arith.constant 16 : i32
      scf.for %parallel_loop3A_237 = %parallel_loop3A_200 to %parallel_loop3A_201 step %parallel_loop3A_202  : i32 {
        %parallel_loop3A_238 = arith.constant 20 : i32
        %parallel_loop3A_239 = arith.addi %parallel_loop3A_237, %parallel_loop3A_238 : i32
        %parallel_loop3A_240 = vector.broadcast %parallel_loop3A_239 : i32 to vector<16xi32>
        %parallel_loop3A_241 = arith.addi %parallel_loop3A_240, %iota3A : vector<16xi32>
        %parallel_loop3A_242 = tpu.vector_load_idx %arg6[%broadcast_in_dim3A_199, %parallel_loop3A_241] : memref<9x4096xf32, #tpu.memory_space<vmem>>[vector<16xi32>, vector<16xi32>], vector<16xf32>,
        %parallel_loop3A_243 = arith.constant 6 : i32
        %parallel_loop3A_244 = arith.index_cast %parallel_loop3A_243 : i32 to index
        %parallel_loop3A_245 = arith.index_cast %parallel_loop3A_237 : i32 to index
        %parallel_loop3A_246 = tpu.vector_load %arg7[%parallel_loop3A_244, %parallel_loop3A_245] {strides = array<i32>} : memref<9x4076xf32, #tpu.memory_space<vmem>>, vector<16xf32>,
        tpu.vector_store %arg7[%parallel_loop3A_244, %parallel_loop3A_245], %parallel_loop3A_242 {strides = array<i32>} : memref<9x4076xf32, #tpu.memory_space<vmem>>, vector<16xf32>,
      } {sc.loop_unroll_factor = 1 : i64, sc.parallel_access}
      %add3A_203 = arith.constant 4080 : i32
      %add3A_204 = vector.broadcast %add3A_203 : i32 to vector<16xi32>
      %add3A_205 = arith.addi %add3A_204, %iota3A : vector<16xi32>
      %gather3A_206 = tpu.vector_load_idx %arg6[%broadcast_in_dim3A_199, %add3A_205] : memref<9x4096xf32, #tpu.memory_space<vmem>>[vector<16xi32>, vector<16xi32>], vector<16xf32>,
      %swap3A_207 = arith.constant 6 : i32
      %swap3A_208 = arith.index_cast %swap3A_207 : i32 to index
      %swap3A_209 = arith.constant 4060 : index
      %swap3A_210 = tpu.vector_load %arg7[%swap3A_208, %swap3A_209] {strides = array<i32>} : memref<9x4076xf32, #tpu.memory_space<vmem>>, vector<16xf32>,
      tpu.vector_store %arg7[%swap3A_208, %swap3A_209], %gather3A_206 {strides = array<i32>} : memref<9x4076xf32, #tpu.memory_space<vmem>>, vector<16xf32>,
      %broadcast_in_dim3A_211 = arith.constant 7 : i32
      %broadcast_in_dim3A_212 = vector.broadcast %broadcast_in_dim3A_211 : i32 to vector<16xi32>
      %parallel_loop3A_213 = arith.constant 0 : i32
      %parallel_loop3A_214 = arith.constant 4064 : i32
      %parallel_loop3A_215 = arith.constant 16 : i32
      scf.for %parallel_loop3A_237 = %parallel_loop3A_213 to %parallel_loop3A_214 step %parallel_loop3A_215  : i32 {
        %parallel_loop3A_238 = arith.constant 20 : i32
        %parallel_loop3A_239 = arith.addi %parallel_loop3A_237, %parallel_loop3A_238 : i32
        %parallel_loop3A_240 = vector.broadcast %parallel_loop3A_239 : i32 to vector<16xi32>
        %parallel_loop3A_241 = arith.addi %parallel_loop3A_240, %iota3A : vector<16xi32>
        %parallel_loop3A_242 = tpu.vector_load_idx %arg6[%broadcast_in_dim3A_212, %parallel_loop3A_241] : memref<9x4096xf32, #tpu.memory_space<vmem>>[vector<16xi32>, vector<16xi32>], vector<16xf32>,
        %parallel_loop3A_243 = arith.constant 7 : i32
        %parallel_loop3A_244 = arith.index_cast %parallel_loop3A_243 : i32 to index
        %parallel_loop3A_245 = arith.index_cast %parallel_loop3A_237 : i32 to index
        %parallel_loop3A_246 = tpu.vector_load %arg7[%parallel_loop3A_244, %parallel_loop3A_245] {strides = array<i32>} : memref<9x4076xf32, #tpu.memory_space<vmem>>, vector<16xf32>,
        tpu.vector_store %arg7[%parallel_loop3A_244, %parallel_loop3A_245], %parallel_loop3A_242 {strides = array<i32>} : memref<9x4076xf32, #tpu.memory_space<vmem>>, vector<16xf32>,
      } {sc.loop_unroll_factor = 1 : i64, sc.parallel_access}
      %add3A_216 = arith.constant 4080 : i32
      %add3A_217 = vector.broadcast %add3A_216 : i32 to vector<16xi32>
      %add3A_218 = arith.addi %add3A_217, %iota3A : vector<16xi32>
      %gather3A_219 = tpu.vector_load_idx %arg6[%broadcast_in_dim3A_212, %add3A_218] : memref<9x4096xf32, #tpu.memory_space<vmem>>[vector<16xi32>, vector<16xi32>], vector<16xf32>,
      %swap3A_220 = arith.constant 7 : i32
      %swap3A_221 = arith.index_cast %swap3A_220 : i32 to index
      %swap3A_222 = arith.constant 4060 : index
      %swap3A_223 = tpu.vector_load %arg7[%swap3A_221, %swap3A_222] {strides = array<i32>} : memref<9x4076xf32, #tpu.memory_space<vmem>>, vector<16xf32>,
      tpu.vector_store %arg7[%swap3A_221, %swap3A_222], %gather3A_219 {strides = array<i32>} : memref<9x4076xf32, #tpu.memory_space<vmem>>, vector<16xf32>,
      %broadcast_in_dim3A_224 = arith.constant 8 : i32
      %broadcast_in_dim3A_225 = vector.broadcast %broadcast_in_dim3A_224 : i32 to vector<16xi32>
      %parallel_loop3A_226 = arith.constant 0 : i32
      %parallel_loop3A_227 = arith.constant 4064 : i32
      %parallel_loop3A_228 = arith.constant 16 : i32
      scf.for %parallel_loop3A_237 = %parallel_loop3A_226 to %parallel_loop3A_227 step %parallel_loop3A_228  : i32 {
        %parallel_loop3A_238 = arith.constant 20 : i32
        %parallel_loop3A_239 = arith.addi %parallel_loop3A_237, %parallel_loop3A_238 : i32
        %parallel_loop3A_240 = vector.broadcast %parallel_loop3A_239 : i32 to vector<16xi32>
        %parallel_loop3A_241 = arith.addi %parallel_loop3A_240, %iota3A : vector<16xi32>
        %parallel_loop3A_242 = tpu.vector_load_idx %arg6[%broadcast_in_dim3A_225, %parallel_loop3A_241] : memref<9x4096xf32, #tpu.memory_space<vmem>>[vector<16xi32>, vector<16xi32>], vector<16xf32>,
        %parallel_loop3A_243 = arith.constant 8 : i32
        %parallel_loop3A_244 = arith.index_cast %parallel_loop3A_243 : i32 to index
        %parallel_loop3A_245 = arith.index_cast %parallel_loop3A_237 : i32 to index
        %parallel_loop3A_246 = tpu.vector_load %arg7[%parallel_loop3A_244, %parallel_loop3A_245] {strides = array<i32>} : memref<9x4076xf32, #tpu.memory_space<vmem>>, vector<16xf32>,
        tpu.vector_store %arg7[%parallel_loop3A_244, %parallel_loop3A_245], %parallel_loop3A_242 {strides = array<i32>} : memref<9x4076xf32, #tpu.memory_space<vmem>>, vector<16xf32>,
      } {sc.loop_unroll_factor = 1 : i64, sc.parallel_access}
      %add3A_229 = arith.constant 4080 : i32
      %add3A_230 = vector.broadcast %add3A_229 : i32 to vector<16xi32>
      %add3A_231 = arith.addi %add3A_230, %iota3A : vector<16xi32>
      %gather3A_232 = tpu.vector_load_idx %arg6[%broadcast_in_dim3A_225, %add3A_231] : memref<9x4096xf32, #tpu.memory_space<vmem>>[vector<16xi32>, vector<16xi32>], vector<16xf32>,
      %swap3A_233 = arith.constant 8 : i32
      %swap3A_234 = arith.index_cast %swap3A_233 : i32 to index
      %swap3A_235 = arith.constant 4060 : index
      %swap3A_236 = tpu.vector_load %arg7[%swap3A_234, %swap3A_235] {strides = array<i32>} : memref<9x4076xf32, #tpu.memory_space<vmem>>, vector<16xf32>,
      tpu.vector_store %arg7[%swap3A_234, %swap3A_235], %gather3A_232 {strides = array<i32>} : memref<9x4076xf32, #tpu.memory_space<vmem>>, vector<16xf32>,
      "tpu.region"() ({
        %run_scoped3A = tpu.sem_alloc : memref<!tpu.dma_semaphore, #tpu.memory_space<semaphore_mem>>
        %dma_start3A = arith.constant 504 : i32
        %dma_start3A_237 = arith.constant 0 : i32
        %dma_start3A_238 = tpu.memref_slice %arg5[%dma_start3A, %dma_start3A_237] : memref<513x4076xf32, #tpu.memory_space<hbm>> -> memref<9x4076xf32, #tpu.memory_space<hbm>>
        %dma_start3A_239 = arith.constant 504 : i32
        %dma_start3A_240 = arith.constant 0 : i32
        %dma_start3A_241 = tpu.memref_slice %arg5[%dma_start3A_239, %dma_start3A_240] : memref<513x4076xf32, #tpu.memory_space<hbm>> -> memref<9x4076xf32, #tpu.memory_space<hbm>>
        tpu.enqueue_dma source(%arg7 : memref<9x4076xf32, #tpu.memory_space<vmem>>) target(%dma_start3A_241 : memref<9x4076xf32, #tpu.memory_space<hbm>>) target_semaphore(%run_scoped3A : memref<!tpu.dma_semaphore, #tpu.memory_space<semaphore_mem>>)
        %dma_wait3A = arith.constant 504 : i32
        %dma_wait3A_242 = arith.constant 0 : i32
        %dma_wait3A_243 = tpu.memref_slice %arg5[%dma_wait3A, %dma_wait3A_242] : memref<513x4076xf32, #tpu.memory_space<hbm>> -> memref<9x4076xf32, #tpu.memory_space<hbm>>
        %dma_wait3A_244 = arith.constant 504 : i32
        %dma_wait3A_245 = arith.constant 0 : i32
        %dma_wait3A_246 = tpu.memref_slice %arg5[%dma_wait3A_244, %dma_wait3A_245] : memref<513x4076xf32, #tpu.memory_space<hbm>> -> memref<9x4076xf32, #tpu.memory_space<hbm>>
        tpu.wait_dma2 semaphore(%run_scoped3A : memref<!tpu.dma_semaphore, #tpu.memory_space<semaphore_mem>>) src(%arg7 : memref<9x4076xf32, #tpu.memory_space<vmem>>) dst(%dma_wait3A_246 : memref<9x4076xf32, #tpu.memory_space<hbm>>)
        tpu.yield
      }) : () -> ()
    } else {
    }
    return
  }
}

</mosaic_0001>

<sc_bundles>
// kernel: kernel.3.cloned.1.call-start
scs
__scs_entry_jumppad:
0x0: {  	(pc) =	sbr.rel $0x88, $3  }
0x1: {  	(tag) =	ssettag $0x0;
	lr =	simm.s32 $0x1  }
0x2: {  	[smem:$0x3F9F] =	sst lr;
	_ =	strace $0xD0000000  }
0x3: {  	_ = 	snop  }
0x4: {  	_ = 	snop  }
0x5: {  	_ = 	snop  }
0x6: {  	_ = 	snop  }
0x7: {  	_ = 	snop  }
__scs_overlays_trampoline_lowered:
0x8: {  	[smem:$0x3FAE] =	sst s0  }
0x9: {  	[smem:$0x3FAF] =	sst s1  }
0xa: {  	[smem:$0x3FB0] =	sst s2  }
0xb: {  	[smem:$0x3FB1] =	sst s3  }
0xc: {  	[smem:$0x3FB2] =	sst s4  }
0xd: {  	[smem:$0x3FB3] =	sst s5  }
0xe: {  	[smem:$0x3FB4] =	sst s6  }
0xf: {  	[smem:$0x3FB5] =	sst s7  }
0x10: {  	[smem:$0x3FB6] =	sst s8  }
0x11: {  	[smem:$0x3FB7] =	sst s9;
	s0 =	simm.s32 @!p0 $0x0  }
0x12: {  	s1 =	sld [smem:$0x3F9D];
	s0 =	simm.s32 @p0 $0x1  }
0x13: {  	[smem:$0x3FB8] =	sst s0;
	s0 =	simm.s32 @!p1 $0x0  }
0x14: {  	s2 =	sld [smem:$0x3F9C];
	s0 =	simm.s32 @p1 $0x1  }
0x15: {  	[smem:$0x3FB9] =	sst s0;
	s0 =	simm.s32 @!p2 $0x0  }
0x16: {  	s3 =	sld [smem:$0x3FDB];
	s0 =	simm.s32 @p2 $0x1  }
0x17: {  	s4 =	simm.s32 $0x1BF5;
	[smem:$0x3FBB] =	sst s0  }
0x18: {  	s0 =	sld [smem:$0x3F9E];
	_ =	swait.ge [sflag:s4], $0x0  }
0x19: {  	s7 =	sld [smem:$0x3F9F]  }
0x1a: {  	s8 =	sadd.s32 $0xFFFFE003, lr  }
0x1b: {  	s9 =	sadd.s32 $0xFFFFFEF7, lr;
	s5 =	simm.s32 $0xFFFFFFFF;
	p2 =	slt.u32 s8, $0xFFFFF086  }
0x1c: {  	p1 =	slt.u32 s9, $0xF7A;
	s5 =	simm.s32 @!p2 $0x0  }
0x1d: {  	s5 =	simm.s32 @p1 $0x1;
	p0 =	seq.s32 s7, s2  }
0x1e: {  	s7 =	smul.u32 @!p0 $0xF7A, s2;
	p2 =	seq.s32 @!p0 s5, $0x0  }
0x1f: {  	s9 =	smul.u32 $0xF7A, s1;
	s8 =	simm.s32 @!p0 $0x1BF5;
	p2 =	por !p2, p0  }
0x20: {  	[sflag:s8] =	ssyncset.s32 @!p0 $0xFFFFF086;
	s6 =	sadd.s32 @!p0 s3, s7;
	s7 =	simm.s32 @!p0 $0x108  }
0x21: {  	s3 =	sadd.s32 s3, s9;
	s6 =	sadd.s32 @!p0 $0x88, s6;
	s7 =	simm.s32 @p2 $0x1082  }
0x22: {  	[simem:s7], [sflag:s8] =	dma.local @!p0 [hbm:s6], $0xF7A  }
0x23: {  	s9 =	sor.u32 $0xD0000000, s2;
	s6 =	simm.s32 $0x108;
	_ =	swait.ge @!p0 [sflag:s8], $0x0  }
0x24: {  	s3 =	sadd.s32 $0x88, s3;
	s6 =	simm.s32 @!p1 $0x1082;
	[sflag:s4] =	ssyncset.s32 $0xFFFFF086  }
0x25: {  	[simem:s6], [sflag:s4] =	dma.local [hbm:s3], $0xF7A  }
0x26: {  	[smem:$0x3F9F] =	sst s1;
	(tag) =	ssettag s2;
	_ =	strace s9  }
0x27: {  	s1 =	sld [smem:$0x3FAF]  }
0x28: {  	s2 =	sld [smem:$0x3FB0]  }
0x29: {  	s4 =	sld [smem:$0x3FB2]  }
0x2a: {  	p0 =	seq.s32 s5, $0x0;
	s5 =	sld [smem:$0x3FB3]  }
0x2b: {  	s6 =	sld [smem:$0x3FB4]  }
0x2c: {  	s7 =	sld [smem:$0x3FB5]  }
0x2d: {  	s3 =	simm.s32 $0x108;
	s8 =	sld [smem:$0x3FB6]  }
0x2e: {  	s3 =	simm.s32 @!p0 $0x1082;
	s9 =	sld [smem:$0x3FB7]  }
0x2f: {  	lr =	sadd.s32 s0, s3;
	s0 =	sld [smem:$0x3FAE]  }
0x30: {  	s3 =	sld [smem:$0x3FB1]  }
0x31: {  	[smem:$0x3FBA] =	sst s10  }
0x32: {  	s10 =	sld [smem:$0x3FB8];
	_ =	sdelay $0x3  }
0x33: {  	p0 =	seq.s32 s10, $0x1;
	s10 =	sld [smem:$0x3FBA];
	_ =	sdelay $0x3  }
0x34: {  	[smem:$0x3FBA] =	sst s10  }
0x35: {  	s10 =	sld [smem:$0x3FB9];
	_ =	sdelay $0x3  }
0x36: {  	p1 =	seq.s32 s10, $0x1;
	s10 =	sld [smem:$0x3FBA];
	_ =	sdelay $0x3  }
0x37: {  	[smem:$0x3FBA] =	sst s10  }
0x38: {  	s10 =	sld [smem:$0x3FBB]  }
0x39: {  	_ = 	snop;
	(pc) =	sbr.ind lr, $3  }
0x3a: {  	_ = 	snop  }
0x3b: {  	_ = 	snop  }
0x3c: {  	p2 =	seq.s32 s10, $0x1;
	s10 =	sld [smem:$0x3FBA]  }
0x3d: {  	_ =	shalt  }
0x3e: {  	_ =	shalt  }
0x3f: {  	_ =	shalt  }
0x40: {  	_ =	shalt  }
0x41: {  	_ =	shalt  }
0x42: {  	_ =	shalt  }
0x43: {  	_ =	shalt  }
0x44: {  	_ =	shalt  }
0x45: {  	_ =	shalt  }
0x46: {  	_ =	shalt  }
0x47: {  	_ =	shalt  }
0x48: {  	_ =	shalt  }
0x49: {  	_ =	shalt  }
0x4a: {  	_ =	shalt  }
0x4b: {  	_ =	shalt  }
0x4c: {  	_ =	shalt  }
0x4d: {  	_ =	shalt  }
0x4e: {  	_ =	shalt  }
0x4f: {  	_ =	shalt  }
0x50: {  	_ =	shalt  }
0x51: {  	_ =	shalt  }
0x52: {  	_ =	shalt  }
0x53: {  	_ =	shalt  }
0x54: {  	_ =	shalt  }
0x55: {  	_ =	shalt  }
0x56: {  	_ =	shalt  }
0x57: {  	_ =	shalt  }
0x58: {  	_ =	shalt  }
0x59: {  	_ =	shalt  }
0x5a: {  	_ =	shalt  }
0x5b: {  	_ =	shalt  }
0x5c: {  	_ =	shalt  }
0x5d: {  	_ =	shalt  }
0x5e: {  	_ =	shalt  }
0x5f: {  	_ =	shalt  }
0x60: {  	_ =	shalt  }
0x61: {  	_ =	shalt  }
0x62: {  	_ =	shalt  }
0x63: {  	_ =	shalt  }
0x64: {  	_ =	shalt  }
0x65: {  	_ =	shalt  }
0x66: {  	_ =	shalt  }
0x67: {  	_ =	shalt  }
0x68: {  	_ =	shalt  }
0x69: {  	_ =	shalt  }
0x6a: {  	_ =	shalt  }
0x6b: {  	_ =	shalt  }
0x6c: {  	_ =	shalt  }
0x6d: {  	_ =	shalt  }
0x6e: {  	_ =	shalt  }
0x6f: {  	_ =	shalt  }
0x70: {  	_ =	shalt  }
0x71: {  	_ =	shalt  }
0x72: {  	_ =	shalt  }
0x73: {  	_ =	shalt  }
0x74: {  	_ =	shalt  }
0x75: {  	_ =	shalt  }
0x76: {  	_ =	shalt  }
0x77: {  	_ =	shalt  }
0x78: {  	_ =	shalt  }
0x79: {  	_ =	shalt  }
0x7a: {  	_ =	shalt  }
0x7b: {  	_ =	shalt  }
0x7c: {  	_ =	shalt  }
0x7d: {  	_ =	shalt  }
0x7e: {  	_ =	shalt  }
0x7f: {  	_ =	shalt  }
0x80: {  	_ =	shalt  }
0x81: {  	_ =	shalt  }
0x82: {  	_ =	shalt  }
0x83: {  	_ =	shalt  }
0x84: {  	_ =	shalt  }
0x85: {  	_ =	shalt  }
0x86: {  	_ =	shalt  }
0x87: {  	_ =	shalt  }
.Lfunc_end0:
.L_simem_size_0:
called_computation_lowered:
.L_overlay_start_0:
0x88: {  	s2 =	sld [smem:$0x3FD9]  }
0x89: {  	s3 =	sld [smem:$0x3FFE];
	_ =	sdelay $0x1  }
0x8a: {  	s1 =	srdreg.scid  }
0x8b: {  	s0 =	sand.u32 $0x1, s1  }
0x8c: {  	s15 =	sshll.u32 s0, $0xA;
	s2 =	sadd.s32 s3, s2  }
0x8d: {  	s2 =	sadd.s32 s2, s15  }
0x8e: {  	[smem:$0x3FC6] =	sst s2  }
0x8f: {  	_ = 	snop  }
0x90: {  	s2 =	sld [smem:$0x3FD0];
	_ =	sdelay $0x1  }
0x91: {  	s16 =	sld [smem:$0x3FC9]  }
0x92: {  	s5 =	simm.s32 $0xA;
	s6 =	simm.s32 $0x10;
	s4 =	sld [smem:$0x3FC8]  }
0x93: {  	[smem:s6], [sflag:s5] =	dma.local [hbm:s2], $0x1  }
0x94: {  	_ =	swait.eq [sflag:s5], $0x1  }
0x95: {  	[sflag:s5] =	ssyncset.done $0x0  }
0x96: {  	s17 =	sld [smem:$0x10];
	[sflag:s5] =	ssyncadd.s32 $0xFFFFFFFF  }
0x97: {  	s18 =	sld [smem:$0x11];
	(tm) =	ssettm $0x1  }
0x98: {  	s19 =	sld [smem:$0x3FFB];
	_ =	sdelay $0x3  }
0x99: {  	_ =	strace s19  }
0x9a: {  	s6 =	sld [smem:$0x3FFC];
	_ =	sdelay $0x3  }
0x9b: {  	_ =	strace s6  }
0x9c: {  	s6 =	sld [smem:$0x3FFD];
	_ =	sdelay $0x3  }
0x9d: {  	_ =	strace s6  }
0x9e: {  	_ =	strace $0x8FFFFFFF  }
0x9f: {  	s20 =	sld [smem:$0x3FDB];
	_ =	sdelay $0x1  }
0xa0: {  	s7 =	simm.s32 $_scs_section_size  }
0xa1: {  	s8 =	simm.s32 $_size__tile_overlayer_lowered;
	s9 =	simm.s32 $_tile_overlayer_lowered  }
0xa2: {  	s23 =	simm.s32 $0x1BFF;
	s22 =	sshll.u32 s9, $0x1;
	s6 =	sadd.s32 s7, s20  }
0xa3: {  	s10 =	simm.s32 $0x0;
	s21 =	sshll.u32 s8, $0x1;
	s8 =	sadd.s32 s22, s6  }
0xa4: {  	[timem:s10], [sflag:s23] =	dma.local [hbm:s8], s21  }
0xa5: {  	_ =	swait.ge [sflag:s23], s21  }
0xa6: {  	s7 =	ssub.s32 $0x0, s21;
	[sflag:s23] =	ssyncset.done $0x0  }
0xa7: {  	[sflag:s23] =	ssyncadd.s32 s7;
	_ =	sdelay $0x1  }
0xa8: {  	s24 =	simm.s32 $0x1B8B  }
0xa9: {  	_ =	swait.ge [sflag:s24], $0x1  }
0xaa: {  	[sflag:s24] =	ssyncset.done $0x0  }
0xab: {  	s25 =	simm.s32 $0x1B8E;
	[sflag:s24] =	ssyncadd.s32 $0xFFFFFFFF  }
0xac: {  	s26 =	simm.s32 $execute0_lowered;
	[smem:$0x3FD2] =	sst s25  }
0xad: {  	s7 =	sshll.u32 s26, $0x1;
	_ =	strace $0x80000046;
	[dreg:$0x1] =	wrdreg $0xFFFFFFFF  }
0xae: {  	s28 =	simm.s32 $_size_execute0_lowered;
	s6 =	sadd.s32 s6, s7;
	[dreg:$0x0] =	wrdreg $0x0  }
0xaf: {  	s7 =	sshll.u32 s28, $0x1;
	[dreg:$0x2] =	wrdreg s6  }
0xb0: {  	[dreg:$0x3] =	wrdreg s7  }
0xb1: {  	[dreg:$0x4] =	wrdreg $0xC0  }
0xb2: {  	_ =	task [dreg:s10], $0x5FFFF  }
0xb3: {  	[dreg:$0x1] =	wrdreg $0xFFFFFFFF  }
0xb4: {  	[dreg:$0x0] =	wrdreg $0x60  }
0xb5: {  	[dreg:$0x2] =	wrdreg s16  }
0xb6: {  	[dreg:$0x3] =	wrdreg s4  }
0xb7: {  	[dreg:$0x4] =	wrdreg s17  }
0xb8: {  	[dreg:$0x5] =	wrdreg s18  }
0xb9: {  	[dreg:$0x6] =	wrdreg $0x9  }
0xba: {  	_ =	task.clear_ibuf [dreg:s10], $0x7FFFF;
	_ =	strace $0x90000046  }
0xbb: {  	s29 =	simm.s32 $0x9;
	_ =	strace $0x80000048  }
0xbc: {  	_ =	swait.ge [sflag:s29], $0x1  }
0xbd: {  	[sflag:s29] =	ssyncadd.s32 $0xFFFFFFFF  }
0xbe: {  	_ =	strace $0x90000048  }
0xbf: {  	_ =	sfence  }
0xc0: {  	s30 =	sld [smem:$0x0];
	_ =	sdelay $0x2  }
0xc1: {  	s31 =	sshll.u32 s1, $0xD;
	s1 =	sshrl.u32 s1, $0x2  }
0xc2: {  	s3 =	sand.u32 $0x4000, s31;
	s1 =	sadd.s32 s1, s30  }
0xc3: {  	s0 =	sor.u32 s3, s0;
	s1 =	sshll.u32 s1, $0x11  }
0xc4: {  	s0 =	sor.u32 s1, s0  }
0xc5: {  	s0 =	sadd.s32 $0x8F2B, s0  }
0xc6: {  	[sflag:s0] =	ssyncadd.remote.s32 $0x1  }
0xc7: {  	_ =	sfence.sel $0xFFFF  }
0xc8: {  	[dreg:$0x0] =	wrdreg $0xFFFFFFFF;
	(pc) =	sbr.abs _section_cstart, $3  }
0xc9: {  	[dreg:$0x1] =	wrdreg $0xFFFFFFFF  }
0xca: {  	_ =	task.clear_ibuf [dreg:s10], $0x2FFFF;
	_ =	strace $0x9FFFFFFF  }
0xcb: {  	(tm) =	ssettm $0x7FFFFFFF  }
tec
execute0_lowered:
.L_overlay_start_1:
0x0: {  	(tag) =	ssettag $0x1  }
0x1: {  	s12 =	rddreg [dreg:$0x0]  }
0x2: {  	s13 =	rddreg [dreg:$0x1]  }
0x3: {  	s2 =	rddreg [dreg:$0x2]  }
0x4: {  	s14 =	rddreg [dreg:$0x3]  }
0x5: {  	s0 =	rddreg [dreg:$0x4]  }
0x6: {  	s4 =	srdreg.scid;
	s1 =	stileid.u32;
	s3 =	simm.s32 $0x0  }
0x7: {  	s16 =	simm.s32 $0x1;
	s17 =	simm.s32 $0x10000;
	s4 =	sand.u32 $0x1, s4  }
0x8: {  	s5 =	sshll.u32 s1, $0x1;
	[smem:$0x7FF] =	sst s3;
	s6 =	ssub.s32 $0x2, s4  }
0x9: {  	s18 =	sor.u32 s4, s5;
	_ =	strace $0x80000047;
	s31 =	sshrl.u32 s6, $0x1  }
0xa: {  	s4 =	sshll.u32 s18, $0xF;
	s8 =	sshll.u32 s18, $0xC;
	p0 =	seq.s32 s18, $0x1F  }
.Ltmp0:
0xb: {  	s18 =	simm.s32 $0x0;
	s15 =	ssub.s32 s6, s31;
	(pc) =	sbr.rel .LBB2_1-.Ltmp0, $4  }
0xc: {  	v0 =	vlaneseq.u32;
	s5 =	sor.u32 $0x100000, s4;
	s6 =	sadd.s32 s12, s8;
	s7 =	sadd.s32 s13, s8  }
0xd: {  	v1 =	vor.u32 $0x7C70, v0;
	v2 =	vor.u32 $0x7CF0, v0;
	v3 =	vor.u32 $0x7D70, v0;
	s8 =	sadd.s32 s14, s8;
	s11 =	sshrl.u32 s5, $0x3;
	s15 =	smax.u32 s15, $0x1  }
0xe: {  	v4 =	vor.u32 $0x7DF0, v0;
	v5 =	vor.u32 $0x7E70, v0;
	v6 =	vor.u32 $0x7EF0, v0;
	s9 =	sadd.s32 s12, s11;
	s10 =	sadd.s32 s13, s11;
	s11 =	sadd.s32 s14, s11  }
0xf: {  	v7 =	vor.u32 $0x7F70, v0;
	v8 =	vor.u32 $0x7FF0, v0;
	v9 =	vor.u32 $0xFC70, v0;
	s12 =	sadd.s32 $0x3F000, s12;
	s13 =	sadd.s32 $0x3F000, s13;
	s14 =	sadd.s32 $0x3F000, s14  }
.LBB2_110:
0x10: {  	s18 =	sadd.s32 $0x1, s18  }
0x11: {  	p1 =	sne.s32 s18, s15  }
.Ltmp1:
0x12: {  	_ = 	snop;
	(pc) =	sbr.rel @!p1 .LBB2_111-.Ltmp1, $1  }
0x13: {  	_ =	sdelay $0x3  }
.LBB2_1:
0x14: {  	[tilespmem:s3], [sflag:$0x1] =	stream.linear.gather [hbm4b:s6+s3], $0x8000, $0x38;
	v63 =	vld [tilespmem:$0x0]  }
0x15: {  	_ =	swait.ge [sflag:s16], $0x8000  }
0x16: {  	[sflag:s16] =	ssyncset.done $0x0  }
0x17: {  	s19 =	simm.s32 $0x0;
	[sflag:s16] =	ssyncadd.s32 $0xFFFF8000  }
.LBB2_2:
0x18: {  	s20 =	sadd.s32 $0x0, s19  }
0x19: {  	v10 =	vadd.s32 s20, v0  }
0x1a: {  	v11 =	vshll.u32 v10, $0x3  }
0x1b: {  	v10 =	vand.u32 $0x7F, v10;
	v11 =	vand.u32 $0x1FC00, v11  }
0x1c: {  	v10 =	vor.u32 v10, v11  }
0x1d: {  	s30 =	sadd.s32 $0x10, s19  }
0x1e: {  	v11 =	vadd.s32 s30, v0  }
0x1f: {  	v12 =	vshll.u32 v11, $0x3  }
0x20: {  	v11 =	vand.u32 $0x7F, v11;
	v12 =	vand.u32 $0x1FC00, v12  }
0x21: {  	v11 =	vor.u32 v11, v12;
	v10 =	vld.idx.msk [tilespmem:v10+s3+$0x0], $0xffff  }
0x22: {  	s21 =	sadd.s32 $0x20, s19  }
0x23: {  	s20 =	simm.s32 $0x0;
	v62 =	vadd.s32 s21, v0  }
0x24: {  	s31 =	sand.u32 $0x70, s20;
	s22 =	sand.u32 $0x7C00, s20;
	v13 =	vshll.u32 v62, $0x3  }
0x25: {  	s23 =	sor.u32 s31, s22;
	v13 =	vand.u32 $0x1FC00, v13;
	v12 =	vand.u32 $0x7F, v62  }
0x26: {  	v11 =	vld.idx.msk [tilespmem:v11+s3+$0x0], $0xffff;
	[tilespmem:s23+$0x10000] =	vst v10;
	v10 =	vor.u32 v12, v13  }
0x27: {  	s21 =	simm.s32 $0x20;
	s22 =	simm.s32 $0x10;
	s23 =	simm.s32 $0x30  }
.LBB2_3:
0x28: {  	s24 =	sadd.s32 s23, s19;
	p1 =	slt.u32 s23, $0xFD0;
	s20 =	sadd.s32 $0x80, s20  }
.Ltmp2:
0x29: {  	s22 =	sand.u32 $0x70, s22;
	v12 =	vadd.s32 s24, v0;
	s24 =	sand.u32 $0x7C00, s20;
	(pc) =	sbr.rel @p1 .LBB2_3-.Ltmp2, $4  }
0x2a: {  	v13 =	vshll.u32 v12, $0x3;
	s24 =	sor.u32 s22, s24;
	s22 =	smov.u32 s21;
	s21 =	smov.u32 s23  }
0x2b: {  	v12 =	vand.u32 $0x7F, v12;
	v13 =	vand.u32 $0x1FC00, v13;
	[tilespmem:s24+$0x10000] =	vst v11;
	v11 =	vld.idx.msk [tilespmem:v10+s3+$0x0], $0xffff  }
0x2c: {  	v10 =	vor.u32 v12, v13  }
0x2d: {  	s23 =	sadd.s32 $0x10, s23  }
0x2e: {  	_ = 	snop  }
0x2f: {  	s23 =	sadd.s32 $0xFDC, s19  }
0x30: {  	v12 =	vadd.s32 s23, v0  }
0x31: {  	v13 =	vshll.u32 v12, $0x3  }
0x32: {  	v14 =	vld.idx.msk [tilespmem:v10+s3+$0x0], $0xffff;
	v10 =	vand.u32 $0x7F, v12;
	v12 =	vand.u32 $0xFC00, v13  }
0x33: {  	s20 =	sadd.s32 $0x80, s20;
	s22 =	sand.u32 $0x70, s22;
	v10 =	vor.u32 v10, v12  }
0x34: {  	s24 =	sadd.s32 $0x0, s19;
	s25 =	sand.u32 $0x7C00, s20;
	s20 =	sadd.s32 $0x80, s20  }
0x35: {  	s21 =	sand.u32 $0x70, s21;
	s22 =	sor.u32 s22, s25;
	s20 =	sand.u32 $0x7C00, s20;
	v12 =	vadd.s32 s24, v0  }
0x36: {  	[tilespmem:s22+$0x10000] =	vst v11;
	s20 =	sor.u32 s21, s20;
	v11 =	vshll.u32 v12, $0x3  }
0x37: {  	[tilespmem:s20+$0x10000] =	vst v14;
	s20 =	simm.s32 $0x0;
	v12 =	vand.u32 $0x7F, v12;
	v11 =	vand.u32 $0x1FC00, v11  }
0x38: {  	v11 =	vor.u32 v11, v12;
	v13 =	vld.idx.msk [tilespmem:v10+s20+$0x0], $0xffff  }
0x39: {  	s26 =	sadd.s32 $0x10, s19;
	v11 =	vor.u32 $0x80, v11  }
0x3a: {  	v12 =	vadd.s32 s26, v0  }
0x3b: {  	v14 =	vshll.u32 v12, $0x3  }
0x3c: {  	v12 =	vand.u32 $0x7F, v12;
	v14 =	vand.u32 $0x1FC00, v14  }
0x3d: {  	v12 =	vor.u32 v14, v12;
	[tilespmem:$0x17C5C] =	vst v13  }
0x3e: {  	s28 =	sadd.s32 $0x20, s19;
	v13 =	vld.idx.msk [tilespmem:v11+s3+$0x0], $0xffff;
	v11 =	vor.u32 $0x80, v12  }
0x3f: {  	v12 =	vadd.s32 s28, v0  }
0x40: {  	v14 =	vshll.u32 v12, $0x3  }
0x41: {  	s29 =	sand.u32 $0x70, s20;
	s30 =	sand.u32 $0x7C00, s20;
	v12 =	vand.u32 $0x7F, v12;
	v14 =	vand.u32 $0x1FC00, v14  }
0x42: {  	s31 =	sor.u32 s29, s30;
	v12 =	vor.u32 v14, v12  }
0x43: {  	s23 =	simm.s32 $0x30;
	s22 =	simm.s32 $0x10;
	s21 =	simm.s32 $0x20;
	v12 =	vor.u32 $0x80, v12;
	v11 =	vld.idx.msk [tilespmem:v11+s3+$0x0], $0xffff;
	[tilespmem:s31+$0x10080] =	vst v13  }
.LBB2_5:
0x44: {  	s24 =	sadd.s32 s23, s19;
	p1 =	slt.u32 s23, $0xFD0  }
.Ltmp3:
0x45: {  	s20 =	sadd.s32 $0x80, s20;
	v13 =	vadd.s32 s24, v0;
	(pc) =	sbr.rel @p1 .LBB2_5-.Ltmp3, $4  }
0x46: {  	s24 =	sand.u32 $0x70, s22;
	s25 =	sand.u32 $0x7C00, s20;
	s22 =	smov.u32 s21;
	v14 =	vshll.u32 v13, $0x3  }
0x47: {  	s21 =	smov.u32 s23;
	v13 =	vand.u32 $0x7F, v13;
	s24 =	sor.u32 s24, s25;
	v14 =	vand.u32 $0x1FC00, v14  }
0x48: {  	v13 =	vor.u32 v14, v13;
	[tilespmem:s24+$0x10080] =	vst v11;
	v11 =	vld.idx.msk [tilespmem:v12+s3+$0x0], $0xffff  }
0x49: {  	s23 =	sadd.s32 $0x10, s23;
	v12 =	vor.u32 $0x80, v13  }
0x4a: {  	_ =	sdelay $0x3  }
0x4b: {  	v12 =	vld.idx.msk [tilespmem:v12+s3+$0x0], $0xffff  }
0x4c: {  	s20 =	sadd.s32 $0x80, s20;
	s22 =	sand.u32 $0x70, s22;
	v13 =	vor.u32 $0x80, v10  }
0x4d: {  	s24 =	sadd.s32 $0x0, s19;
	s23 =	sand.u32 $0x7C00, s20;
	s20 =	sadd.s32 $0x80, s20  }
0x4e: {  	s21 =	sand.u32 $0x70, s21;
	v14 =	vadd.s32 s24, v0;
	s22 =	sor.u32 s22, s23;
	s20 =	sand.u32 $0x7C00, s20  }
0x4f: {  	[tilespmem:s22+$0x10080] =	vst v11;
	s20 =	sor.u32 s21, s20;
	v11 =	vshll.u32 v14, $0x3  }
0x50: {  	v11 =	vand.u32 $0x1FC00, v11;
	[tilespmem:s20+$0x10080] =	vst v12;
	s20 =	simm.s32 $0x0;
	v12 =	vand.u32 $0x7F, v14  }
0x51: {  	v13 =	vld.idx.msk [tilespmem:v13+s20+$0x0], $0xffff;
	v11 =	vor.u32 v11, v12  }
0x52: {  	s26 =	sadd.s32 $0x10, s19;
	v11 =	vor.u32 $0x100, v11  }
0x53: {  	v12 =	vadd.s32 s26, v0  }
0x54: {  	v14 =	vshll.u32 v12, $0x3  }
0x55: {  	v12 =	vand.u32 $0x7F, v12;
	v14 =	vand.u32 $0x1FC00, v14  }
0x56: {  	v12 =	vor.u32 v14, v12;
	[tilespmem:$0x17CDC] =	vst v13  }
0x57: {  	s28 =	sadd.s32 $0x20, s19;
	v13 =	vld.idx.msk [tilespmem:v11+s3+$0x0], $0xffff;
	v11 =	vor.u32 $0x100, v12  }
0x58: {  	v12 =	vadd.s32 s28, v0  }
0x59: {  	v14 =	vshll.u32 v12, $0x3  }
0x5a: {  	s29 =	sand.u32 $0x70, s20;
	s30 =	sand.u32 $0x7C00, s20;
	v12 =	vand.u32 $0x7F, v12;
	v14 =	vand.u32 $0x1FC00, v14  }
0x5b: {  	s31 =	sor.u32 s29, s30;
	v12 =	vor.u32 v14, v12  }
0x5c: {  	s23 =	simm.s32 $0x30;
	s22 =	simm.s32 $0x10;
	s21 =	simm.s32 $0x20;
	v12 =	vor.u32 $0x100, v12;
	v11 =	vld.idx.msk [tilespmem:v11+s3+$0x0], $0xffff;
	[tilespmem:s31+$0x10100] =	vst v13  }
.LBB2_7:
0x5d: {  	s24 =	sadd.s32 s23, s19;
	p1 =	slt.u32 s23, $0xFD0  }
.Ltmp4:
0x5e: {  	s20 =	sadd.s32 $0x80, s20;
	v13 =	vadd.s32 s24, v0;
	(pc) =	sbr.rel @p1 .LBB2_7-.Ltmp4, $4  }
0x5f: {  	s24 =	sand.u32 $0x70, s22;
	s25 =	sand.u32 $0x7C00, s20;
	s22 =	smov.u32 s21;
	v14 =	vshll.u32 v13, $0x3  }
0x60: {  	s21 =	smov.u32 s23;
	v13 =	vand.u32 $0x7F, v13;
	s24 =	sor.u32 s24, s25;
	v14 =	vand.u32 $0x1FC00, v14  }
0x61: {  	v13 =	vor.u32 v14, v13;
	[tilespmem:s24+$0x10100] =	vst v11;
	v11 =	vld.idx.msk [tilespmem:v12+s3+$0x0], $0xffff  }
0x62: {  	s23 =	sadd.s32 $0x10, s23;
	v12 =	vor.u32 $0x100, v13  }
0x63: {  	_ =	sdelay $0x3  }
0x64: {  	v12 =	vld.idx.msk [tilespmem:v12+s3+$0x0], $0xffff  }
0x65: {  	s20 =	sadd.s32 $0x80, s20;
	s22 =	sand.u32 $0x70, s22;
	v13 =	vor.u32 $0x100, v10  }
0x66: {  	s24 =	sadd.s32 $0x0, s19;
	s23 =	sand.u32 $0x7C00, s20;
	s20 =	sadd.s32 $0x80, s20  }
0x67: {  	s21 =	sand.u32 $0x70, s21;
	v14 =	vadd.s32 s24, v0;
	s22 =	sor.u32 s22, s23;
	s20 =	sand.u32 $0x7C00, s20  }
0x68: {  	[tilespmem:s22+$0x10100] =	vst v11;
	s20 =	sor.u32 s21, s20;
	v11 =	vshll.u32 v14, $0x3  }
0x69: {  	v11 =	vand.u32 $0x1FC00, v11;
	[tilespmem:s20+$0x10100] =	vst v12;
	s20 =	simm.s32 $0x0;
	v12 =	vand.u32 $0x7F, v14  }
0x6a: {  	v13 =	vld.idx.msk [tilespmem:v13+s20+$0x0], $0xffff;
	v11 =	vor.u32 v11, v12  }
0x6b: {  	s26 =	sadd.s32 $0x10, s19;
	v11 =	vor.u32 $0x180, v11  }
0x6c: {  	v12 =	vadd.s32 s26, v0  }
0x6d: {  	v14 =	vshll.u32 v12, $0x3  }
0x6e: {  	v12 =	vand.u32 $0x7F, v12;
	v14 =	vand.u32 $0x1FC00, v14  }
0x6f: {  	v12 =	vor.u32 v14, v12;
	[tilespmem:$0x17D5C] =	vst v13  }
0x70: {  	s28 =	sadd.s32 $0x20, s19;
	v13 =	vld.idx.msk [tilespmem:v11+s3+$0x0], $0xffff;
	v11 =	vor.u32 $0x180, v12  }
0x71: {  	v12 =	vadd.s32 s28, v0  }
0x72: {  	v14 =	vshll.u32 v12, $0x3  }
0x73: {  	s29 =	sand.u32 $0x70, s20;
	s30 =	sand.u32 $0x7C00, s20;
	v12 =	vand.u32 $0x7F, v12;
	v14 =	vand.u32 $0x1FC00, v14  }
0x74: {  	s31 =	sor.u32 s29, s30;
	v12 =	vor.u32 v14, v12  }
0x75: {  	s23 =	simm.s32 $0x30;
	s22 =	simm.s32 $0x10;
	s21 =	simm.s32 $0x20;
	v12 =	vor.u32 $0x180, v12;
	v11 =	vld.idx.msk [tilespmem:v11+s3+$0x0], $0xffff;
	[tilespmem:s31+$0x10180] =	vst v13  }
.LBB2_9:
0x76: {  	s24 =	sadd.s32 s23, s19;
	p1 =	slt.u32 s23, $0xFD0  }
.Ltmp5:
0x77: {  	s20 =	sadd.s32 $0x80, s20;
	v13 =	vadd.s32 s24, v0;
	(pc) =	sbr.rel @p1 .LBB2_9-.Ltmp5, $4  }
0x78: {  	s24 =	sand.u32 $0x70, s22;
	s25 =	sand.u32 $0x7C00, s20;
	s22 =	smov.u32 s21;
	v14 =	vshll.u32 v13, $0x3  }
0x79: {  	s21 =	smov.u32 s23;
	v13 =	vand.u32 $0x7F, v13;
	s24 =	sor.u32 s24, s25;
	v14 =	vand.u32 $0x1FC00, v14  }
0x7a: {  	v13 =	vor.u32 v14, v13;
	[tilespmem:s24+$0x10180] =	vst v11;
	v11 =	vld.idx.msk [tilespmem:v12+s3+$0x0], $0xffff  }
0x7b: {  	s23 =	sadd.s32 $0x10, s23;
	v12 =	vor.u32 $0x180, v13  }
0x7c: {  	_ =	sdelay $0x3  }
0x7d: {  	v12 =	vld.idx.msk [tilespmem:v12+s3+$0x0], $0xffff  }
0x7e: {  	s20 =	sadd.s32 $0x80, s20;
	s22 =	sand.u32 $0x70, s22;
	v13 =	vor.u32 $0x180, v10  }
0x7f: {  	s24 =	sadd.s32 $0x0, s19;
	s23 =	sand.u32 $0x7C00, s20;
	s20 =	sadd.s32 $0x80, s20  }
0x80: {  	s21 =	sand.u32 $0x70, s21;
	v14 =	vadd.s32 s24, v0;
	s22 =	sor.u32 s22, s23;
	s20 =	sand.u32 $0x7C00, s20  }
0x81: {  	[tilespmem:s22+$0x10180] =	vst v11;
	s20 =	sor.u32 s21, s20;
	v11 =	vshll.u32 v14, $0x3  }
0x82: {  	v11 =	vand.u32 $0x1FC00, v11;
	[tilespmem:s20+$0x10180] =	vst v12;
	s20 =	simm.s32 $0x0;
	v12 =	vand.u32 $0x7F, v14  }
0x83: {  	v13 =	vld.idx.msk [tilespmem:v13+s20+$0x0], $0xffff;
	v11 =	vor.u32 v11, v12  }
0x84: {  	s26 =	sadd.s32 $0x10, s19;
	v11 =	vor.u32 $0x200, v11  }
0x85: {  	v12 =	vadd.s32 s26, v0  }
0x86: {  	v14 =	vshll.u32 v12, $0x3  }
0x87: {  	v12 =	vand.u32 $0x7F, v12;
	v14 =	vand.u32 $0x1FC00, v14  }
0x88: {  	v12 =	vor.u32 v14, v12;
	[tilespmem:$0x17DDC] =	vst v13  }
0x89: {  	s28 =	sadd.s32 $0x20, s19;
	v13 =	vld.idx.msk [tilespmem:v11+s3+$0x0], $0xffff;
	v11 =	vor.u32 $0x200, v12  }
0x8a: {  	v12 =	vadd.s32 s28, v0  }
0x8b: {  	v14 =	vshll.u32 v12, $0x3  }
0x8c: {  	s29 =	sand.u32 $0x70, s20;
	s30 =	sand.u32 $0x7C00, s20;
	v12 =	vand.u32 $0x7F, v12;
	v14 =	vand.u32 $0x1FC00, v14  }
0x8d: {  	s31 =	sor.u32 s29, s30;
	v12 =	vor.u32 v14, v12  }
0x8e: {  	s23 =	simm.s32 $0x30;
	s22 =	simm.s32 $0x10;
	s21 =	simm.s32 $0x20;
	v12 =	vor.u32 $0x200, v12;
	v11 =	vld.idx.msk [tilespmem:v11+s3+$0x0], $0xffff;
	[tilespmem:s31+$0x10200] =	vst v13  }
.LBB2_11:
0x8f: {  	s24 =	sadd.s32 s23, s19;
	p1 =	slt.u32 s23, $0xFD0  }
.Ltmp6:
0x90: {  	s20 =	sadd.s32 $0x80, s20;
	v13 =	vadd.s32 s24, v0;
	(pc) =	sbr.rel @p1 .LBB2_11-.Ltmp6, $4  }
0x91: {  	s24 =	sand.u32 $0x70, s22;
	s25 =	sand.u32 $0x7C00, s20;
	s22 =	smov.u32 s21;
	v14 =	vshll.u32 v13, $0x3  }
0x92: {  	s21 =	smov.u32 s23;
	v13 =	vand.u32 $0x7F, v13;
	s24 =	sor.u32 s24, s25;
	v14 =	vand.u32 $0x1FC00, v14  }
0x93: {  	v13 =	vor.u32 v14, v13;
	[tilespmem:s24+$0x10200] =	vst v11;
	v11 =	vld.idx.msk [tilespmem:v12+s3+$0x0], $0xffff  }
0x94: {  	s23 =	sadd.s32 $0x10, s23;
	v12 =	vor.u32 $0x200, v13  }
0x95: {  	_ =	sdelay $0x3  }
0x96: {  	v12 =	vld.idx.msk [tilespmem:v12+s3+$0x0], $0xffff  }
0x97: {  	s20 =	sadd.s32 $0x80, s20;
	s22 =	sand.u32 $0x70, s22;
	v13 =	vor.u32 $0x200, v10  }
0x98: {  	s24 =	sadd.s32 $0x0, s19;
	s23 =	sand.u32 $0x7C00, s20;
	s20 =	sadd.s32 $0x80, s20  }
0x99: {  	s21 =	sand.u32 $0x70, s21;
	v14 =	vadd.s32 s24, v0;
	s22 =	sor.u32 s22, s23;
	s20 =	sand.u32 $0x7C00, s20  }
0x9a: {  	[tilespmem:s22+$0x10200] =	vst v11;
	s20 =	sor.u32 s21, s20;
	v11 =	vshll.u32 v14, $0x3  }
0x9b: {  	v11 =	vand.u32 $0x1FC00, v11;
	[tilespmem:s20+$0x10200] =	vst v12;
	s20 =	simm.s32 $0x0;
	v12 =	vand.u32 $0x7F, v14  }
0x9c: {  	v13 =	vld.idx.msk [tilespmem:v13+s20+$0x0], $0xffff;
	v11 =	vor.u32 v11, v12  }
0x9d: {  	s26 =	sadd.s32 $0x10, s19;
	v11 =	vor.u32 $0x280, v11  }
0x9e: {  	v12 =	vadd.s32 s26, v0  }
0x9f: {  	v14 =	vshll.u32 v12, $0x3  }
0xa0: {  	v12 =	vand.u32 $0x7F, v12;
	v14 =	vand.u32 $0x1FC00, v14  }
0xa1: {  	v12 =	vor.u32 v14, v12;
	[tilespmem:$0x17E5C] =	vst v13  }
0xa2: {  	s28 =	sadd.s32 $0x20, s19;
	v13 =	vld.idx.msk [tilespmem:v11+s3+$0x0], $0xffff;
	v11 =	vor.u32 $0x280, v12  }
0xa3: {  	v12 =	vadd.s32 s28, v0  }
0xa4: {  	v14 =	vshll.u32 v12, $0x3  }
0xa5: {  	s29 =	sand.u32 $0x70, s20;
	s30 =	sand.u32 $0x7C00, s20;
	v12 =	vand.u32 $0x7F, v12;
	v14 =	vand.u32 $0x1FC00, v14  }
0xa6: {  	s31 =	sor.u32 s29, s30;
	v12 =	vor.u32 v14, v12  }
0xa7: {  	s23 =	simm.s32 $0x30;
	s22 =	simm.s32 $0x10;
	s21 =	simm.s32 $0x20;
	v12 =	vor.u32 $0x280, v12;
	v11 =	vld.idx.msk [tilespmem:v11+s3+$0x0], $0xffff;
	[tilespmem:s31+$0x10280] =	vst v13  }
.LBB2_13:
0xa8: {  	s24 =	sadd.s32 s23, s19;
	p1 =	slt.u32 s23, $0xFD0  }
.Ltmp7:
0xa9: {  	s20 =	sadd.s32 $0x80, s20;
	v13 =	vadd.s32 s24, v0;
	(pc) =	sbr.rel @p1 .LBB2_13-.Ltmp7, $4  }
0xaa: {  	s24 =	sand.u32 $0x70, s22;
	s25 =	sand.u32 $0x7C00, s20;
	s22 =	smov.u32 s21;
	v14 =	vshll.u32 v13, $0x3  }
0xab: {  	s21 =	smov.u32 s23;
	v13 =	vand.u32 $0x7F, v13;
	s24 =	sor.u32 s24, s25;
	v14 =	vand.u32 $0x1FC00, v14  }
0xac: {  	v13 =	vor.u32 v14, v13;
	[tilespmem:s24+$0x10280] =	vst v11;
	v11 =	vld.idx.msk [tilespmem:v12+s3+$0x0], $0xffff  }
0xad: {  	s23 =	sadd.s32 $0x10, s23;
	v12 =	vor.u32 $0x280, v13  }
0xae: {  	_ =	sdelay $0x3  }
0xaf: {  	v12 =	vld.idx.msk [tilespmem:v12+s3+$0x0], $0xffff  }
0xb0: {  	s20 =	sadd.s32 $0x80, s20;
	s22 =	sand.u32 $0x70, s22;
	v13 =	vor.u32 $0x280, v10  }
0xb1: {  	s24 =	sadd.s32 $0x0, s19;
	s23 =	sand.u32 $0x7C00, s20;
	s20 =	sadd.s32 $0x80, s20  }
0xb2: {  	s21 =	sand.u32 $0x70, s21;
	v14 =	vadd.s32 s24, v0;
	s22 =	sor.u32 s22, s23;
	s20 =	sand.u32 $0x7C00, s20  }
0xb3: {  	[tilespmem:s22+$0x10280] =	vst v11;
	s20 =	sor.u32 s21, s20;
	v11 =	vshll.u32 v14, $0x3  }
0xb4: {  	v11 =	vand.u32 $0x1FC00, v11;
	[tilespmem:s20+$0x10280] =	vst v12;
	s20 =	simm.s32 $0x0;
	v12 =	vand.u32 $0x7F, v14  }
0xb5: {  	v13 =	vld.idx.msk [tilespmem:v13+s20+$0x0], $0xffff;
	v11 =	vor.u32 v11, v12  }
0xb6: {  	s26 =	sadd.s32 $0x10, s19;
	v11 =	vor.u32 $0x300, v11  }
0xb7: {  	v12 =	vadd.s32 s26, v0  }
0xb8: {  	v14 =	vshll.u32 v12, $0x3  }
0xb9: {  	v12 =	vand.u32 $0x7F, v12;
	v14 =	vand.u32 $0x1FC00, v14  }
0xba: {  	v12 =	vor.u32 v14, v12;
	[tilespmem:$0x17EDC] =	vst v13  }
0xbb: {  	s28 =	sadd.s32 $0x20, s19;
	v13 =	vld.idx.msk [tilespmem:v11+s3+$0x0], $0xffff;
	v11 =	vor.u32 $0x300, v12  }
0xbc: {  	v12 =	vadd.s32 s28, v0  }
0xbd: {  	v14 =	vshll.u32 v12, $0x3  }
0xbe: {  	s29 =	sand.u32 $0x70, s20;
	s30 =	sand.u32 $0x7C00, s20;
	v12 =	vand.u32 $0x7F, v12;
	v14 =	vand.u32 $0x1FC00, v14  }
0xbf: {  	s31 =	sor.u32 s29, s30;
	v12 =	vor.u32 v14, v12  }
0xc0: {  	s23 =	simm.s32 $0x30;
	s22 =	simm.s32 $0x10;
	s21 =	simm.s32 $0x20;
	v12 =	vor.u32 $0x300, v12;
	v11 =	vld.idx.msk [tilespmem:v11+s3+$0x0], $0xffff;
	[tilespmem:s31+$0x10300] =	vst v13  }
.LBB2_15:
0xc1: {  	s24 =	sadd.s32 s23, s19;
	p1 =	slt.u32 s23, $0xFD0  }
.Ltmp8:
0xc2: {  	s20 =	sadd.s32 $0x80, s20;
	v13 =	vadd.s32 s24, v0;
	(pc) =	sbr.rel @p1 .LBB2_15-.Ltmp8, $4  }
0xc3: {  	s24 =	sand.u32 $0x70, s22;
	s25 =	sand.u32 $0x7C00, s20;
	s22 =	smov.u32 s21;
	v14 =	vshll.u32 v13, $0x3  }
0xc4: {  	s21 =	smov.u32 s23;
	v13 =	vand.u32 $0x7F, v13;
	s24 =	sor.u32 s24, s25;
	v14 =	vand.u32 $0x1FC00, v14  }
0xc5: {  	v13 =	vor.u32 v14, v13;
	[tilespmem:s24+$0x10300] =	vst v11;
	v11 =	vld.idx.msk [tilespmem:v12+s3+$0x0], $0xffff  }
0xc6: {  	s23 =	sadd.s32 $0x10, s23;
	v12 =	vor.u32 $0x300, v13  }
0xc7: {  	_ =	sdelay $0x3  }
0xc8: {  	v12 =	vld.idx.msk [tilespmem:v12+s3+$0x0], $0xffff  }
0xc9: {  	s20 =	sadd.s32 $0x80, s20;
	s22 =	sand.u32 $0x70, s22;
	v13 =	vor.u32 $0x300, v10  }
0xca: {  	s24 =	sadd.s32 $0x0, s19;
	s23 =	sand.u32 $0x7C00, s20;
	s20 =	sadd.s32 $0x80, s20  }
0xcb: {  	s21 =	sand.u32 $0x70, s21;
	v14 =	vadd.s32 s24, v0;
	s22 =	sor.u32 s22, s23;
	s20 =	sand.u32 $0x7C00, s20  }
0xcc: {  	[tilespmem:s22+$0x10300] =	vst v11;
	s20 =	sor.u32 s21, s20;
	v11 =	vshll.u32 v14, $0x3  }
0xcd: {  	v11 =	vand.u32 $0x1FC00, v11;
	[tilespmem:s20+$0x10300] =	vst v12;
	s20 =	simm.s32 $0x0;
	v12 =	vand.u32 $0x7F, v14  }
0xce: {  	v13 =	vld.idx.msk [tilespmem:v13+s20+$0x0], $0xffff;
	v11 =	vor.u32 v11, v12  }
0xcf: {  	s28 =	sadd.s32 $0x10, s19;
	v11 =	vor.u32 $0x380, v11  }
0xd0: {  	v12 =	vadd.s32 s28, v0  }
0xd1: {  	v14 =	vshll.u32 v12, $0x3  }
0xd2: {  	v12 =	vand.u32 $0x7F, v12;
	v14 =	vand.u32 $0x1FC00, v14  }
0xd3: {  	v12 =	vor.u32 v14, v12;
	[tilespmem:$0x17F5C] =	vst v13  }
0xd4: {  	s29 =	sadd.s32 $0x20, s19;
	v13 =	vld.idx.msk [tilespmem:v11+s3+$0x0], $0xffff;
	v11 =	vor.u32 $0x380, v12  }
0xd5: {  	s30 =	sand.u32 $0x7, s20;
	v12 =	vadd.s32 s29, v0  }
0xd6: {  	s31 =	sshll.u32 s30, $0x4;
	v14 =	vshll.u32 v12, $0x3  }
0xd7: {  	s21 =	sadd.s32 $0x0, s31;
	v12 =	vand.u32 $0x7F, v12;
	v14 =	vand.u32 $0x1FC00, v14  }
0xd8: {  	s21 =	sor.u32 $0x380, s21;
	v12 =	vor.u32 v14, v12  }
0xd9: {  	s22 =	simm.s32 $0x30;
	v12 =	vor.u32 $0x380, v12;
	v11 =	vld.idx.msk [tilespmem:v11+s3+$0x0], $0xffff;
	[tilespmem:s21+$0x10000] =	vst v13;
	s21 =	simm.s32 $0x1  }
.LBB2_17:
0xda: {  	s23 =	sadd.s32 s22, s19;
	p1 =	slt.u32 s22, $0xFD0;
	s24 =	sand.u32 $0x7, s21  }
.Ltmp9:
0xdb: {  	s20 =	sadd.s32 $0x80, s20;
	v13 =	vadd.s32 s23, v0;
	s23 =	sshll.u32 s24, $0x4;
	(pc) =	sbr.rel @p1 .LBB2_17-.Ltmp9, $4  }
0xdc: {  	v14 =	vshll.u32 v13, $0x3;
	s23 =	sadd.s32 s23, s20  }
0xdd: {  	v13 =	vand.u32 $0x7F, v13;
	v14 =	vand.u32 $0x1FC00, v14;
	s23 =	sor.u32 $0x380, s23  }
0xde: {  	v13 =	vor.u32 v14, v13;
	[tilespmem:s23+$0x10000] =	vst v11;
	v11 =	vld.idx.msk [tilespmem:v12+s3+$0x0], $0xffff  }
0xdf: {  	s22 =	sadd.s32 $0x10, s22;
	s21 =	sadd.s32 $0x1, s21;
	v12 =	vor.u32 $0x380, v13  }
0xe0: {  	_ =	sdelay $0x3  }
0xe1: {  	s22 =	sand.u32 $0x7, s21;
	v12 =	vld.idx.msk [tilespmem:v12+s3+$0x0], $0xffff;
	s30 =	sadd.s32 $0x1, s21  }
0xe2: {  	s20 =	sadd.s32 $0x80, s20;
	v10 =	vor.u32 $0x380, v10;
	s22 =	sshll.u32 s22, $0x4;
	s21 =	sand.u32 $0x7, s30  }
0xe3: {  	s22 =	sadd.s32 s22, s20;
	s21 =	sshll.u32 s21, $0x4;
	s20 =	sadd.s32 $0x80, s20  }
0xe4: {  	s22 =	sor.u32 $0x380, s22;
	s20 =	sadd.s32 s21, s20  }
0xe5: {  	[tilespmem:s22+$0x10000] =	vst v11;
	s20 =	sor.u32 $0x380, s20  }
0xe6: {  	[tilespmem:s20+$0x10000] =	vst v12  }
0xe7: {  	v10 =	vld.idx.msk [tilespmem:v10+s3+$0x0], $0xffff  }
0xe8: {  	s31 =	smul.u32 $0x208000, s19;
	_ =	sdelay $0x1  }
0xe9: {  	s19 =	sadd.s32 $0x1, s19;
	s20 =	sadd.s32 s4, s31  }
0xea: {  	p1 =	sne.s32 s19, $0x14;
	s20 =	sshrl.u32 s20, $0x3  }
.Ltmp10:
0xeb: {  	s20 =	sadd.s32 s2, s20;
	[tilespmem:$0x17FDC] =	vst v10;
	(pc) =	sbr.rel @p1 .LBB2_2-.Ltmp10, $4  }
0xec: {  	[hbm4b:s20+s3] =	stream.linear.scatter [tilespmem:s17], [sflag:$0x1], $0x8000, $0x38;
	v63 =	vld [tilespmem:$0x0]  }
0xed: {  	_ =	swait.ge [sflag:s16], $0x8000  }
0xee: {  	[sflag:s16] =	ssyncset.done $0x0  }
0xef: {  	[sflag:s16] =	ssyncadd.s32 $0xFFFF8000  }
0xf0: {  	s19 =	simm.s32 $0x14  }
0xf1: {  	v10 =	vadd.s32 s19, v0  }
0xf2: {  	v11 =	vshll.u32 v10, $0x3  }
0xf3: {  	v10 =	vand.u32 $0x7F, v10;
	v11 =	vand.u32 $0x1FC00, v11  }
0xf4: {  	s19 =	simm.s32 $0x0;
	v10 =	vor.u32 v10, v11  }
0xf5: {  	[tilespmem:s19], [sflag:$0x1] =	stream.linear.gather [hbm4b:s7+s19], $0x8000, $0x38;
	v63 =	vld [tilespmem:$0x0]  }
0xf6: {  	s20 =	simm.s32 $0x24;
	_ =	swait.ge [sflag:s16], $0x8000  }
0xf7: {  	[sflag:s16] =	ssyncset.done $0x0;
	v11 =	vadd.s32 s20, v0  }
0xf8: {  	[sflag:s16] =	ssyncadd.s32 $0xFFFF8000;
	v12 =	vshll.u32 v11, $0x3  }
0xf9: {  	v11 =	vand.u32 $0x7F, v11;
	v12 =	vand.u32 $0x1FC00, v12;
	v10 =	vld.idx.msk [tilespmem:v10+s3+$0x0], $0xffff  }
0xfa: {  	v11 =	vor.u32 v11, v12  }
0xfb: {  	s21 =	simm.s32 $0x0;
	s30 =	simm.s32 $0x34;
	s31 =	simm.s32 $0x10  }
0xfc: {  	s22 =	simm.s32 $0x20;
	s23 =	sand.u32 $0x70, s21;
	v13 =	vadd.s32 s30, v0;
	s24 =	sand.u32 $0x7C00, s19  }
0xfd: {  	s21 =	sand.u32 $0x70, s31;
	s23 =	sor.u32 s23, s24;
	s20 =	sand.u32 $0x70, s22;
	v12 =	vand.u32 $0x7F, v13;
	v13 =	vshll.u32 v13, $0x3  }
.LBB2_20:
0xfe: {  	[tilespmem:s23+$0x10000] =	vst v10;
	s23 =	smov.u32 s22;
	s22 =	sadd.s32 $0x10, s22  }
0xff: {  	v13 =	vand.u32 $0x1FC00, v13;
	v10 =	vld.idx.msk [tilespmem:v11+s3+$0x0], $0xffff;
	s19 =	sadd.s32 $0x80, s19;
	p1 =	slt.u32 s22, $0xFD0  }
.Ltmp11:
0x100: {  	s24 =	sand.u32 $0x70, s22;
	v11 =	vor.u32 v12, v13;
	(pc) =	sbr.rel @p1 .LBB2_20-.Ltmp11, $4  }
0x101: {  	_ = 	snop  }
0x102: {  	s23 =	sadd.s32 $0x24, s23  }
0x103: {  	v13 =	vadd.s32 s23, v0;
	s23 =	sand.u32 $0x7C00, s19  }
0x104: {  	v12 =	vand.u32 $0x7F, v13;
	v13 =	vshll.u32 v13, $0x3;
	s23 =	sor.u32 s21, s23;
	s21 =	smov.u32 s20;
	s20 =	smov.u32 s24  }
0x105: {  	v13 =	vand.u32 $0x1FC00, v13  }
0x106: {  	v12 =	vor.u32 v12, v13;
	_ =	sdelay $0x3  }
0x107: {  	v11 =	vld.idx.msk [tilespmem:v11+s3+$0x0], $0xffff  }
0x108: {  	v12 =	vld.idx.msk [tilespmem:v12+s3+$0x0], $0xffff  }
0x109: {  	s19 =	sadd.s32 $0x80, s19  }
0x10a: {  	s24 =	simm.s32 $0x14;
	s22 =	sand.u32 $0x7C00, s19;
	s19 =	sadd.s32 $0x80, s19  }
0x10b: {  	[tilespmem:s23+$0x10000] =	vst v10;
	v10 =	vadd.s32 s24, v0;
	s21 =	sor.u32 s21, s22;
	s19 =	sand.u32 $0x7C00, s19  }
0x10c: {  	s19 =	sor.u32 s20, s19;
	[tilespmem:s21+$0x10000] =	vst v11;
	v11 =	vshll.u32 v10, $0x3  }
0x10d: {  	v10 =	vand.u32 $0x7F, v10;
	v11 =	vand.u32 $0x1FC00, v11;
	[tilespmem:s19+$0x10000] =	vst v12;
	s19 =	simm.s32 $0x0  }
0x10e: {  	v10 =	vor.u32 v11, v10;
	v12 =	vld.idx.msk [tilespmem:v1+s19+$0x0], $0xffff  }
0x10f: {  	v10 =	vor.u32 $0x80, v10  }
0x110: {  	s25 =	simm.s32 $0x24  }
0x111: {  	v11 =	vadd.s32 s25, v0  }
0x112: {  	v13 =	vshll.u32 v11, $0x3  }
0x113: {  	v11 =	vand.u32 $0x7F, v11;
	v13 =	vand.u32 $0x1FC00, v13;
	[tilespmem:$0x17C5C] =	vst v12  }
0x114: {  	v11 =	vor.u32 v13, v11;
	v10 =	vld.idx.msk [tilespmem:v10+s3+$0x0], $0xffff  }
0x115: {  	s28 =	simm.s32 $0x34;
	v11 =	vor.u32 $0x80, v11  }
0x116: {  	s26 =	simm.s32 $0x0;
	s30 =	simm.s32 $0x10;
	v14 =	vadd.s32 s28, v0  }
0x117: {  	s29 =	sand.u32 $0x70, s26;
	s22 =	simm.s32 $0x20;
	v13 =	vshll.u32 v14, $0x3;
	s31 =	sand.u32 $0x7C00, s19  }
0x118: {  	s20 =	sand.u32 $0x70, s22;
	s21 =	sand.u32 $0x70, s30;
	v13 =	vand.u32 $0x1FC00, v13;
	s23 =	sor.u32 s29, s31;
	v12 =	vand.u32 $0x7F, v14  }
.LBB2_22:
0x119: {  	[tilespmem:s23+$0x10080] =	vst v10;
	s23 =	smov.u32 s22;
	s22 =	sadd.s32 $0x10, s22  }
0x11a: {  	v12 =	vor.u32 v13, v12;
	v10 =	vld.idx.msk [tilespmem:v11+s3+$0x0], $0xffff;
	s19 =	sadd.s32 $0x80, s19;
	p1 =	slt.u32 s22, $0xFD0  }
.Ltmp12:
0x11b: {  	s24 =	sand.u32 $0x70, s22;
	v11 =	vor.u32 $0x80, v12;
	(pc) =	sbr.rel @p1 .LBB2_22-.Ltmp12, $4  }
0x11c: {  	s23 =	sadd.s32 $0x24, s23  }
0x11d: {  	v12 =	vadd.s32 s23, v0  }
0x11e: {  	s23 =	sand.u32 $0x7C00, s19;
	v13 =	vshll.u32 v12, $0x3  }
0x11f: {  	v12 =	vand.u32 $0x7F, v12;
	s23 =	sor.u32 s21, s23;
	s21 =	smov.u32 s20;
	s20 =	smov.u32 s24;
	v13 =	vand.u32 $0x1FC00, v13  }
0x120: {  	v12 =	vor.u32 v13, v12  }
0x121: {  	v12 =	vor.u32 $0x80, v12;
	_ =	sdelay $0x3  }
0x122: {  	v11 =	vld.idx.msk [tilespmem:v11+s3+$0x0], $0xffff  }
0x123: {  	v12 =	vld.idx.msk [tilespmem:v12+s3+$0x0], $0xffff  }
0x124: {  	s19 =	sadd.s32 $0x80, s19  }
0x125: {  	s24 =	simm.s32 $0x14;
	s22 =	sand.u32 $0x7C00, s19;
	s19 =	sadd.s32 $0x80, s19  }
0x126: {  	[tilespmem:s23+$0x10080] =	vst v10;
	v10 =	vadd.s32 s24, v0;
	s21 =	sor.u32 s21, s22;
	s19 =	sand.u32 $0x7C00, s19  }
0x127: {  	s19 =	sor.u32 s20, s19;
	[tilespmem:s21+$0x10080] =	vst v11;
	v11 =	vshll.u32 v10, $0x3  }
0x128: {  	v10 =	vand.u32 $0x7F, v10;
	v11 =	vand.u32 $0x1FC00, v11;
	[tilespmem:s19+$0x10080] =	vst v12;
	s19 =	simm.s32 $0x0  }
0x129: {  	v10 =	vor.u32 v11, v10;
	v12 =	vld.idx.msk [tilespmem:v2+s19+$0x0], $0xffff  }
0x12a: {  	v10 =	vor.u32 $0x100, v10  }
0x12b: {  	s25 =	simm.s32 $0x24  }
0x12c: {  	v11 =	vadd.s32 s25, v0  }
0x12d: {  	v13 =	vshll.u32 v11, $0x3  }
0x12e: {  	v11 =	vand.u32 $0x7F, v11;
	v13 =	vand.u32 $0x1FC00, v13;
	[tilespmem:$0x17CDC] =	vst v12  }
0x12f: {  	v11 =	vor.u32 v13, v11;
	v10 =	vld.idx.msk [tilespmem:v10+s3+$0x0], $0xffff  }
0x130: {  	s28 =	simm.s32 $0x34;
	v11 =	vor.u32 $0x100, v11  }
0x131: {  	s26 =	simm.s32 $0x0;
	s30 =	simm.s32 $0x10;
	v14 =	vadd.s32 s28, v0  }
0x132: {  	s29 =	sand.u32 $0x70, s26;
	s22 =	simm.s32 $0x20;
	v13 =	vshll.u32 v14, $0x3;
	s31 =	sand.u32 $0x7C00, s19  }
0x133: {  	s20 =	sand.u32 $0x70, s22;
	s21 =	sand.u32 $0x70, s30;
	v13 =	vand.u32 $0x1FC00, v13;
	s23 =	sor.u32 s29, s31;
	v12 =	vand.u32 $0x7F, v14  }
.LBB2_24:
0x134: {  	[tilespmem:s23+$0x10100] =	vst v10;
	s23 =	smov.u32 s22;
	s22 =	sadd.s32 $0x10, s22  }
0x135: {  	v12 =	vor.u32 v13, v12;
	v10 =	vld.idx.msk [tilespmem:v11+s3+$0x0], $0xffff;
	s19 =	sadd.s32 $0x80, s19;
	p1 =	slt.u32 s22, $0xFD0  }
.Ltmp13:
0x136: {  	s24 =	sand.u32 $0x70, s22;
	v11 =	vor.u32 $0x100, v12;
	(pc) =	sbr.rel @p1 .LBB2_24-.Ltmp13, $4  }
0x137: {  	s23 =	sadd.s32 $0x24, s23  }
0x138: {  	v12 =	vadd.s32 s23, v0  }
0x139: {  	s23 =	sand.u32 $0x7C00, s19;
	v13 =	vshll.u32 v12, $0x3  }
0x13a: {  	v12 =	vand.u32 $0x7F, v12;
	s23 =	sor.u32 s21, s23;
	s21 =	smov.u32 s20;
	s20 =	smov.u32 s24;
	v13 =	vand.u32 $0x1FC00, v13  }
0x13b: {  	v12 =	vor.u32 v13, v12  }
0x13c: {  	v12 =	vor.u32 $0x100, v12;
	_ =	sdelay $0x3  }
0x13d: {  	v11 =	vld.idx.msk [tilespmem:v11+s3+$0x0], $0xffff  }
0x13e: {  	v12 =	vld.idx.msk [tilespmem:v12+s3+$0x0], $0xffff  }
0x13f: {  	s19 =	sadd.s32 $0x80, s19  }
0x140: {  	s24 =	simm.s32 $0x14;
	s22 =	sand.u32 $0x7C00, s19;
	s19 =	sadd.s32 $0x80, s19  }
0x141: {  	[tilespmem:s23+$0x10100] =	vst v10;
	v10 =	vadd.s32 s24, v0;
	s21 =	sor.u32 s21, s22;
	s19 =	sand.u32 $0x7C00, s19  }
0x142: {  	s19 =	sor.u32 s20, s19;
	[tilespmem:s21+$0x10100] =	vst v11;
	v11 =	vshll.u32 v10, $0x3  }
0x143: {  	v10 =	vand.u32 $0x7F, v10;
	v11 =	vand.u32 $0x1FC00, v11;
	[tilespmem:s19+$0x10100] =	vst v12;
	s19 =	simm.s32 $0x0  }
0x144: {  	v10 =	vor.u32 v11, v10;
	v12 =	vld.idx.msk [tilespmem:v3+s19+$0x0], $0xffff  }
0x145: {  	v10 =	vor.u32 $0x180, v10  }
0x146: {  	s25 =	simm.s32 $0x24  }
0x147: {  	v11 =	vadd.s32 s25, v0  }
0x148: {  	v13 =	vshll.u32 v11, $0x3  }
0x149: {  	v11 =	vand.u32 $0x7F, v11;
	v13 =	vand.u32 $0x1FC00, v13;
	[tilespmem:$0x17D5C] =	vst v12  }
0x14a: {  	v11 =	vor.u32 v13, v11;
	v10 =	vld.idx.msk [tilespmem:v10+s3+$0x0], $0xffff  }
0x14b: {  	s28 =	simm.s32 $0x34;
	v11 =	vor.u32 $0x180, v11  }
0x14c: {  	s26 =	simm.s32 $0x0;
	s30 =	simm.s32 $0x10;
	v14 =	vadd.s32 s28, v0  }
0x14d: {  	s29 =	sand.u32 $0x70, s26;
	s22 =	simm.s32 $0x20;
	v13 =	vshll.u32 v14, $0x3;
	s31 =	sand.u32 $0x7C00, s19  }
0x14e: {  	s20 =	sand.u32 $0x70, s22;
	s21 =	sand.u32 $0x70, s30;
	v13 =	vand.u32 $0x1FC00, v13;
	s23 =	sor.u32 s29, s31;
	v12 =	vand.u32 $0x7F, v14  }
.LBB2_26:
0x14f: {  	[tilespmem:s23+$0x10180] =	vst v10;
	s23 =	smov.u32 s22;
	s22 =	sadd.s32 $0x10, s22  }
0x150: {  	v12 =	vor.u32 v13, v12;
	v10 =	vld.idx.msk [tilespmem:v11+s3+$0x0], $0xffff;
	s19 =	sadd.s32 $0x80, s19;
	p1 =	slt.u32 s22, $0xFD0  }
.Ltmp14:
0x151: {  	s24 =	sand.u32 $0x70, s22;
	v11 =	vor.u32 $0x180, v12;
	(pc) =	sbr.rel @p1 .LBB2_26-.Ltmp14, $4  }
0x152: {  	s23 =	sadd.s32 $0x24, s23  }
0x153: {  	v12 =	vadd.s32 s23, v0  }
0x154: {  	s23 =	sand.u32 $0x7C00, s19;
	v13 =	vshll.u32 v12, $0x3  }
0x155: {  	v12 =	vand.u32 $0x7F, v12;
	s23 =	sor.u32 s21, s23;
	s21 =	smov.u32 s20;
	s20 =	smov.u32 s24;
	v13 =	vand.u32 $0x1FC00, v13  }
0x156: {  	v12 =	vor.u32 v13, v12  }
0x157: {  	v12 =	vor.u32 $0x180, v12;
	_ =	sdelay $0x3  }
0x158: {  	v11 =	vld.idx.msk [tilespmem:v11+s3+$0x0], $0xffff  }
0x159: {  	v12 =	vld.idx.msk [tilespmem:v12+s3+$0x0], $0xffff  }
0x15a: {  	s19 =	sadd.s32 $0x80, s19  }
0x15b: {  	s24 =	simm.s32 $0x14;
	s22 =	sand.u32 $0x7C00, s19;
	s19 =	sadd.s32 $0x80, s19  }
0x15c: {  	[tilespmem:s23+$0x10180] =	vst v10;
	v10 =	vadd.s32 s24, v0;
	s21 =	sor.u32 s21, s22;
	s19 =	sand.u32 $0x7C00, s19  }
0x15d: {  	s19 =	sor.u32 s20, s19;
	[tilespmem:s21+$0x10180] =	vst v11;
	v11 =	vshll.u32 v10, $0x3  }
0x15e: {  	v10 =	vand.u32 $0x7F, v10;
	v11 =	vand.u32 $0x1FC00, v11;
	[tilespmem:s19+$0x10180] =	vst v12;
	s19 =	simm.s32 $0x0  }
0x15f: {  	v10 =	vor.u32 v11, v10;
	v12 =	vld.idx.msk [tilespmem:v4+s19+$0x0], $0xffff  }
0x160: {  	v10 =	vor.u32 $0x200, v10  }
0x161: {  	s25 =	simm.s32 $0x24  }
0x162: {  	v11 =	vadd.s32 s25, v0  }
0x163: {  	v13 =	vshll.u32 v11, $0x3  }
0x164: {  	v11 =	vand.u32 $0x7F, v11;
	v13 =	vand.u32 $0x1FC00, v13;
	[tilespmem:$0x17DDC] =	vst v12  }
0x165: {  	v11 =	vor.u32 v13, v11;
	v10 =	vld.idx.msk [tilespmem:v10+s3+$0x0], $0xffff  }
0x166: {  	s28 =	simm.s32 $0x34;
	v11 =	vor.u32 $0x200, v11  }
0x167: {  	s26 =	simm.s32 $0x0;
	s30 =	simm.s32 $0x10;
	v14 =	vadd.s32 s28, v0  }
0x168: {  	s29 =	sand.u32 $0x70, s26;
	s22 =	simm.s32 $0x20;
	v13 =	vshll.u32 v14, $0x3;
	s31 =	sand.u32 $0x7C00, s19  }
0x169: {  	s20 =	sand.u32 $0x70, s22;
	s21 =	sand.u32 $0x70, s30;
	v13 =	vand.u32 $0x1FC00, v13;
	s23 =	sor.u32 s29, s31;
	v12 =	vand.u32 $0x7F, v14  }
.LBB2_28:
0x16a: {  	[tilespmem:s23+$0x10200] =	vst v10;
	s23 =	smov.u32 s22;
	s22 =	sadd.s32 $0x10, s22  }
0x16b: {  	v12 =	vor.u32 v13, v12;
	v10 =	vld.idx.msk [tilespmem:v11+s3+$0x0], $0xffff;
	s19 =	sadd.s32 $0x80, s19;
	p1 =	slt.u32 s22, $0xFD0  }
.Ltmp15:
0x16c: {  	s24 =	sand.u32 $0x70, s22;
	v11 =	vor.u32 $0x200, v12;
	(pc) =	sbr.rel @p1 .LBB2_28-.Ltmp15, $4  }
0x16d: {  	s23 =	sadd.s32 $0x24, s23  }
0x16e: {  	v12 =	vadd.s32 s23, v0  }
0x16f: {  	s23 =	sand.u32 $0x7C00, s19;
	v13 =	vshll.u32 v12, $0x3  }
0x170: {  	v12 =	vand.u32 $0x7F, v12;
	s23 =	sor.u32 s21, s23;
	s21 =	smov.u32 s20;
	s20 =	smov.u32 s24;
	v13 =	vand.u32 $0x1FC00, v13  }
0x171: {  	v12 =	vor.u32 v13, v12  }
0x172: {  	v12 =	vor.u32 $0x200, v12;
	_ =	sdelay $0x3  }
0x173: {  	v11 =	vld.idx.msk [tilespmem:v11+s3+$0x0], $0xffff  }
0x174: {  	v12 =	vld.idx.msk [tilespmem:v12+s3+$0x0], $0xffff  }
0x175: {  	s19 =	sadd.s32 $0x80, s19  }
0x176: {  	s24 =	simm.s32 $0x14;
	s22 =	sand.u32 $0x7C00, s19;
	s19 =	sadd.s32 $0x80, s19  }
0x177: {  	[tilespmem:s23+$0x10200] =	vst v10;
	v10 =	vadd.s32 s24, v0;
	s21 =	sor.u32 s21, s22;
	s19 =	sand.u32 $0x7C00, s19  }
0x178: {  	s19 =	sor.u32 s20, s19;
	[tilespmem:s21+$0x10200] =	vst v11;
	v11 =	vshll.u32 v10, $0x3  }
0x179: {  	v10 =	vand.u32 $0x7F, v10;
	v11 =	vand.u32 $0x1FC00, v11;
	[tilespmem:s19+$0x10200] =	vst v12;
	s19 =	simm.s32 $0x0  }
0x17a: {  	v10 =	vor.u32 v11, v10;
	v12 =	vld.idx.msk [tilespmem:v5+s19+$0x0], $0xffff  }
0x17b: {  	v10 =	vor.u32 $0x280, v10  }
0x17c: {  	s25 =	simm.s32 $0x24  }
0x17d: {  	v11 =	vadd.s32 s25, v0  }
0x17e: {  	v13 =	vshll.u32 v11, $0x3  }
0x17f: {  	v11 =	vand.u32 $0x7F, v11;
	v13 =	vand.u32 $0x1FC00, v13;
	[tilespmem:$0x17E5C] =	vst v12  }
0x180: {  	v11 =	vor.u32 v13, v11;
	v10 =	vld.idx.msk [tilespmem:v10+s3+$0x0], $0xffff  }
0x181: {  	s28 =	simm.s32 $0x34;
	v11 =	vor.u32 $0x280, v11  }
0x182: {  	s26 =	simm.s32 $0x0;
	s30 =	simm.s32 $0x10;
	v14 =	vadd.s32 s28, v0  }
0x183: {  	s29 =	sand.u32 $0x70, s26;
	s22 =	simm.s32 $0x20;
	v13 =	vshll.u32 v14, $0x3;
	s31 =	sand.u32 $0x7C00, s19  }
0x184: {  	s20 =	sand.u32 $0x70, s22;
	s21 =	sand.u32 $0x70, s30;
	v13 =	vand.u32 $0x1FC00, v13;
	s23 =	sor.u32 s29, s31;
	v12 =	vand.u32 $0x7F, v14  }
.LBB2_30:
0x185: {  	[tilespmem:s23+$0x10280] =	vst v10;
	s23 =	smov.u32 s22;
	s22 =	sadd.s32 $0x10, s22  }
0x186: {  	v12 =	vor.u32 v13, v12;
	v10 =	vld.idx.msk [tilespmem:v11+s3+$0x0], $0xffff;
	s19 =	sadd.s32 $0x80, s19;
	p1 =	slt.u32 s22, $0xFD0  }
.Ltmp16:
0x187: {  	s24 =	sand.u32 $0x70, s22;
	v11 =	vor.u32 $0x280, v12;
	(pc) =	sbr.rel @p1 .LBB2_30-.Ltmp16, $4  }
0x188: {  	s23 =	sadd.s32 $0x24, s23  }
0x189: {  	v12 =	vadd.s32 s23, v0  }
0x18a: {  	s23 =	sand.u32 $0x7C00, s19;
	v13 =	vshll.u32 v12, $0x3  }
0x18b: {  	v12 =	vand.u32 $0x7F, v12;
	s23 =	sor.u32 s21, s23;
	s21 =	smov.u32 s20;
	s20 =	smov.u32 s24;
	v13 =	vand.u32 $0x1FC00, v13  }
0x18c: {  	v12 =	vor.u32 v13, v12  }
0x18d: {  	v12 =	vor.u32 $0x280, v12;
	_ =	sdelay $0x3  }
0x18e: {  	v11 =	vld.idx.msk [tilespmem:v11+s3+$0x0], $0xffff  }
0x18f: {  	v12 =	vld.idx.msk [tilespmem:v12+s3+$0x0], $0xffff  }
0x190: {  	s19 =	sadd.s32 $0x80, s19  }
0x191: {  	s24 =	simm.s32 $0x14;
	s22 =	sand.u32 $0x7C00, s19;
	s19 =	sadd.s32 $0x80, s19  }
0x192: {  	[tilespmem:s23+$0x10280] =	vst v10;
	v10 =	vadd.s32 s24, v0;
	s21 =	sor.u32 s21, s22;
	s19 =	sand.u32 $0x7C00, s19  }
0x193: {  	s19 =	sor.u32 s20, s19;
	[tilespmem:s21+$0x10280] =	vst v11;
	v11 =	vshll.u32 v10, $0x3  }
0x194: {  	v10 =	vand.u32 $0x7F, v10;
	v11 =	vand.u32 $0x1FC00, v11;
	[tilespmem:s19+$0x10280] =	vst v12;
	s19 =	simm.s32 $0x0  }
0x195: {  	v10 =	vor.u32 v11, v10;
	v12 =	vld.idx.msk [tilespmem:v6+s19+$0x0], $0xffff  }
0x196: {  	v10 =	vor.u32 $0x300, v10  }
0x197: {  	s25 =	simm.s32 $0x24  }
0x198: {  	v11 =	vadd.s32 s25, v0  }
0x199: {  	v13 =	vshll.u32 v11, $0x3  }
0x19a: {  	v11 =	vand.u32 $0x7F, v11;
	v13 =	vand.u32 $0x1FC00, v13;
	[tilespmem:$0x17EDC] =	vst v12  }
0x19b: {  	v11 =	vor.u32 v13, v11;
	v10 =	vld.idx.msk [tilespmem:v10+s3+$0x0], $0xffff  }
0x19c: {  	s28 =	simm.s32 $0x34;
	v11 =	vor.u32 $0x300, v11  }
0x19d: {  	s26 =	simm.s32 $0x0;
	s30 =	simm.s32 $0x10;
	v14 =	vadd.s32 s28, v0  }
0x19e: {  	s29 =	sand.u32 $0x70, s26;
	s22 =	simm.s32 $0x20;
	v13 =	vshll.u32 v14, $0x3;
	s31 =	sand.u32 $0x7C00, s19  }
0x19f: {  	s20 =	sand.u32 $0x70, s22;
	s21 =	sand.u32 $0x70, s30;
	v13 =	vand.u32 $0x1FC00, v13;
	s23 =	sor.u32 s29, s31;
	v12 =	vand.u32 $0x7F, v14  }
.LBB2_32:
0x1a0: {  	[tilespmem:s23+$0x10300] =	vst v10;
	s23 =	smov.u32 s22;
	s22 =	sadd.s32 $0x10, s22  }
0x1a1: {  	v12 =	vor.u32 v13, v12;
	v10 =	vld.idx.msk [tilespmem:v11+s3+$0x0], $0xffff;
	s19 =	sadd.s32 $0x80, s19;
	p1 =	slt.u32 s22, $0xFD0  }
.Ltmp17:
0x1a2: {  	s24 =	sand.u32 $0x70, s22;
	v11 =	vor.u32 $0x300, v12;
	(pc) =	sbr.rel @p1 .LBB2_32-.Ltmp17, $4  }
0x1a3: {  	s23 =	sadd.s32 $0x24, s23  }
0x1a4: {  	v12 =	vadd.s32 s23, v0  }
0x1a5: {  	s23 =	sand.u32 $0x7C00, s19;
	v13 =	vshll.u32 v12, $0x3  }
0x1a6: {  	v12 =	vand.u32 $0x7F, v12;
	s23 =	sor.u32 s21, s23;
	s21 =	smov.u32 s20;
	s20 =	smov.u32 s24;
	v13 =	vand.u32 $0x1FC00, v13  }
0x1a7: {  	v12 =	vor.u32 v13, v12  }
0x1a8: {  	v12 =	vor.u32 $0x300, v12;
	_ =	sdelay $0x3  }
0x1a9: {  	v11 =	vld.idx.msk [tilespmem:v11+s3+$0x0], $0xffff  }
0x1aa: {  	v12 =	vld.idx.msk [tilespmem:v12+s3+$0x0], $0xffff  }
0x1ab: {  	s19 =	sadd.s32 $0x80, s19  }
0x1ac: {  	s24 =	simm.s32 $0x14;
	s22 =	sand.u32 $0x7C00, s19;
	s19 =	sadd.s32 $0x80, s19  }
0x1ad: {  	[tilespmem:s23+$0x10300] =	vst v10;
	v10 =	vadd.s32 s24, v0;
	s21 =	sor.u32 s21, s22;
	s19 =	sand.u32 $0x7C00, s19  }
0x1ae: {  	s19 =	sor.u32 s20, s19;
	[tilespmem:s21+$0x10300] =	vst v11;
	v11 =	vshll.u32 v10, $0x3  }
0x1af: {  	v10 =	vand.u32 $0x7F, v10;
	v11 =	vand.u32 $0x1FC00, v11;
	[tilespmem:s19+$0x10300] =	vst v12;
	s19 =	simm.s32 $0x0  }
0x1b0: {  	v10 =	vor.u32 v11, v10;
	v12 =	vld.idx.msk [tilespmem:v7+s19+$0x0], $0xffff  }
0x1b1: {  	v10 =	vor.u32 $0x380, v10  }
0x1b2: {  	s28 =	simm.s32 $0x24  }
0x1b3: {  	v11 =	vadd.s32 s28, v0  }
0x1b4: {  	v13 =	vshll.u32 v11, $0x3  }
0x1b5: {  	v11 =	vand.u32 $0x7F, v11;
	v13 =	vand.u32 $0x1FC00, v13;
	[tilespmem:$0x17F5C] =	vst v12  }
0x1b6: {  	v11 =	vor.u32 v13, v11;
	v10 =	vld.idx.msk [tilespmem:v10+s3+$0x0], $0xffff  }
0x1b7: {  	s29 =	simm.s32 $0x34;
	v11 =	vor.u32 $0x380, v11;
	s30 =	sand.u32 $0x7, s19  }
0x1b8: {  	v14 =	vadd.s32 s29, v0;
	s31 =	sshll.u32 s30, $0x4  }
0x1b9: {  	v13 =	vshll.u32 v14, $0x3;
	s21 =	sadd.s32 $0x0, s31  }
0x1ba: {  	s20 =	simm.s32 $0x20;
	v13 =	vand.u32 $0x1FC00, v13;
	s22 =	sor.u32 $0x380, s21;
	s21 =	simm.s32 $0x0;
	v12 =	vand.u32 $0x7F, v14  }
.LBB2_34:
0x1bb: {  	[tilespmem:s22+$0x10000] =	vst v10;
	s22 =	smov.u32 s20;
	s20 =	sadd.s32 $0x10, s20  }
0x1bc: {  	v12 =	vor.u32 v13, v12;
	v10 =	vld.idx.msk [tilespmem:v11+s3+$0x0], $0xffff;
	s19 =	sadd.s32 $0x80, s19;
	s21 =	sadd.s32 $0x1, s21;
	p1 =	slt.u32 s20, $0xFD0  }
.Ltmp18:
0x1bd: {  	v11 =	vor.u32 $0x380, v12;
	(pc) =	sbr.rel @p1 .LBB2_34-.Ltmp18, $4  }
0x1be: {  	s22 =	sadd.s32 $0x24, s22;
	s23 =	sand.u32 $0x7, s21  }
0x1bf: {  	v12 =	vadd.s32 s22, v0;
	s22 =	sshll.u32 s23, $0x4  }
0x1c0: {  	v13 =	vshll.u32 v12, $0x3;
	s22 =	sadd.s32 s22, s19  }
0x1c1: {  	v12 =	vand.u32 $0x7F, v12;
	v13 =	vand.u32 $0x1FC00, v13;
	s22 =	sor.u32 $0x380, s22  }
0x1c2: {  	v12 =	vor.u32 v13, v12  }
0x1c3: {  	v12 =	vor.u32 $0x380, v12;
	_ =	sdelay $0x3  }
0x1c4: {  	v11 =	vld.idx.msk [tilespmem:v11+s3+$0x0], $0xffff;
	s20 =	sadd.s32 $0x1, s21  }
0x1c5: {  	s21 =	sand.u32 $0x7, s20;
	s20 =	sadd.s32 $0x1, s20;
	v12 =	vld.idx.msk [tilespmem:v12+s3+$0x0], $0xffff  }
0x1c6: {  	s19 =	sadd.s32 $0x80, s19;
	s21 =	sshll.u32 s21, $0x4;
	s20 =	sand.u32 $0x7, s20  }
0x1c7: {  	s21 =	sadd.s32 s21, s19;
	s19 =	sadd.s32 $0x80, s19;
	s20 =	sshll.u32 s20, $0x4  }
0x1c8: {  	[tilespmem:s22+$0x10000] =	vst v10;
	s21 =	sor.u32 $0x380, s21;
	s19 =	sadd.s32 s20, s19  }
0x1c9: {  	[tilespmem:s21+$0x10000] =	vst v11;
	s19 =	sor.u32 $0x380, s19  }
0x1ca: {  	[tilespmem:s19+$0x10000] =	vst v12  }
0x1cb: {  	v10 =	vld.idx.msk [tilespmem:v8+s3+$0x0], $0xffff;
	_ =	sdelay $0x4  }
.Ltmp19:
0x1cc: {  	[tilespmem:$0x17FDC] =	vst v10;
	(pc) =	sbr.rel @!p0 .LBB2_36-.Ltmp19, $4  }
0x1cd: {  	[hbm4b:s8+s3] =	stream.linear.scatter [tilespmem:s17], [sflag:$0x1], $0x8000, $0x38;
	v63 =	vld [tilespmem:$0x0]  }
0x1ce: {  	_ =	swait.ge [sflag:s16], $0x8000  }
0x1cf: {  	[sflag:s16] =	ssyncset.done $0x0  }
0x1d0: {  	s19 =	simm.s32 $0x0;
	[sflag:s16] =	ssyncadd.s32 $0xFFFF8000  }
0x1d1: {  	[tilespmem:s19], [sflag:$0x1] =	stream.linear.gather [hbm4b:s12+s19], $0x10000, $0x38;
	v63 =	vld [tilespmem:$0x0]  }
0x1d2: {  	_ =	swait.ge [sflag:s16], $0x10000  }
0x1d3: {  	[sflag:s16] =	ssyncset.done $0x0  }
0x1d4: {  	s20 =	simm.s32 $0x0;
	[sflag:s16] =	ssyncadd.s32 $0xFFFF0000  }
.LBB2_72:
0x1d5: {  	s21 =	sadd.s32 $0x0, s20  }
0x1d6: {  	v10 =	vadd.s32 s21, v0  }
0x1d7: {  	v11 =	vshll.u32 v10, $0x3  }
0x1d8: {  	v10 =	vand.u32 $0x7F, v10;
	v11 =	vand.u32 $0x1FC00, v11  }
0x1d9: {  	v10 =	vor.u32 v10, v11  }
0x1da: {  	s29 =	sadd.s32 $0x10, s20  }
0x1db: {  	v11 =	vadd.s32 s29, v0  }
0x1dc: {  	v12 =	vshll.u32 v11, $0x3  }
0x1dd: {  	v11 =	vand.u32 $0x7F, v11;
	v12 =	vand.u32 $0x1FC00, v12  }
0x1de: {  	v11 =	vor.u32 v11, v12;
	v10 =	vld.idx.msk [tilespmem:v10+s3+$0x0], $0xffff  }
0x1df: {  	s30 =	sadd.s32 $0x20, s20  }
0x1e0: {  	v12 =	vadd.s32 s30, v0  }
0x1e1: {  	s31 =	sand.u32 $0x70, s19;
	s23 =	sand.u32 $0x7C00, s19;
	v13 =	vshll.u32 v12, $0x3  }
0x1e2: {  	s23 =	sor.u32 s31, s23;
	v12 =	vand.u32 $0x7F, v12;
	v14 =	vand.u32 $0x1FC00, v13  }
0x1e3: {  	s22 =	simm.s32 $0x10;
	v13 =	vld.idx.msk [tilespmem:v11+s3+$0x0], $0xffff;
	[tilespmem:s23+$0x10000] =	vst v10;
	v10 =	vor.u32 v12, v14  }
0x1e4: {  	s24 =	simm.s32 $0x30;
	s21 =	simm.s32 $0x20;
	s23 =	simm.s32 $0x0  }
.LBB2_73:
0x1e5: {  	s25 =	sadd.s32 s24, s20;
	p1 =	slt.u32 s24, $0xFD0;
	s23 =	sadd.s32 $0x80, s23  }
.Ltmp20:
0x1e6: {  	s22 =	sand.u32 $0x70, s22;
	v11 =	vadd.s32 s25, v0;
	s25 =	sand.u32 $0x7C00, s23;
	(pc) =	sbr.rel @p1 .LBB2_73-.Ltmp20, $4  }
0x1e7: {  	v12 =	vshll.u32 v11, $0x3;
	s25 =	sor.u32 s22, s25;
	s22 =	smov.u32 s21;
	s21 =	smov.u32 s24  }
0x1e8: {  	v11 =	vand.u32 $0x7F, v11;
	v12 =	vand.u32 $0x1FC00, v12;
	[tilespmem:s25+$0x10000] =	vst v13;
	v13 =	vld.idx.msk [tilespmem:v10+s3+$0x0], $0xffff  }
0x1e9: {  	v10 =	vor.u32 v11, v12  }
0x1ea: {  	s24 =	sadd.s32 $0x10, s24  }
0x1eb: {  	_ = 	snop  }
0x1ec: {  	s24 =	sadd.s32 $0xFDC, s20  }
0x1ed: {  	v11 =	vadd.s32 s24, v0  }
0x1ee: {  	v12 =	vshll.u32 v11, $0x3  }
0x1ef: {  	v14 =	vld.idx.msk [tilespmem:v10+s3+$0x0], $0xffff;
	v10 =	vand.u32 $0x7F, v11;
	v11 =	vand.u32 $0xFC00, v12  }
0x1f0: {  	s23 =	sadd.s32 $0x80, s23;
	s22 =	sand.u32 $0x70, s22;
	v12 =	vor.u32 v10, v11  }
0x1f1: {  	s25 =	sadd.s32 $0x0, s20;
	s31 =	sand.u32 $0x7C00, s23;
	s23 =	sadd.s32 $0x80, s23  }
0x1f2: {  	s21 =	sand.u32 $0x70, s21;
	v15 =	vadd.s32 s25, v0;
	s22 =	sor.u32 s22, s31;
	s23 =	sand.u32 $0x7C00, s23  }
0x1f3: {  	[tilespmem:s22+$0x10000] =	vst v13;
	s21 =	sor.u32 s21, s23;
	v13 =	vshll.u32 v15, $0x3  }
0x1f4: {  	v13 =	vand.u32 $0x1FC00, v13;
	[tilespmem:s21+$0x10000] =	vst v14;
	s21 =	simm.s32 $0x0;
	v14 =	vand.u32 $0x7F, v15  }
0x1f5: {  	v13 =	vor.u32 v13, v14;
	v15 =	vld.idx.msk [tilespmem:v12+s21+$0x0], $0xffff  }
0x1f6: {  	s26 =	sadd.s32 $0x10, s20;
	v13 =	vor.u32 $0x80, v13  }
0x1f7: {  	v14 =	vadd.s32 s26, v0  }
0x1f8: {  	v16 =	vshll.u32 v14, $0x3  }
0x1f9: {  	v14 =	vand.u32 $0x7F, v14;
	v16 =	vand.u32 $0x1FC00, v16  }
0x1fa: {  	v14 =	vor.u32 v16, v14;
	[tilespmem:$0x17C5C] =	vst v15  }
0x1fb: {  	s28 =	sadd.s32 $0x20, s20;
	v15 =	vld.idx.msk [tilespmem:v13+s3+$0x0], $0xffff;
	v13 =	vor.u32 $0x80, v14  }
0x1fc: {  	v14 =	vadd.s32 s28, v0  }
0x1fd: {  	v62 =	vshll.u32 v14, $0x3  }
0x1fe: {  	s29 =	sand.u32 $0x70, s21;
	s30 =	sand.u32 $0x7C00, s21;
	v14 =	vand.u32 $0x7F, v14;
	v16 =	vand.u32 $0x1FC00, v62  }
0x1ff: {  	s31 =	sor.u32 s29, s30;
	v14 =	vor.u32 v16, v14  }
0x200: {  	s24 =	simm.s32 $0x30;
	s23 =	simm.s32 $0x10;
	s22 =	simm.s32 $0x20;
	v14 =	vor.u32 $0x80, v14;
	v13 =	vld.idx.msk [tilespmem:v13+s3+$0x0], $0xffff;
	[tilespmem:s31+$0x10080] =	vst v15  }
.LBB2_75:
0x201: {  	s25 =	sadd.s32 s24, s20;
	p1 =	slt.u32 s24, $0xFD0  }
.Ltmp21:
0x202: {  	s21 =	sadd.s32 $0x80, s21;
	v15 =	vadd.s32 s25, v0;
	(pc) =	sbr.rel @p1 .LBB2_75-.Ltmp21, $4  }
0x203: {  	s25 =	sand.u32 $0x70, s23;
	s26 =	sand.u32 $0x7C00, s21;
	s23 =	smov.u32 s22;
	v16 =	vshll.u32 v15, $0x3  }
0x204: {  	s22 =	smov.u32 s24;
	v15 =	vand.u32 $0x7F, v15;
	s25 =	sor.u32 s25, s26;
	v16 =	vand.u32 $0x1FC00, v16  }
0x205: {  	v15 =	vor.u32 v16, v15;
	[tilespmem:s25+$0x10080] =	vst v13;
	v13 =	vld.idx.msk [tilespmem:v14+s3+$0x0], $0xffff  }
0x206: {  	s24 =	sadd.s32 $0x10, s24;
	v14 =	vor.u32 $0x80, v15  }
0x207: {  	_ =	sdelay $0x3  }
0x208: {  	v14 =	vld.idx.msk [tilespmem:v14+s3+$0x0], $0xffff  }
0x209: {  	s21 =	sadd.s32 $0x80, s21;
	s23 =	sand.u32 $0x70, s23;
	v15 =	vor.u32 $0x80, v12  }
0x20a: {  	s25 =	sadd.s32 $0x0, s20;
	s24 =	sand.u32 $0x7C00, s21;
	s21 =	sadd.s32 $0x80, s21  }
0x20b: {  	s22 =	sand.u32 $0x70, s22;
	v16 =	vadd.s32 s25, v0;
	s23 =	sor.u32 s23, s24;
	s21 =	sand.u32 $0x7C00, s21  }
0x20c: {  	[tilespmem:s23+$0x10080] =	vst v13;
	s21 =	sor.u32 s22, s21;
	v13 =	vshll.u32 v16, $0x3  }
0x20d: {  	v13 =	vand.u32 $0x1FC00, v13;
	[tilespmem:s21+$0x10080] =	vst v14;
	s21 =	simm.s32 $0x0;
	v14 =	vand.u32 $0x7F, v16  }
0x20e: {  	v15 =	vld.idx.msk [tilespmem:v15+s21+$0x0], $0xffff;
	v13 =	vor.u32 v13, v14  }
0x20f: {  	s26 =	sadd.s32 $0x10, s20;
	v13 =	vor.u32 $0x100, v13  }
0x210: {  	v14 =	vadd.s32 s26, v0  }
0x211: {  	v61 =	vshll.u32 v14, $0x3  }
0x212: {  	v14 =	vand.u32 $0x7F, v14;
	v16 =	vand.u32 $0x1FC00, v61  }
0x213: {  	v14 =	vor.u32 v16, v14;
	[tilespmem:$0x17CDC] =	vst v15  }
0x214: {  	s28 =	sadd.s32 $0x20, s20;
	v15 =	vld.idx.msk [tilespmem:v13+s3+$0x0], $0xffff;
	v13 =	vor.u32 $0x100, v14  }
0x215: {  	v14 =	vadd.s32 s28, v0  }
0x216: {  	v62 =	vshll.u32 v14, $0x3  }
0x217: {  	s29 =	sand.u32 $0x70, s21;
	s30 =	sand.u32 $0x7C00, s21;
	v14 =	vand.u32 $0x7F, v14;
	v16 =	vand.u32 $0x1FC00, v62  }
0x218: {  	s31 =	sor.u32 s29, s30;
	v14 =	vor.u32 v16, v14  }
0x219: {  	s24 =	simm.s32 $0x30;
	s23 =	simm.s32 $0x10;
	s22 =	simm.s32 $0x20;
	v14 =	vor.u32 $0x100, v14;
	v13 =	vld.idx.msk [tilespmem:v13+s3+$0x0], $0xffff;
	[tilespmem:s31+$0x10100] =	vst v15  }
.LBB2_77:
0x21a: {  	s25 =	sadd.s32 s24, s20;
	p1 =	slt.u32 s24, $0xFD0  }
.Ltmp22:
0x21b: {  	s21 =	sadd.s32 $0x80, s21;
	v15 =	vadd.s32 s25, v0;
	(pc) =	sbr.rel @p1 .LBB2_77-.Ltmp22, $4  }
0x21c: {  	s25 =	sand.u32 $0x70, s23;
	s26 =	sand.u32 $0x7C00, s21;
	s23 =	smov.u32 s22;
	v16 =	vshll.u32 v15, $0x3  }
0x21d: {  	s22 =	smov.u32 s24;
	v15 =	vand.u32 $0x7F, v15;
	s25 =	sor.u32 s25, s26;
	v16 =	vand.u32 $0x1FC00, v16  }
0x21e: {  	v15 =	vor.u32 v16, v15;
	[tilespmem:s25+$0x10100] =	vst v13;
	v13 =	vld.idx.msk [tilespmem:v14+s3+$0x0], $0xffff  }
0x21f: {  	s24 =	sadd.s32 $0x10, s24;
	v14 =	vor.u32 $0x100, v15  }
0x220: {  	_ =	sdelay $0x3  }
0x221: {  	v14 =	vld.idx.msk [tilespmem:v14+s3+$0x0], $0xffff  }
0x222: {  	s21 =	sadd.s32 $0x80, s21;
	s23 =	sand.u32 $0x70, s23;
	v15 =	vor.u32 $0x100, v12  }
0x223: {  	s25 =	sadd.s32 $0x0, s20;
	s24 =	sand.u32 $0x7C00, s21;
	s21 =	sadd.s32 $0x80, s21  }
0x224: {  	s22 =	sand.u32 $0x70, s22;
	v16 =	vadd.s32 s25, v0;
	s23 =	sor.u32 s23, s24;
	s21 =	sand.u32 $0x7C00, s21  }
0x225: {  	[tilespmem:s23+$0x10100] =	vst v13;
	s21 =	sor.u32 s22, s21;
	v13 =	vshll.u32 v16, $0x3  }
0x226: {  	v13 =	vand.u32 $0x1FC00, v13;
	[tilespmem:s21+$0x10100] =	vst v14;
	s21 =	simm.s32 $0x0;
	v14 =	vand.u32 $0x7F, v16  }
0x227: {  	v15 =	vld.idx.msk [tilespmem:v15+s21+$0x0], $0xffff;
	v13 =	vor.u32 v13, v14  }
0x228: {  	s26 =	sadd.s32 $0x10, s20;
	v13 =	vor.u32 $0x180, v13  }
0x229: {  	v14 =	vadd.s32 s26, v0  }
0x22a: {  	v61 =	vshll.u32 v14, $0x3  }
0x22b: {  	v14 =	vand.u32 $0x7F, v14;
	v16 =	vand.u32 $0x1FC00, v61  }
0x22c: {  	v14 =	vor.u32 v16, v14;
	[tilespmem:$0x17D5C] =	vst v15  }
0x22d: {  	s28 =	sadd.s32 $0x20, s20;
	v15 =	vld.idx.msk [tilespmem:v13+s3+$0x0], $0xffff;
	v13 =	vor.u32 $0x180, v14  }
0x22e: {  	v14 =	vadd.s32 s28, v0  }
0x22f: {  	v62 =	vshll.u32 v14, $0x3  }
0x230: {  	s29 =	sand.u32 $0x70, s21;
	s30 =	sand.u32 $0x7C00, s21;
	v14 =	vand.u32 $0x7F, v14;
	v16 =	vand.u32 $0x1FC00, v62  }
0x231: {  	s31 =	sor.u32 s29, s30;
	v14 =	vor.u32 v16, v14  }
0x232: {  	s24 =	simm.s32 $0x30;
	s23 =	simm.s32 $0x10;
	s22 =	simm.s32 $0x20;
	v14 =	vor.u32 $0x180, v14;
	v13 =	vld.idx.msk [tilespmem:v13+s3+$0x0], $0xffff;
	[tilespmem:s31+$0x10180] =	vst v15  }
.LBB2_79:
0x233: {  	s25 =	sadd.s32 s24, s20;
	p1 =	slt.u32 s24, $0xFD0  }
.Ltmp23:
0x234: {  	s21 =	sadd.s32 $0x80, s21;
	v15 =	vadd.s32 s25, v0;
	(pc) =	sbr.rel @p1 .LBB2_79-.Ltmp23, $4  }
0x235: {  	s25 =	sand.u32 $0x70, s23;
	s26 =	sand.u32 $0x7C00, s21;
	s23 =	smov.u32 s22;
	v16 =	vshll.u32 v15, $0x3  }
0x236: {  	s22 =	smov.u32 s24;
	v15 =	vand.u32 $0x7F, v15;
	s25 =	sor.u32 s25, s26;
	v16 =	vand.u32 $0x1FC00, v16  }
0x237: {  	v15 =	vor.u32 v16, v15;
	[tilespmem:s25+$0x10180] =	vst v13;
	v13 =	vld.idx.msk [tilespmem:v14+s3+$0x0], $0xffff  }
0x238: {  	s24 =	sadd.s32 $0x10, s24;
	v14 =	vor.u32 $0x180, v15  }
0x239: {  	_ =	sdelay $0x3  }
0x23a: {  	v14 =	vld.idx.msk [tilespmem:v14+s3+$0x0], $0xffff  }
0x23b: {  	s21 =	sadd.s32 $0x80, s21;
	s23 =	sand.u32 $0x70, s23;
	v15 =	vor.u32 $0x180, v12  }
0x23c: {  	s25 =	sadd.s32 $0x0, s20;
	s24 =	sand.u32 $0x7C00, s21;
	s21 =	sadd.s32 $0x80, s21  }
0x23d: {  	s22 =	sand.u32 $0x70, s22;
	v16 =	vadd.s32 s25, v0;
	s23 =	sor.u32 s23, s24;
	s21 =	sand.u32 $0x7C00, s21  }
0x23e: {  	[tilespmem:s23+$0x10180] =	vst v13;
	s21 =	sor.u32 s22, s21;
	v13 =	vshll.u32 v16, $0x3  }
0x23f: {  	v13 =	vand.u32 $0x1FC00, v13;
	[tilespmem:s21+$0x10180] =	vst v14;
	s21 =	simm.s32 $0x0;
	v14 =	vand.u32 $0x7F, v16  }
0x240: {  	v15 =	vld.idx.msk [tilespmem:v15+s21+$0x0], $0xffff;
	v13 =	vor.u32 v13, v14  }
0x241: {  	s26 =	sadd.s32 $0x10, s20;
	v13 =	vor.u32 $0x200, v13  }
0x242: {  	v14 =	vadd.s32 s26, v0  }
0x243: {  	v61 =	vshll.u32 v14, $0x3  }
0x244: {  	v14 =	vand.u32 $0x7F, v14;
	v16 =	vand.u32 $0x1FC00, v61  }
0x245: {  	v14 =	vor.u32 v16, v14;
	[tilespmem:$0x17DDC] =	vst v15  }
0x246: {  	s28 =	sadd.s32 $0x20, s20;
	v15 =	vld.idx.msk [tilespmem:v13+s3+$0x0], $0xffff;
	v13 =	vor.u32 $0x200, v14  }
0x247: {  	v14 =	vadd.s32 s28, v0  }
0x248: {  	v62 =	vshll.u32 v14, $0x3  }
0x249: {  	s29 =	sand.u32 $0x70, s21;
	s30 =	sand.u32 $0x7C00, s21;
	v14 =	vand.u32 $0x7F, v14;
	v16 =	vand.u32 $0x1FC00, v62  }
0x24a: {  	s31 =	sor.u32 s29, s30;
	v14 =	vor.u32 v16, v14  }
0x24b: {  	s24 =	simm.s32 $0x30;
	s23 =	simm.s32 $0x10;
	s22 =	simm.s32 $0x20;
	v14 =	vor.u32 $0x200, v14;
	v13 =	vld.idx.msk [tilespmem:v13+s3+$0x0], $0xffff;
	[tilespmem:s31+$0x10200] =	vst v15  }
.LBB2_81:
0x24c: {  	s25 =	sadd.s32 s24, s20;
	p1 =	slt.u32 s24, $0xFD0  }
.Ltmp24:
0x24d: {  	s21 =	sadd.s32 $0x80, s21;
	v15 =	vadd.s32 s25, v0;
	(pc) =	sbr.rel @p1 .LBB2_81-.Ltmp24, $4  }
0x24e: {  	s25 =	sand.u32 $0x70, s23;
	s26 =	sand.u32 $0x7C00, s21;
	s23 =	smov.u32 s22;
	v16 =	vshll.u32 v15, $0x3  }
0x24f: {  	s22 =	smov.u32 s24;
	v15 =	vand.u32 $0x7F, v15;
	s25 =	sor.u32 s25, s26;
	v16 =	vand.u32 $0x1FC00, v16  }
0x250: {  	v15 =	vor.u32 v16, v15;
	[tilespmem:s25+$0x10200] =	vst v13;
	v13 =	vld.idx.msk [tilespmem:v14+s3+$0x0], $0xffff  }
0x251: {  	s24 =	sadd.s32 $0x10, s24;
	v14 =	vor.u32 $0x200, v15  }
0x252: {  	_ =	sdelay $0x3  }
0x253: {  	v14 =	vld.idx.msk [tilespmem:v14+s3+$0x0], $0xffff  }
0x254: {  	s21 =	sadd.s32 $0x80, s21;
	s23 =	sand.u32 $0x70, s23;
	v15 =	vor.u32 $0x200, v12  }
0x255: {  	s25 =	sadd.s32 $0x0, s20;
	s24 =	sand.u32 $0x7C00, s21;
	s21 =	sadd.s32 $0x80, s21  }
0x256: {  	s22 =	sand.u32 $0x70, s22;
	v16 =	vadd.s32 s25, v0;
	s23 =	sor.u32 s23, s24;
	s21 =	sand.u32 $0x7C00, s21  }
0x257: {  	[tilespmem:s23+$0x10200] =	vst v13;
	s21 =	sor.u32 s22, s21;
	v13 =	vshll.u32 v16, $0x3  }
0x258: {  	v13 =	vand.u32 $0x1FC00, v13;
	[tilespmem:s21+$0x10200] =	vst v14;
	s21 =	simm.s32 $0x0;
	v14 =	vand.u32 $0x7F, v16  }
0x259: {  	v15 =	vld.idx.msk [tilespmem:v15+s21+$0x0], $0xffff;
	v13 =	vor.u32 v13, v14  }
0x25a: {  	s26 =	sadd.s32 $0x10, s20;
	v13 =	vor.u32 $0x280, v13  }
0x25b: {  	v14 =	vadd.s32 s26, v0  }
0x25c: {  	v61 =	vshll.u32 v14, $0x3  }
0x25d: {  	v14 =	vand.u32 $0x7F, v14;
	v16 =	vand.u32 $0x1FC00, v61  }
0x25e: {  	v14 =	vor.u32 v16, v14;
	[tilespmem:$0x17E5C] =	vst v15  }
0x25f: {  	s28 =	sadd.s32 $0x20, s20;
	v15 =	vld.idx.msk [tilespmem:v13+s3+$0x0], $0xffff;
	v13 =	vor.u32 $0x280, v14  }
0x260: {  	v14 =	vadd.s32 s28, v0  }
0x261: {  	v62 =	vshll.u32 v14, $0x3  }
0x262: {  	s29 =	sand.u32 $0x70, s21;
	s30 =	sand.u32 $0x7C00, s21;
	v14 =	vand.u32 $0x7F, v14;
	v16 =	vand.u32 $0x1FC00, v62  }
0x263: {  	s31 =	sor.u32 s29, s30;
	v14 =	vor.u32 v16, v14  }
0x264: {  	s24 =	simm.s32 $0x30;
	s23 =	simm.s32 $0x10;
	s22 =	simm.s32 $0x20;
	v14 =	vor.u32 $0x280, v14;
	v13 =	vld.idx.msk [tilespmem:v13+s3+$0x0], $0xffff;
	[tilespmem:s31+$0x10280] =	vst v15  }
.LBB2_83:
0x265: {  	s25 =	sadd.s32 s24, s20;
	p1 =	slt.u32 s24, $0xFD0  }
.Ltmp25:
0x266: {  	s21 =	sadd.s32 $0x80, s21;
	v15 =	vadd.s32 s25, v0;
	(pc) =	sbr.rel @p1 .LBB2_83-.Ltmp25, $4  }
0x267: {  	s25 =	sand.u32 $0x70, s23;
	s26 =	sand.u32 $0x7C00, s21;
	s23 =	smov.u32 s22;
	v16 =	vshll.u32 v15, $0x3  }
0x268: {  	s22 =	smov.u32 s24;
	v15 =	vand.u32 $0x7F, v15;
	s25 =	sor.u32 s25, s26;
	v16 =	vand.u32 $0x1FC00, v16  }
0x269: {  	v15 =	vor.u32 v16, v15;
	[tilespmem:s25+$0x10280] =	vst v13;
	v13 =	vld.idx.msk [tilespmem:v14+s3+$0x0], $0xffff  }
0x26a: {  	s24 =	sadd.s32 $0x10, s24;
	v14 =	vor.u32 $0x280, v15  }
0x26b: {  	_ =	sdelay $0x3  }
0x26c: {  	v14 =	vld.idx.msk [tilespmem:v14+s3+$0x0], $0xffff  }
0x26d: {  	s21 =	sadd.s32 $0x80, s21;
	s23 =	sand.u32 $0x70, s23;
	v15 =	vor.u32 $0x280, v12  }
0x26e: {  	s25 =	sadd.s32 $0x0, s20;
	s24 =	sand.u32 $0x7C00, s21;
	s21 =	sadd.s32 $0x80, s21  }
0x26f: {  	s22 =	sand.u32 $0x70, s22;
	v16 =	vadd.s32 s25, v0;
	s23 =	sor.u32 s23, s24;
	s21 =	sand.u32 $0x7C00, s21  }
0x270: {  	[tilespmem:s23+$0x10280] =	vst v13;
	s21 =	sor.u32 s22, s21;
	v13 =	vshll.u32 v16, $0x3  }
0x271: {  	v13 =	vand.u32 $0x1FC00, v13;
	[tilespmem:s21+$0x10280] =	vst v14;
	s21 =	simm.s32 $0x0;
	v14 =	vand.u32 $0x7F, v16  }
0x272: {  	v15 =	vld.idx.msk [tilespmem:v15+s21+$0x0], $0xffff;
	v13 =	vor.u32 v13, v14  }
0x273: {  	s26 =	sadd.s32 $0x10, s20;
	v13 =	vor.u32 $0x300, v13  }
0x274: {  	v14 =	vadd.s32 s26, v0  }
0x275: {  	v61 =	vshll.u32 v14, $0x3  }
0x276: {  	v14 =	vand.u32 $0x7F, v14;
	v16 =	vand.u32 $0x1FC00, v61  }
0x277: {  	v14 =	vor.u32 v16, v14;
	[tilespmem:$0x17EDC] =	vst v15  }
0x278: {  	s28 =	sadd.s32 $0x20, s20;
	v15 =	vld.idx.msk [tilespmem:v13+s3+$0x0], $0xffff;
	v13 =	vor.u32 $0x300, v14  }
0x279: {  	v14 =	vadd.s32 s28, v0  }
0x27a: {  	v62 =	vshll.u32 v14, $0x3  }
0x27b: {  	s29 =	sand.u32 $0x70, s21;
	s30 =	sand.u32 $0x7C00, s21;
	v14 =	vand.u32 $0x7F, v14;
	v16 =	vand.u32 $0x1FC00, v62  }
0x27c: {  	s31 =	sor.u32 s29, s30;
	v14 =	vor.u32 v16, v14  }
0x27d: {  	s24 =	simm.s32 $0x30;
	s23 =	simm.s32 $0x10;
	s22 =	simm.s32 $0x20;
	v14 =	vor.u32 $0x300, v14;
	v13 =	vld.idx.msk [tilespmem:v13+s3+$0x0], $0xffff;
	[tilespmem:s31+$0x10300] =	vst v15  }
.LBB2_85:
0x27e: {  	s25 =	sadd.s32 s24, s20;
	p1 =	slt.u32 s24, $0xFD0  }
.Ltmp26:
0x27f: {  	s21 =	sadd.s32 $0x80, s21;
	v15 =	vadd.s32 s25, v0;
	(pc) =	sbr.rel @p1 .LBB2_85-.Ltmp26, $4  }
0x280: {  	s25 =	sand.u32 $0x70, s23;
	s26 =	sand.u32 $0x7C00, s21;
	s23 =	smov.u32 s22;
	v16 =	vshll.u32 v15, $0x3  }
0x281: {  	s22 =	smov.u32 s24;
	v15 =	vand.u32 $0x7F, v15;
	s25 =	sor.u32 s25, s26;
	v16 =	vand.u32 $0x1FC00, v16  }
0x282: {  	v15 =	vor.u32 v16, v15;
	[tilespmem:s25+$0x10300] =	vst v13;
	v13 =	vld.idx.msk [tilespmem:v14+s3+$0x0], $0xffff  }
0x283: {  	s24 =	sadd.s32 $0x10, s24;
	v14 =	vor.u32 $0x300, v15  }
0x284: {  	_ =	sdelay $0x3  }
0x285: {  	v14 =	vld.idx.msk [tilespmem:v14+s3+$0x0], $0xffff  }
0x286: {  	s21 =	sadd.s32 $0x80, s21;
	s23 =	sand.u32 $0x70, s23;
	v15 =	vor.u32 $0x300, v12  }
0x287: {  	s25 =	sadd.s32 $0x0, s20;
	s24 =	sand.u32 $0x7C00, s21;
	s21 =	sadd.s32 $0x80, s21  }
0x288: {  	s22 =	sand.u32 $0x70, s22;
	v16 =	vadd.s32 s25, v0;
	s23 =	sor.u32 s23, s24;
	s21 =	sand.u32 $0x7C00, s21  }
0x289: {  	[tilespmem:s23+$0x10300] =	vst v13;
	s21 =	sor.u32 s22, s21;
	v13 =	vshll.u32 v16, $0x3  }
0x28a: {  	v13 =	vand.u32 $0x1FC00, v13;
	[tilespmem:s21+$0x10300] =	vst v14;
	s21 =	simm.s32 $0x0;
	v14 =	vand.u32 $0x7F, v16  }
0x28b: {  	v15 =	vld.idx.msk [tilespmem:v15+s21+$0x0], $0xffff;
	v13 =	vor.u32 v13, v14  }
0x28c: {  	s28 =	sadd.s32 $0x10, s20;
	v13 =	vor.u32 $0x380, v13  }
0x28d: {  	v14 =	vadd.s32 s28, v0  }
0x28e: {  	v61 =	vshll.u32 v14, $0x3  }
0x28f: {  	v14 =	vand.u32 $0x7F, v14;
	v16 =	vand.u32 $0x1FC00, v61  }
0x290: {  	v14 =	vor.u32 v16, v14;
	[tilespmem:$0x17F5C] =	vst v15  }
0x291: {  	s29 =	sadd.s32 $0x20, s20;
	v15 =	vld.idx.msk [tilespmem:v13+s3+$0x0], $0xffff;
	v13 =	vor.u32 $0x380, v14  }
0x292: {  	s30 =	sand.u32 $0x7, s21;
	v14 =	vadd.s32 s29, v0  }
0x293: {  	s31 =	sshll.u32 s30, $0x4;
	v62 =	vshll.u32 v14, $0x3  }
0x294: {  	s22 =	sadd.s32 $0x0, s31;
	v14 =	vand.u32 $0x7F, v14;
	v16 =	vand.u32 $0x1FC00, v62  }
0x295: {  	s22 =	sor.u32 $0x380, s22;
	v14 =	vor.u32 v16, v14  }
0x296: {  	s23 =	simm.s32 $0x30;
	v14 =	vor.u32 $0x380, v14;
	v13 =	vld.idx.msk [tilespmem:v13+s3+$0x0], $0xffff;
	[tilespmem:s22+$0x10000] =	vst v15;
	s22 =	simm.s32 $0x1  }
.LBB2_87:
0x297: {  	s24 =	sadd.s32 s23, s20;
	p1 =	slt.u32 s23, $0xFD0;
	s25 =	sand.u32 $0x7, s22  }
.Ltmp27:
0x298: {  	s21 =	sadd.s32 $0x80, s21;
	v15 =	vadd.s32 s24, v0;
	s24 =	sshll.u32 s25, $0x4;
	(pc) =	sbr.rel @p1 .LBB2_87-.Ltmp27, $4  }
0x299: {  	v16 =	vshll.u32 v15, $0x3;
	s24 =	sadd.s32 s24, s21  }
0x29a: {  	v15 =	vand.u32 $0x7F, v15;
	v16 =	vand.u32 $0x1FC00, v16;
	s24 =	sor.u32 $0x380, s24  }
0x29b: {  	v15 =	vor.u32 v16, v15;
	[tilespmem:s24+$0x10000] =	vst v13;
	v13 =	vld.idx.msk [tilespmem:v14+s3+$0x0], $0xffff  }
0x29c: {  	s23 =	sadd.s32 $0x10, s23;
	s22 =	sadd.s32 $0x1, s22;
	v14 =	vor.u32 $0x380, v15  }
0x29d: {  	_ =	sdelay $0x3  }
0x29e: {  	s23 =	sand.u32 $0x7, s22;
	s21 =	sadd.s32 $0x80, s21;
	v14 =	vld.idx.msk [tilespmem:v14+s3+$0x0], $0xffff;
	s25 =	sadd.s32 $0x1, s22  }
0x29f: {  	v12 =	vor.u32 $0x380, v12;
	s24 =	sadd.s32 $0x0, s20;
	s23 =	sshll.u32 s23, $0x4;
	s22 =	sand.u32 $0x7, s25  }
0x2a0: {  	s23 =	sadd.s32 s23, s21;
	s22 =	sshll.u32 s22, $0x4;
	s21 =	sadd.s32 $0x80, s21  }
0x2a1: {  	v15 =	vadd.s32 s24, v0;
	s23 =	sor.u32 $0x380, s23;
	s21 =	sadd.s32 s22, s21  }
0x2a2: {  	[tilespmem:s23+$0x10000] =	vst v13;
	s21 =	sor.u32 $0x380, s21;
	v13 =	vshll.u32 v15, $0x3  }
0x2a3: {  	[tilespmem:s21+$0x10000] =	vst v14;
	s21 =	simm.s32 $0x0;
	v14 =	vand.u32 $0x7F, v15;
	v13 =	vand.u32 $0x1FC00, v13  }
0x2a4: {  	v12 =	vld.idx.msk [tilespmem:v12+s21+$0x0], $0xffff;
	v13 =	vor.u32 v14, v13  }
0x2a5: {  	s26 =	sadd.s32 $0x10, s20;
	v13 =	vadd.s32 $0x8000, v13  }
0x2a6: {  	v14 =	vadd.s32 s26, v0  }
0x2a7: {  	v15 =	vshll.u32 v14, $0x3  }
0x2a8: {  	v14 =	vand.u32 $0x7F, v14;
	v15 =	vand.u32 $0x1FC00, v15  }
0x2a9: {  	[tilespmem:$0x17FDC] =	vst v12;
	v12 =	vor.u32 v14, v15  }
0x2aa: {  	s28 =	sadd.s32 $0x20, s20;
	v13 =	vld.idx.msk [tilespmem:v13+s3+$0x0], $0xffff;
	v12 =	vadd.s32 $0x8000, v12  }
0x2ab: {  	v14 =	vadd.s32 s28, v0  }
0x2ac: {  	v15 =	vshll.u32 v14, $0x3  }
0x2ad: {  	s29 =	sand.u32 $0x70, s21;
	s30 =	sand.u32 $0x7C00, s21;
	v14 =	vand.u32 $0x7F, v14;
	v15 =	vand.u32 $0x1FC00, v15  }
0x2ae: {  	s31 =	sor.u32 s29, s30;
	v14 =	vor.u32 v14, v15  }
0x2af: {  	s24 =	simm.s32 $0x30;
	s22 =	simm.s32 $0x10;
	s23 =	simm.s32 $0x20;
	v12 =	vld.idx.msk [tilespmem:v12+s3+$0x0], $0xffff;
	[tilespmem:s31+$0x18000] =	vst v13;
	v13 =	vadd.s32 $0x8000, v14  }
.LBB2_89:
0x2b0: {  	s25 =	sadd.s32 s24, s20;
	p1 =	slt.u32 s24, $0xFD0  }
.Ltmp28:
0x2b1: {  	s21 =	sadd.s32 $0x80, s21;
	v14 =	vadd.s32 s25, v0;
	(pc) =	sbr.rel @p1 .LBB2_89-.Ltmp28, $4  }
0x2b2: {  	s25 =	sand.u32 $0x70, s22;
	s26 =	sand.u32 $0x7C00, s21;
	s22 =	smov.u32 s23;
	v15 =	vshll.u32 v14, $0x3  }
0x2b3: {  	s23 =	smov.u32 s24;
	v14 =	vand.u32 $0x7F, v14;
	s25 =	sor.u32 s25, s26;
	v15 =	vand.u32 $0x1FC00, v15  }
0x2b4: {  	v14 =	vor.u32 v14, v15;
	[tilespmem:s25+$0x18000] =	vst v12;
	v12 =	vld.idx.msk [tilespmem:v13+s3+$0x0], $0xffff  }
0x2b5: {  	s24 =	sadd.s32 $0x10, s24;
	v13 =	vadd.s32 $0x8000, v14  }
0x2b6: {  	_ =	sdelay $0x3  }
0x2b7: {  	v13 =	vld.idx.msk [tilespmem:v13+s3+$0x0], $0xffff;
	v10 =	vadd.s32 v10, v11  }
0x2b8: {  	s21 =	sadd.s32 $0x80, s21;
	v10 =	vadd.s32 $0x8000, v10  }
0x2b9: {  	s22 =	sand.u32 $0x70, s22;
	s24 =	sand.u32 $0x7C00, s21;
	s21 =	sadd.s32 $0x80, s21  }
0x2ba: {  	s23 =	sand.u32 $0x70, s23;
	s22 =	sor.u32 s22, s24;
	s21 =	sand.u32 $0x7C00, s21  }
0x2bb: {  	[tilespmem:s22+$0x18000] =	vst v12;
	s21 =	sor.u32 s23, s21  }
0x2bc: {  	[tilespmem:s21+$0x18000] =	vst v13  }
0x2bd: {  	v10 =	vld.idx.msk [tilespmem:v10+s3+$0x0], $0xffff  }
0x2be: {  	s31 =	smul.u32 $0x208000, s20;
	_ =	sdelay $0x1  }
0x2bf: {  	s20 =	sadd.s32 $0x1, s20;
	s21 =	sshrl.u32 s31, $0x3  }
0x2c0: {  	p1 =	sne.s32 s20, $0x14;
	s21 =	sadd.s32 s2, s21  }
.Ltmp29:
0x2c1: {  	s21 =	sadd.s32 $0x3F000, s21;
	[tilespmem:$0x1FC5C] =	vst v10;
	(pc) =	sbr.rel @p1 .LBB2_72-.Ltmp29, $4  }
0x2c2: {  	[hbm4b:s21+s3] =	stream.linear.scatter [tilespmem:s17], [sflag:$0x1], $0x10000, $0x38;
	v63 =	vld [tilespmem:$0x0]  }
0x2c3: {  	_ =	swait.ge [sflag:s16], $0x10000  }
0x2c4: {  	[sflag:s16] =	ssyncset.done $0x0  }
0x2c5: {  	[sflag:s16] =	ssyncadd.s32 $0xFFFF0000  }
0x2c6: {  	s19 =	simm.s32 $0x14  }
0x2c7: {  	v10 =	vadd.s32 s19, v0  }
0x2c8: {  	v11 =	vshll.u32 v10, $0x3  }
0x2c9: {  	v10 =	vand.u32 $0x7F, v10;
	v11 =	vand.u32 $0x1FC00, v11  }
0x2ca: {  	s19 =	simm.s32 $0x0;
	v10 =	vor.u32 v10, v11  }
0x2cb: {  	[tilespmem:s19], [sflag:$0x1] =	stream.linear.gather [hbm4b:s13+s19], $0x10000, $0x38;
	v63 =	vld [tilespmem:$0x0]  }
0x2cc: {  	s20 =	simm.s32 $0x24;
	_ =	swait.ge [sflag:s16], $0x10000  }
0x2cd: {  	[sflag:s16] =	ssyncset.done $0x0;
	v11 =	vadd.s32 s20, v0  }
0x2ce: {  	[sflag:s16] =	ssyncadd.s32 $0xFFFF0000;
	v12 =	vshll.u32 v11, $0x3  }
0x2cf: {  	v11 =	vand.u32 $0x7F, v11;
	v12 =	vand.u32 $0x1FC00, v12;
	v10 =	vld.idx.msk [tilespmem:v10+s3+$0x0], $0xffff  }
0x2d0: {  	v11 =	vor.u32 v11, v12  }
0x2d1: {  	s21 =	simm.s32 $0x0;
	s30 =	simm.s32 $0x34;
	s31 =	simm.s32 $0x10  }
0x2d2: {  	s22 =	simm.s32 $0x20;
	s23 =	sand.u32 $0x70, s21;
	v13 =	vadd.s32 s30, v0;
	s24 =	sand.u32 $0x7C00, s19  }
0x2d3: {  	s21 =	sand.u32 $0x70, s31;
	s23 =	sor.u32 s23, s24;
	s20 =	sand.u32 $0x70, s22;
	v12 =	vand.u32 $0x7F, v13;
	v13 =	vshll.u32 v13, $0x3  }
.LBB2_92:
0x2d4: {  	[tilespmem:s23+$0x10000] =	vst v10;
	s23 =	smov.u32 s22;
	s22 =	sadd.s32 $0x10, s22  }
0x2d5: {  	v13 =	vand.u32 $0x1FC00, v13;
	v10 =	vld.idx.msk [tilespmem:v11+s3+$0x0], $0xffff;
	s19 =	sadd.s32 $0x80, s19;
	p1 =	slt.u32 s22, $0xFD0  }
.Ltmp30:
0x2d6: {  	s24 =	sand.u32 $0x70, s22;
	v11 =	vor.u32 v12, v13;
	(pc) =	sbr.rel @p1 .LBB2_92-.Ltmp30, $4  }
0x2d7: {  	_ = 	snop  }
0x2d8: {  	s23 =	sadd.s32 $0x24, s23  }
0x2d9: {  	v13 =	vadd.s32 s23, v0;
	s23 =	sand.u32 $0x7C00, s19  }
0x2da: {  	v12 =	vand.u32 $0x7F, v13;
	v13 =	vshll.u32 v13, $0x3;
	s23 =	sor.u32 s21, s23;
	s21 =	smov.u32 s20;
	s20 =	smov.u32 s24  }
0x2db: {  	v13 =	vand.u32 $0x1FC00, v13  }
0x2dc: {  	v12 =	vor.u32 v12, v13;
	_ =	sdelay $0x3  }
0x2dd: {  	v11 =	vld.idx.msk [tilespmem:v11+s3+$0x0], $0xffff  }
0x2de: {  	v12 =	vld.idx.msk [tilespmem:v12+s3+$0x0], $0xffff  }
0x2df: {  	s19 =	sadd.s32 $0x80, s19  }
0x2e0: {  	s24 =	simm.s32 $0x14;
	s22 =	sand.u32 $0x7C00, s19;
	s19 =	sadd.s32 $0x80, s19  }
0x2e1: {  	[tilespmem:s23+$0x10000] =	vst v10;
	v10 =	vadd.s32 s24, v0;
	s21 =	sor.u32 s21, s22;
	s19 =	sand.u32 $0x7C00, s19  }
0x2e2: {  	s19 =	sor.u32 s20, s19;
	[tilespmem:s21+$0x10000] =	vst v11;
	v11 =	vshll.u32 v10, $0x3  }
0x2e3: {  	v10 =	vand.u32 $0x7F, v10;
	v11 =	vand.u32 $0x1FC00, v11;
	[tilespmem:s19+$0x10000] =	vst v12;
	s19 =	simm.s32 $0x0  }
0x2e4: {  	v10 =	vor.u32 v11, v10;
	v12 =	vld.idx.msk [tilespmem:v1+s19+$0x0], $0xffff  }
0x2e5: {  	v10 =	vor.u32 $0x80, v10  }
0x2e6: {  	s25 =	simm.s32 $0x24  }
0x2e7: {  	v11 =	vadd.s32 s25, v0  }
0x2e8: {  	v13 =	vshll.u32 v11, $0x3  }
0x2e9: {  	v11 =	vand.u32 $0x7F, v11;
	v13 =	vand.u32 $0x1FC00, v13;
	[tilespmem:$0x17C5C] =	vst v12  }
0x2ea: {  	v11 =	vor.u32 v13, v11;
	v10 =	vld.idx.msk [tilespmem:v10+s3+$0x0], $0xffff  }
0x2eb: {  	s28 =	simm.s32 $0x34;
	v11 =	vor.u32 $0x80, v11  }
0x2ec: {  	s26 =	simm.s32 $0x0;
	s30 =	simm.s32 $0x10;
	v14 =	vadd.s32 s28, v0  }
0x2ed: {  	s29 =	sand.u32 $0x70, s26;
	s22 =	simm.s32 $0x20;
	v13 =	vshll.u32 v14, $0x3;
	s31 =	sand.u32 $0x7C00, s19  }
0x2ee: {  	s20 =	sand.u32 $0x70, s22;
	s21 =	sand.u32 $0x70, s30;
	v13 =	vand.u32 $0x1FC00, v13;
	s23 =	sor.u32 s29, s31;
	v12 =	vand.u32 $0x7F, v14  }
.LBB2_94:
0x2ef: {  	[tilespmem:s23+$0x10080] =	vst v10;
	s23 =	smov.u32 s22;
	s22 =	sadd.s32 $0x10, s22  }
0x2f0: {  	v12 =	vor.u32 v13, v12;
	v10 =	vld.idx.msk [tilespmem:v11+s3+$0x0], $0xffff;
	s19 =	sadd.s32 $0x80, s19;
	p1 =	slt.u32 s22, $0xFD0  }
.Ltmp31:
0x2f1: {  	s24 =	sand.u32 $0x70, s22;
	v11 =	vor.u32 $0x80, v12;
	(pc) =	sbr.rel @p1 .LBB2_94-.Ltmp31, $4  }
0x2f2: {  	s23 =	sadd.s32 $0x24, s23  }
0x2f3: {  	v12 =	vadd.s32 s23, v0  }
0x2f4: {  	s23 =	sand.u32 $0x7C00, s19;
	v13 =	vshll.u32 v12, $0x3  }
0x2f5: {  	v12 =	vand.u32 $0x7F, v12;
	s23 =	sor.u32 s21, s23;
	s21 =	smov.u32 s20;
	s20 =	smov.u32 s24;
	v13 =	vand.u32 $0x1FC00, v13  }
0x2f6: {  	v12 =	vor.u32 v13, v12  }
0x2f7: {  	v12 =	vor.u32 $0x80, v12;
	_ =	sdelay $0x3  }
0x2f8: {  	v11 =	vld.idx.msk [tilespmem:v11+s3+$0x0], $0xffff  }
0x2f9: {  	v12 =	vld.idx.msk [tilespmem:v12+s3+$0x0], $0xffff  }
0x2fa: {  	s19 =	sadd.s32 $0x80, s19  }
0x2fb: {  	s24 =	simm.s32 $0x14;
	s22 =	sand.u32 $0x7C00, s19;
	s19 =	sadd.s32 $0x80, s19  }
0x2fc: {  	[tilespmem:s23+$0x10080] =	vst v10;
	v10 =	vadd.s32 s24, v0;
	s21 =	sor.u32 s21, s22;
	s19 =	sand.u32 $0x7C00, s19  }
0x2fd: {  	s19 =	sor.u32 s20, s19;
	[tilespmem:s21+$0x10080] =	vst v11;
	v11 =	vshll.u32 v10, $0x3  }
0x2fe: {  	v10 =	vand.u32 $0x7F, v10;
	v11 =	vand.u32 $0x1FC00, v11;
	[tilespmem:s19+$0x10080] =	vst v12;
	s19 =	simm.s32 $0x0  }
0x2ff: {  	v10 =	vor.u32 v11, v10;
	v12 =	vld.idx.msk [tilespmem:v2+s19+$0x0], $0xffff  }
0x300: {  	v10 =	vor.u32 $0x100, v10  }
0x301: {  	s25 =	simm.s32 $0x24  }
0x302: {  	v11 =	vadd.s32 s25, v0  }
0x303: {  	v13 =	vshll.u32 v11, $0x3  }
0x304: {  	v11 =	vand.u32 $0x7F, v11;
	v13 =	vand.u32 $0x1FC00, v13;
	[tilespmem:$0x17CDC] =	vst v12  }
0x305: {  	v11 =	vor.u32 v13, v11;
	v10 =	vld.idx.msk [tilespmem:v10+s3+$0x0], $0xffff  }
0x306: {  	s28 =	simm.s32 $0x34;
	v11 =	vor.u32 $0x100, v11  }
0x307: {  	s26 =	simm.s32 $0x0;
	s30 =	simm.s32 $0x10;
	v14 =	vadd.s32 s28, v0  }
0x308: {  	s29 =	sand.u32 $0x70, s26;
	s22 =	simm.s32 $0x20;
	v13 =	vshll.u32 v14, $0x3;
	s31 =	sand.u32 $0x7C00, s19  }
0x309: {  	s20 =	sand.u32 $0x70, s22;
	s21 =	sand.u32 $0x70, s30;
	v13 =	vand.u32 $0x1FC00, v13;
	s23 =	sor.u32 s29, s31;
	v12 =	vand.u32 $0x7F, v14  }
.LBB2_96:
0x30a: {  	[tilespmem:s23+$0x10100] =	vst v10;
	s23 =	smov.u32 s22;
	s22 =	sadd.s32 $0x10, s22  }
0x30b: {  	v12 =	vor.u32 v13, v12;
	v10 =	vld.idx.msk [tilespmem:v11+s3+$0x0], $0xffff;
	s19 =	sadd.s32 $0x80, s19;
	p1 =	slt.u32 s22, $0xFD0  }
.Ltmp32:
0x30c: {  	s24 =	sand.u32 $0x70, s22;
	v11 =	vor.u32 $0x100, v12;
	(pc) =	sbr.rel @p1 .LBB2_96-.Ltmp32, $4  }
0x30d: {  	s23 =	sadd.s32 $0x24, s23  }
0x30e: {  	v12 =	vadd.s32 s23, v0  }
0x30f: {  	s23 =	sand.u32 $0x7C00, s19;
	v13 =	vshll.u32 v12, $0x3  }
0x310: {  	v12 =	vand.u32 $0x7F, v12;
	s23 =	sor.u32 s21, s23;
	s21 =	smov.u32 s20;
	s20 =	smov.u32 s24;
	v13 =	vand.u32 $0x1FC00, v13  }
0x311: {  	v12 =	vor.u32 v13, v12  }
0x312: {  	v12 =	vor.u32 $0x100, v12;
	_ =	sdelay $0x3  }
0x313: {  	v11 =	vld.idx.msk [tilespmem:v11+s3+$0x0], $0xffff  }
0x314: {  	v12 =	vld.idx.msk [tilespmem:v12+s3+$0x0], $0xffff  }
0x315: {  	s19 =	sadd.s32 $0x80, s19  }
0x316: {  	s24 =	simm.s32 $0x14;
	s22 =	sand.u32 $0x7C00, s19;
	s19 =	sadd.s32 $0x80, s19  }
0x317: {  	[tilespmem:s23+$0x10100] =	vst v10;
	v10 =	vadd.s32 s24, v0;
	s21 =	sor.u32 s21, s22;
	s19 =	sand.u32 $0x7C00, s19  }
0x318: {  	s19 =	sor.u32 s20, s19;
	[tilespmem:s21+$0x10100] =	vst v11;
	v11 =	vshll.u32 v10, $0x3  }
0x319: {  	v10 =	vand.u32 $0x7F, v10;
	v11 =	vand.u32 $0x1FC00, v11;
	[tilespmem:s19+$0x10100] =	vst v12;
	s19 =	simm.s32 $0x0  }
0x31a: {  	v10 =	vor.u32 v11, v10;
	v12 =	vld.idx.msk [tilespmem:v3+s19+$0x0], $0xffff  }
0x31b: {  	v10 =	vor.u32 $0x180, v10  }
0x31c: {  	s25 =	simm.s32 $0x24  }
0x31d: {  	v11 =	vadd.s32 s25, v0  }
0x31e: {  	v13 =	vshll.u32 v11, $0x3  }
0x31f: {  	v11 =	vand.u32 $0x7F, v11;
	v13 =	vand.u32 $0x1FC00, v13;
	[tilespmem:$0x17D5C] =	vst v12  }
0x320: {  	v11 =	vor.u32 v13, v11;
	v10 =	vld.idx.msk [tilespmem:v10+s3+$0x0], $0xffff  }
0x321: {  	s28 =	simm.s32 $0x34;
	v11 =	vor.u32 $0x180, v11  }
0x322: {  	s26 =	simm.s32 $0x0;
	s30 =	simm.s32 $0x10;
	v14 =	vadd.s32 s28, v0  }
0x323: {  	s29 =	sand.u32 $0x70, s26;
	s22 =	simm.s32 $0x20;
	v13 =	vshll.u32 v14, $0x3;
	s31 =	sand.u32 $0x7C00, s19  }
0x324: {  	s20 =	sand.u32 $0x70, s22;
	s21 =	sand.u32 $0x70, s30;
	v13 =	vand.u32 $0x1FC00, v13;
	s23 =	sor.u32 s29, s31;
	v12 =	vand.u32 $0x7F, v14  }
.LBB2_98:
0x325: {  	[tilespmem:s23+$0x10180] =	vst v10;
	s23 =	smov.u32 s22;
	s22 =	sadd.s32 $0x10, s22  }
0x326: {  	v12 =	vor.u32 v13, v12;
	v10 =	vld.idx.msk [tilespmem:v11+s3+$0x0], $0xffff;
	s19 =	sadd.s32 $0x80, s19;
	p1 =	slt.u32 s22, $0xFD0  }
.Ltmp33:
0x327: {  	s24 =	sand.u32 $0x70, s22;
	v11 =	vor.u32 $0x180, v12;
	(pc) =	sbr.rel @p1 .LBB2_98-.Ltmp33, $4  }
0x328: {  	s23 =	sadd.s32 $0x24, s23  }
0x329: {  	v12 =	vadd.s32 s23, v0  }
0x32a: {  	s23 =	sand.u32 $0x7C00, s19;
	v13 =	vshll.u32 v12, $0x3  }
0x32b: {  	v12 =	vand.u32 $0x7F, v12;
	s23 =	sor.u32 s21, s23;
	s21 =	smov.u32 s20;
	s20 =	smov.u32 s24;
	v13 =	vand.u32 $0x1FC00, v13  }
0x32c: {  	v12 =	vor.u32 v13, v12  }
0x32d: {  	v12 =	vor.u32 $0x180, v12;
	_ =	sdelay $0x3  }
0x32e: {  	v11 =	vld.idx.msk [tilespmem:v11+s3+$0x0], $0xffff  }
0x32f: {  	v12 =	vld.idx.msk [tilespmem:v12+s3+$0x0], $0xffff  }
0x330: {  	s19 =	sadd.s32 $0x80, s19  }
0x331: {  	s24 =	simm.s32 $0x14;
	s22 =	sand.u32 $0x7C00, s19;
	s19 =	sadd.s32 $0x80, s19  }
0x332: {  	[tilespmem:s23+$0x10180] =	vst v10;
	v10 =	vadd.s32 s24, v0;
	s21 =	sor.u32 s21, s22;
	s19 =	sand.u32 $0x7C00, s19  }
0x333: {  	s19 =	sor.u32 s20, s19;
	[tilespmem:s21+$0x10180] =	vst v11;
	v11 =	vshll.u32 v10, $0x3  }
0x334: {  	v10 =	vand.u32 $0x7F, v10;
	v11 =	vand.u32 $0x1FC00, v11;
	[tilespmem:s19+$0x10180] =	vst v12;
	s19 =	simm.s32 $0x0  }
0x335: {  	v10 =	vor.u32 v11, v10;
	v12 =	vld.idx.msk [tilespmem:v4+s19+$0x0], $0xffff  }
0x336: {  	v10 =	vor.u32 $0x200, v10  }
0x337: {  	s25 =	simm.s32 $0x24  }
0x338: {  	v11 =	vadd.s32 s25, v0  }
0x339: {  	v13 =	vshll.u32 v11, $0x3  }
0x33a: {  	v11 =	vand.u32 $0x7F, v11;
	v13 =	vand.u32 $0x1FC00, v13;
	[tilespmem:$0x17DDC] =	vst v12  }
0x33b: {  	v11 =	vor.u32 v13, v11;
	v10 =	vld.idx.msk [tilespmem:v10+s3+$0x0], $0xffff  }
0x33c: {  	s28 =	simm.s32 $0x34;
	v11 =	vor.u32 $0x200, v11  }
0x33d: {  	s26 =	simm.s32 $0x0;
	s30 =	simm.s32 $0x10;
	v14 =	vadd.s32 s28, v0  }
0x33e: {  	s29 =	sand.u32 $0x70, s26;
	s22 =	simm.s32 $0x20;
	v13 =	vshll.u32 v14, $0x3;
	s31 =	sand.u32 $0x7C00, s19  }
0x33f: {  	s20 =	sand.u32 $0x70, s22;
	s21 =	sand.u32 $0x70, s30;
	v13 =	vand.u32 $0x1FC00, v13;
	s23 =	sor.u32 s29, s31;
	v12 =	vand.u32 $0x7F, v14  }
.LBB2_100:
0x340: {  	[tilespmem:s23+$0x10200] =	vst v10;
	s23 =	smov.u32 s22;
	s22 =	sadd.s32 $0x10, s22  }
0x341: {  	v12 =	vor.u32 v13, v12;
	v10 =	vld.idx.msk [tilespmem:v11+s3+$0x0], $0xffff;
	s19 =	sadd.s32 $0x80, s19;
	p1 =	slt.u32 s22, $0xFD0  }
.Ltmp34:
0x342: {  	s24 =	sand.u32 $0x70, s22;
	v11 =	vor.u32 $0x200, v12;
	(pc) =	sbr.rel @p1 .LBB2_100-.Ltmp34, $4  }
0x343: {  	s23 =	sadd.s32 $0x24, s23  }
0x344: {  	v12 =	vadd.s32 s23, v0  }
0x345: {  	s23 =	sand.u32 $0x7C00, s19;
	v13 =	vshll.u32 v12, $0x3  }
0x346: {  	v12 =	vand.u32 $0x7F, v12;
	s23 =	sor.u32 s21, s23;
	s21 =	smov.u32 s20;
	s20 =	smov.u32 s24;
	v13 =	vand.u32 $0x1FC00, v13  }
0x347: {  	v12 =	vor.u32 v13, v12  }
0x348: {  	v12 =	vor.u32 $0x200, v12;
	_ =	sdelay $0x3  }
0x349: {  	v11 =	vld.idx.msk [tilespmem:v11+s3+$0x0], $0xffff  }
0x34a: {  	v12 =	vld.idx.msk [tilespmem:v12+s3+$0x0], $0xffff  }
0x34b: {  	s19 =	sadd.s32 $0x80, s19  }
0x34c: {  	s24 =	simm.s32 $0x14;
	s22 =	sand.u32 $0x7C00, s19;
	s19 =	sadd.s32 $0x80, s19  }
0x34d: {  	[tilespmem:s23+$0x10200] =	vst v10;
	v10 =	vadd.s32 s24, v0;
	s21 =	sor.u32 s21, s22;
	s19 =	sand.u32 $0x7C00, s19  }
0x34e: {  	s19 =	sor.u32 s20, s19;
	[tilespmem:s21+$0x10200] =	vst v11;
	v11 =	vshll.u32 v10, $0x3  }
0x34f: {  	v10 =	vand.u32 $0x7F, v10;
	v11 =	vand.u32 $0x1FC00, v11;
	[tilespmem:s19+$0x10200] =	vst v12;
	s19 =	simm.s32 $0x0  }
0x350: {  	v10 =	vor.u32 v11, v10;
	v12 =	vld.idx.msk [tilespmem:v5+s19+$0x0], $0xffff  }
0x351: {  	v10 =	vor.u32 $0x280, v10  }
0x352: {  	s25 =	simm.s32 $0x24  }
0x353: {  	v11 =	vadd.s32 s25, v0  }
0x354: {  	v13 =	vshll.u32 v11, $0x3  }
0x355: {  	v11 =	vand.u32 $0x7F, v11;
	v13 =	vand.u32 $0x1FC00, v13;
	[tilespmem:$0x17E5C] =	vst v12  }
0x356: {  	v11 =	vor.u32 v13, v11;
	v10 =	vld.idx.msk [tilespmem:v10+s3+$0x0], $0xffff  }
0x357: {  	s28 =	simm.s32 $0x34;
	v11 =	vor.u32 $0x280, v11  }
0x358: {  	s26 =	simm.s32 $0x0;
	s30 =	simm.s32 $0x10;
	v14 =	vadd.s32 s28, v0  }
0x359: {  	s29 =	sand.u32 $0x70, s26;
	s22 =	simm.s32 $0x20;
	v13 =	vshll.u32 v14, $0x3;
	s31 =	sand.u32 $0x7C00, s19  }
0x35a: {  	s20 =	sand.u32 $0x70, s22;
	s21 =	sand.u32 $0x70, s30;
	v13 =	vand.u32 $0x1FC00, v13;
	s23 =	sor.u32 s29, s31;
	v12 =	vand.u32 $0x7F, v14  }
.LBB2_102:
0x35b: {  	[tilespmem:s23+$0x10280] =	vst v10;
	s23 =	smov.u32 s22;
	s22 =	sadd.s32 $0x10, s22  }
0x35c: {  	v12 =	vor.u32 v13, v12;
	v10 =	vld.idx.msk [tilespmem:v11+s3+$0x0], $0xffff;
	s19 =	sadd.s32 $0x80, s19;
	p1 =	slt.u32 s22, $0xFD0  }
.Ltmp35:
0x35d: {  	s24 =	sand.u32 $0x70, s22;
	v11 =	vor.u32 $0x280, v12;
	(pc) =	sbr.rel @p1 .LBB2_102-.Ltmp35, $4  }
0x35e: {  	s23 =	sadd.s32 $0x24, s23  }
0x35f: {  	v12 =	vadd.s32 s23, v0  }
0x360: {  	s23 =	sand.u32 $0x7C00, s19;
	v13 =	vshll.u32 v12, $0x3  }
0x361: {  	v12 =	vand.u32 $0x7F, v12;
	s23 =	sor.u32 s21, s23;
	s21 =	smov.u32 s20;
	s20 =	smov.u32 s24;
	v13 =	vand.u32 $0x1FC00, v13  }
0x362: {  	v12 =	vor.u32 v13, v12  }
0x363: {  	v12 =	vor.u32 $0x280, v12;
	_ =	sdelay $0x3  }
0x364: {  	v11 =	vld.idx.msk [tilespmem:v11+s3+$0x0], $0xffff  }
0x365: {  	v12 =	vld.idx.msk [tilespmem:v12+s3+$0x0], $0xffff  }
0x366: {  	s19 =	sadd.s32 $0x80, s19  }
0x367: {  	s24 =	simm.s32 $0x14;
	s22 =	sand.u32 $0x7C00, s19;
	s19 =	sadd.s32 $0x80, s19  }
0x368: {  	[tilespmem:s23+$0x10280] =	vst v10;
	v10 =	vadd.s32 s24, v0;
	s21 =	sor.u32 s21, s22;
	s19 =	sand.u32 $0x7C00, s19  }
0x369: {  	s19 =	sor.u32 s20, s19;
	[tilespmem:s21+$0x10280] =	vst v11;
	v11 =	vshll.u32 v10, $0x3  }
0x36a: {  	v10 =	vand.u32 $0x7F, v10;
	v11 =	vand.u32 $0x1FC00, v11;
	[tilespmem:s19+$0x10280] =	vst v12;
	s19 =	simm.s32 $0x0  }
0x36b: {  	v10 =	vor.u32 v11, v10;
	v12 =	vld.idx.msk [tilespmem:v6+s19+$0x0], $0xffff  }
0x36c: {  	v10 =	vor.u32 $0x300, v10  }
0x36d: {  	s25 =	simm.s32 $0x24  }
0x36e: {  	v11 =	vadd.s32 s25, v0  }
0x36f: {  	v13 =	vshll.u32 v11, $0x3  }
0x370: {  	v11 =	vand.u32 $0x7F, v11;
	v13 =	vand.u32 $0x1FC00, v13;
	[tilespmem:$0x17EDC] =	vst v12  }
0x371: {  	v11 =	vor.u32 v13, v11;
	v10 =	vld.idx.msk [tilespmem:v10+s3+$0x0], $0xffff  }
0x372: {  	s28 =	simm.s32 $0x34;
	v11 =	vor.u32 $0x300, v11  }
0x373: {  	s26 =	simm.s32 $0x0;
	s30 =	simm.s32 $0x10;
	v14 =	vadd.s32 s28, v0  }
0x374: {  	s29 =	sand.u32 $0x70, s26;
	s22 =	simm.s32 $0x20;
	v13 =	vshll.u32 v14, $0x3;
	s31 =	sand.u32 $0x7C00, s19  }
0x375: {  	s20 =	sand.u32 $0x70, s22;
	s21 =	sand.u32 $0x70, s30;
	v13 =	vand.u32 $0x1FC00, v13;
	s23 =	sor.u32 s29, s31;
	v12 =	vand.u32 $0x7F, v14  }
.LBB2_104:
0x376: {  	[tilespmem:s23+$0x10300] =	vst v10;
	s23 =	smov.u32 s22;
	s22 =	sadd.s32 $0x10, s22  }
0x377: {  	v12 =	vor.u32 v13, v12;
	v10 =	vld.idx.msk [tilespmem:v11+s3+$0x0], $0xffff;
	s19 =	sadd.s32 $0x80, s19;
	p1 =	slt.u32 s22, $0xFD0  }
.Ltmp36:
0x378: {  	s24 =	sand.u32 $0x70, s22;
	v11 =	vor.u32 $0x300, v12;
	(pc) =	sbr.rel @p1 .LBB2_104-.Ltmp36, $4  }
0x379: {  	s23 =	sadd.s32 $0x24, s23  }
0x37a: {  	v12 =	vadd.s32 s23, v0  }
0x37b: {  	s23 =	sand.u32 $0x7C00, s19;
	v13 =	vshll.u32 v12, $0x3  }
0x37c: {  	v12 =	vand.u32 $0x7F, v12;
	s23 =	sor.u32 s21, s23;
	s21 =	smov.u32 s20;
	s20 =	smov.u32 s24;
	v13 =	vand.u32 $0x1FC00, v13  }
0x37d: {  	v12 =	vor.u32 v13, v12  }
0x37e: {  	v12 =	vor.u32 $0x300, v12;
	_ =	sdelay $0x3  }
0x37f: {  	v11 =	vld.idx.msk [tilespmem:v11+s3+$0x0], $0xffff  }
0x380: {  	v12 =	vld.idx.msk [tilespmem:v12+s3+$0x0], $0xffff  }
0x381: {  	s19 =	sadd.s32 $0x80, s19  }
0x382: {  	s24 =	simm.s32 $0x14;
	s22 =	sand.u32 $0x7C00, s19;
	s19 =	sadd.s32 $0x80, s19  }
0x383: {  	[tilespmem:s23+$0x10300] =	vst v10;
	v10 =	vadd.s32 s24, v0;
	s21 =	sor.u32 s21, s22;
	s19 =	sand.u32 $0x7C00, s19  }
0x384: {  	s19 =	sor.u32 s20, s19;
	[tilespmem:s21+$0x10300] =	vst v11;
	v11 =	vshll.u32 v10, $0x3  }
0x385: {  	v10 =	vand.u32 $0x7F, v10;
	v11 =	vand.u32 $0x1FC00, v11;
	[tilespmem:s19+$0x10300] =	vst v12;
	s19 =	simm.s32 $0x0  }
0x386: {  	v10 =	vor.u32 v11, v10;
	v12 =	vld.idx.msk [tilespmem:v7+s19+$0x0], $0xffff  }
0x387: {  	v10 =	vor.u32 $0x380, v10  }
0x388: {  	s28 =	simm.s32 $0x24  }
0x389: {  	v11 =	vadd.s32 s28, v0  }
0x38a: {  	v13 =	vshll.u32 v11, $0x3  }
0x38b: {  	v11 =	vand.u32 $0x7F, v11;
	v13 =	vand.u32 $0x1FC00, v13;
	[tilespmem:$0x17F5C] =	vst v12  }
0x38c: {  	v11 =	vor.u32 v13, v11;
	v10 =	vld.idx.msk [tilespmem:v10+s3+$0x0], $0xffff  }
0x38d: {  	s29 =	simm.s32 $0x34;
	v11 =	vor.u32 $0x380, v11;
	s30 =	sand.u32 $0x7, s19  }
0x38e: {  	v14 =	vadd.s32 s29, v0;
	s31 =	sshll.u32 s30, $0x4  }
0x38f: {  	v13 =	vshll.u32 v14, $0x3;
	s21 =	sadd.s32 $0x0, s31  }
0x390: {  	s20 =	simm.s32 $0x20;
	v13 =	vand.u32 $0x1FC00, v13;
	s22 =	sor.u32 $0x380, s21;
	s21 =	simm.s32 $0x0;
	v12 =	vand.u32 $0x7F, v14  }
.LBB2_106:
0x391: {  	[tilespmem:s22+$0x10000] =	vst v10;
	s22 =	smov.u32 s20;
	s20 =	sadd.s32 $0x10, s20  }
0x392: {  	v12 =	vor.u32 v13, v12;
	v10 =	vld.idx.msk [tilespmem:v11+s3+$0x0], $0xffff;
	s19 =	sadd.s32 $0x80, s19;
	s21 =	sadd.s32 $0x1, s21;
	p1 =	slt.u32 s20, $0xFD0  }
.Ltmp37:
0x393: {  	v11 =	vor.u32 $0x380, v12;
	(pc) =	sbr.rel @p1 .LBB2_106-.Ltmp37, $4  }
0x394: {  	s22 =	sadd.s32 $0x24, s22;
	s23 =	sand.u32 $0x7, s21  }
0x395: {  	v12 =	vadd.s32 s22, v0;
	s22 =	sshll.u32 s23, $0x4  }
0x396: {  	v13 =	vshll.u32 v12, $0x3;
	s22 =	sadd.s32 s22, s19  }
0x397: {  	v12 =	vand.u32 $0x7F, v12;
	v13 =	vand.u32 $0x1FC00, v13;
	s22 =	sor.u32 $0x380, s22  }
0x398: {  	v12 =	vor.u32 v13, v12  }
0x399: {  	v12 =	vor.u32 $0x380, v12;
	_ =	sdelay $0x3  }
0x39a: {  	s20 =	sadd.s32 $0x1, s21;
	v11 =	vld.idx.msk [tilespmem:v11+s3+$0x0], $0xffff  }
0x39b: {  	s19 =	sadd.s32 $0x80, s19;
	s21 =	sand.u32 $0x7, s20;
	s20 =	sadd.s32 $0x1, s20;
	v12 =	vld.idx.msk [tilespmem:v12+s3+$0x0], $0xffff  }
0x39c: {  	s23 =	simm.s32 $0x14;
	s21 =	sshll.u32 s21, $0x4;
	s20 =	sand.u32 $0x7, s20  }
0x39d: {  	s21 =	sadd.s32 s21, s19;
	s19 =	sadd.s32 $0x80, s19;
	s20 =	sshll.u32 s20, $0x4  }
0x39e: {  	[tilespmem:s22+$0x10000] =	vst v10;
	v10 =	vadd.s32 s23, v0;
	s21 =	sor.u32 $0x380, s21;
	s19 =	sadd.s32 s20, s19  }
0x39f: {  	[tilespmem:s21+$0x10000] =	vst v11;
	s19 =	sor.u32 $0x380, s19;
	v11 =	vshll.u32 v10, $0x3  }
0x3a0: {  	v10 =	vand.u32 $0x7F, v10;
	v11 =	vand.u32 $0x1FC00, v11;
	[tilespmem:s19+$0x10000] =	vst v12;
	s19 =	simm.s32 $0x0  }
0x3a1: {  	v10 =	vor.u32 v10, v11;
	v12 =	vld.idx.msk [tilespmem:v8+s19+$0x0], $0xffff  }
0x3a2: {  	v10 =	vadd.s32 $0x8000, v10  }
0x3a3: {  	s26 =	simm.s32 $0x24  }
0x3a4: {  	v11 =	vadd.s32 s26, v0  }
0x3a5: {  	v13 =	vshll.u32 v11, $0x3  }
0x3a6: {  	v11 =	vand.u32 $0x7F, v11;
	v13 =	vand.u32 $0x1FC00, v13;
	[tilespmem:$0x17FDC] =	vst v12  }
0x3a7: {  	v11 =	vor.u32 v11, v13;
	v10 =	vld.idx.msk [tilespmem:v10+s3+$0x0], $0xffff  }
0x3a8: {  	s29 =	simm.s32 $0x34;
	v11 =	vadd.s32 $0x8000, v11  }
0x3a9: {  	s28 =	simm.s32 $0x0;
	s31 =	simm.s32 $0x10;
	v14 =	vadd.s32 s29, v0  }
0x3aa: {  	s22 =	simm.s32 $0x20;
	s30 =	sand.u32 $0x70, s28;
	v13 =	vshll.u32 v14, $0x3;
	s24 =	sand.u32 $0x7C00, s19  }
0x3ab: {  	s20 =	sand.u32 $0x70, s22;
	s21 =	sand.u32 $0x70, s31;
	v13 =	vand.u32 $0x1FC00, v13;
	s23 =	sor.u32 s30, s24;
	v12 =	vand.u32 $0x7F, v14  }
.LBB2_108:
0x3ac: {  	[tilespmem:s23+$0x18000] =	vst v10;
	s23 =	smov.u32 s22;
	s22 =	sadd.s32 $0x10, s22  }
0x3ad: {  	v12 =	vor.u32 v12, v13;
	v10 =	vld.idx.msk [tilespmem:v11+s3+$0x0], $0xffff;
	s19 =	sadd.s32 $0x80, s19;
	p1 =	slt.u32 s22, $0xFD0  }
.Ltmp38:
0x3ae: {  	s24 =	sand.u32 $0x70, s22;
	v11 =	vadd.s32 $0x8000, v12;
	(pc) =	sbr.rel @p1 .LBB2_108-.Ltmp38, $4  }
0x3af: {  	s23 =	sadd.s32 $0x24, s23  }
0x3b0: {  	v12 =	vadd.s32 s23, v0  }
0x3b1: {  	s23 =	sand.u32 $0x7C00, s19;
	v13 =	vshll.u32 v12, $0x3  }
0x3b2: {  	v12 =	vand.u32 $0x7F, v12;
	s23 =	sor.u32 s21, s23;
	s21 =	smov.u32 s20;
	s20 =	smov.u32 s24;
	v13 =	vand.u32 $0x1FC00, v13  }
0x3b3: {  	v12 =	vor.u32 v12, v13  }
0x3b4: {  	v12 =	vadd.s32 $0x8000, v12;
	_ =	sdelay $0x3  }
0x3b5: {  	v11 =	vld.idx.msk [tilespmem:v11+s3+$0x0], $0xffff  }
0x3b6: {  	v12 =	vld.idx.msk [tilespmem:v12+s3+$0x0], $0xffff  }
0x3b7: {  	s19 =	sadd.s32 $0x80, s19  }
0x3b8: {  	s22 =	sand.u32 $0x7C00, s19;
	s19 =	sadd.s32 $0x80, s19  }
0x3b9: {  	[tilespmem:s23+$0x18000] =	vst v10;
	s21 =	sor.u32 s21, s22;
	s19 =	sand.u32 $0x7C00, s19  }
0x3ba: {  	s19 =	sor.u32 s20, s19;
	[tilespmem:s21+$0x18000] =	vst v11  }
0x3bb: {  	[tilespmem:s19+$0x18000] =	vst v12  }
0x3bc: {  	v10 =	vld.idx.msk [tilespmem:v9+s3+$0x0], $0xffff;
	_ =	sdelay $0x4  }
.Ltmp39:
0x3bd: {  	[tilespmem:$0x1FC5C] =	vst v10;
	(pc) =	sbr.rel .LBB2_110-.Ltmp39, $4  }
0x3be: {  	[hbm4b:s14+s3] =	stream.linear.scatter [tilespmem:s17], [sflag:$0x1], $0x10000, $0x38;
	v63 =	vld [tilespmem:$0x0]  }
0x3bf: {  	_ =	swait.ge [sflag:s16], $0x10000  }
0x3c0: {  	[sflag:s16] =	ssyncset.done $0x0  }
0x3c1: {  	[sflag:s16] =	ssyncadd.s32 $0xFFFF0000  }
.LBB2_36:
0x3c2: {  	[tilespmem:s19], [sflag:$0x1] =	stream.linear.gather [hbm4b:s9+s19], $0x8000, $0x38;
	v63 =	vld [tilespmem:$0x0]  }
0x3c3: {  	_ =	swait.ge [sflag:s16], $0x8000  }
0x3c4: {  	[sflag:s16] =	ssyncset.done $0x0  }
0x3c5: {  	s20 =	simm.s32 $0x0;
	[sflag:s16] =	ssyncadd.s32 $0xFFFF8000  }
.LBB2_37:
0x3c6: {  	s21 =	sadd.s32 $0x0, s20  }
0x3c7: {  	v10 =	vadd.s32 s21, v0  }
0x3c8: {  	v11 =	vshll.u32 v10, $0x3  }
0x3c9: {  	v10 =	vand.u32 $0x7F, v10;
	v11 =	vand.u32 $0x1FC00, v11  }
0x3ca: {  	v10 =	vor.u32 v10, v11  }
0x3cb: {  	s29 =	sadd.s32 $0x10, s20  }
0x3cc: {  	v11 =	vadd.s32 s29, v0  }
0x3cd: {  	v12 =	vshll.u32 v11, $0x3  }
0x3ce: {  	v11 =	vand.u32 $0x7F, v11;
	v12 =	vand.u32 $0x1FC00, v12  }
0x3cf: {  	v11 =	vor.u32 v11, v12;
	v10 =	vld.idx.msk [tilespmem:v10+s3+$0x0], $0xffff  }
0x3d0: {  	s30 =	sadd.s32 $0x20, s20  }
0x3d1: {  	v62 =	vadd.s32 s30, v0  }
0x3d2: {  	s31 =	sand.u32 $0x70, s19;
	s23 =	sand.u32 $0x7C00, s19;
	v13 =	vshll.u32 v62, $0x3  }
0x3d3: {  	s23 =	sor.u32 s31, s23;
	v13 =	vand.u32 $0x1FC00, v13;
	v12 =	vand.u32 $0x7F, v62  }
0x3d4: {  	s22 =	simm.s32 $0x10;
	v11 =	vld.idx.msk [tilespmem:v11+s3+$0x0], $0xffff;
	[tilespmem:s23+$0x10000] =	vst v10;
	v10 =	vor.u32 v12, v13  }
0x3d5: {  	s24 =	simm.s32 $0x30;
	s21 =	simm.s32 $0x20;
	s23 =	simm.s32 $0x0  }
.LBB2_38:
0x3d6: {  	s25 =	sadd.s32 s24, s20;
	p1 =	slt.u32 s24, $0xFD0;
	s23 =	sadd.s32 $0x80, s23  }
.Ltmp40:
0x3d7: {  	s22 =	sand.u32 $0x70, s22;
	v12 =	vadd.s32 s25, v0;
	s25 =	sand.u32 $0x7C00, s23;
	(pc) =	sbr.rel @p1 .LBB2_38-.Ltmp40, $4  }
0x3d8: {  	v13 =	vshll.u32 v12, $0x3;
	s25 =	sor.u32 s22, s25;
	s22 =	smov.u32 s21;
	s21 =	smov.u32 s24  }
0x3d9: {  	v12 =	vand.u32 $0x7F, v12;
	v13 =	vand.u32 $0x1FC00, v13;
	[tilespmem:s25+$0x10000] =	vst v11;
	v11 =	vld.idx.msk [tilespmem:v10+s3+$0x0], $0xffff  }
0x3da: {  	v10 =	vor.u32 v12, v13  }
0x3db: {  	s24 =	sadd.s32 $0x10, s24  }
0x3dc: {  	_ = 	snop  }
0x3dd: {  	s24 =	sadd.s32 $0xFDC, s20  }
0x3de: {  	v12 =	vadd.s32 s24, v0  }
0x3df: {  	v13 =	vshll.u32 v12, $0x3  }
0x3e0: {  	v14 =	vld.idx.msk [tilespmem:v10+s3+$0x0], $0xffff;
	v10 =	vand.u32 $0x7F, v12;
	v12 =	vand.u32 $0xFC00, v13  }
0x3e1: {  	s23 =	sadd.s32 $0x80, s23;
	s22 =	sand.u32 $0x70, s22;
	v10 =	vor.u32 v10, v12  }
0x3e2: {  	s25 =	sadd.s32 $0x0, s20;
	s31 =	sand.u32 $0x7C00, s23;
	s23 =	sadd.s32 $0x80, s23  }
0x3e3: {  	s21 =	sand.u32 $0x70, s21;
	s22 =	sor.u32 s22, s31;
	s23 =	sand.u32 $0x7C00, s23;
	v12 =	vadd.s32 s25, v0  }
0x3e4: {  	[tilespmem:s22+$0x10000] =	vst v11;
	s21 =	sor.u32 s21, s23;
	v11 =	vshll.u32 v12, $0x3  }
0x3e5: {  	[tilespmem:s21+$0x10000] =	vst v14;
	s21 =	simm.s32 $0x0;
	v12 =	vand.u32 $0x7F, v12;
	v11 =	vand.u32 $0x1FC00, v11  }
0x3e6: {  	v11 =	vor.u32 v11, v12;
	v13 =	vld.idx.msk [tilespmem:v10+s21+$0x0], $0xffff  }
0x3e7: {  	s26 =	sadd.s32 $0x10, s20;
	v11 =	vor.u32 $0x80, v11  }
0x3e8: {  	v12 =	vadd.s32 s26, v0  }
0x3e9: {  	v14 =	vshll.u32 v12, $0x3  }
0x3ea: {  	v12 =	vand.u32 $0x7F, v12;
	v14 =	vand.u32 $0x1FC00, v14  }
0x3eb: {  	v12 =	vor.u32 v14, v12;
	[tilespmem:$0x17C5C] =	vst v13  }
0x3ec: {  	s28 =	sadd.s32 $0x20, s20;
	v13 =	vld.idx.msk [tilespmem:v11+s3+$0x0], $0xffff;
	v11 =	vor.u32 $0x80, v12  }
0x3ed: {  	v12 =	vadd.s32 s28, v0  }
0x3ee: {  	v14 =	vshll.u32 v12, $0x3  }
0x3ef: {  	s29 =	sand.u32 $0x70, s21;
	s30 =	sand.u32 $0x7C00, s21;
	v12 =	vand.u32 $0x7F, v12;
	v14 =	vand.u32 $0x1FC00, v14  }
0x3f0: {  	s31 =	sor.u32 s29, s30;
	v12 =	vor.u32 v14, v12  }
0x3f1: {  	s24 =	simm.s32 $0x30;
	s23 =	simm.s32 $0x10;
	s22 =	simm.s32 $0x20;
	v12 =	vor.u32 $0x80, v12;
	v11 =	vld.idx.msk [tilespmem:v11+s3+$0x0], $0xffff;
	[tilespmem:s31+$0x10080] =	vst v13  }
.LBB2_40:
0x3f2: {  	s25 =	sadd.s32 s24, s20;
	p1 =	slt.u32 s24, $0xFD0  }
.Ltmp41:
0x3f3: {  	s21 =	sadd.s32 $0x80, s21;
	v13 =	vadd.s32 s25, v0;
	(pc) =	sbr.rel @p1 .LBB2_40-.Ltmp41, $4  }
0x3f4: {  	s25 =	sand.u32 $0x70, s23;
	s26 =	sand.u32 $0x7C00, s21;
	s23 =	smov.u32 s22;
	v14 =	vshll.u32 v13, $0x3  }
0x3f5: {  	s22 =	smov.u32 s24;
	v13 =	vand.u32 $0x7F, v13;
	s25 =	sor.u32 s25, s26;
	v14 =	vand.u32 $0x1FC00, v14  }
0x3f6: {  	v13 =	vor.u32 v14, v13;
	[tilespmem:s25+$0x10080] =	vst v11;
	v11 =	vld.idx.msk [tilespmem:v12+s3+$0x0], $0xffff  }
0x3f7: {  	s24 =	sadd.s32 $0x10, s24;
	v12 =	vor.u32 $0x80, v13  }
0x3f8: {  	_ =	sdelay $0x3  }
0x3f9: {  	v12 =	vld.idx.msk [tilespmem:v12+s3+$0x0], $0xffff  }
0x3fa: {  	s21 =	sadd.s32 $0x80, s21;
	s23 =	sand.u32 $0x70, s23;
	v13 =	vor.u32 $0x80, v10  }
0x3fb: {  	s25 =	sadd.s32 $0x0, s20;
	s24 =	sand.u32 $0x7C00, s21;
	s21 =	sadd.s32 $0x80, s21  }
0x3fc: {  	s22 =	sand.u32 $0x70, s22;
	v14 =	vadd.s32 s25, v0;
	s23 =	sor.u32 s23, s24;
	s21 =	sand.u32 $0x7C00, s21  }
0x3fd: {  	[tilespmem:s23+$0x10080] =	vst v11;
	s21 =	sor.u32 s22, s21;
	v11 =	vshll.u32 v14, $0x3  }
0x3fe: {  	v11 =	vand.u32 $0x1FC00, v11;
	[tilespmem:s21+$0x10080] =	vst v12;
	s21 =	simm.s32 $0x0;
	v12 =	vand.u32 $0x7F, v14  }
0x3ff: {  	v13 =	vld.idx.msk [tilespmem:v13+s21+$0x0], $0xffff;
	v11 =	vor.u32 v11, v12  }
0x400: {  	s26 =	sadd.s32 $0x10, s20;
	v11 =	vor.u32 $0x100, v11  }
0x401: {  	v12 =	vadd.s32 s26, v0  }
0x402: {  	v14 =	vshll.u32 v12, $0x3  }
0x403: {  	v12 =	vand.u32 $0x7F, v12;
	v14 =	vand.u32 $0x1FC00, v14  }
0x404: {  	v12 =	vor.u32 v14, v12;
	[tilespmem:$0x17CDC] =	vst v13  }
0x405: {  	s28 =	sadd.s32 $0x20, s20;
	v13 =	vld.idx.msk [tilespmem:v11+s3+$0x0], $0xffff;
	v11 =	vor.u32 $0x100, v12  }
0x406: {  	v12 =	vadd.s32 s28, v0  }
0x407: {  	v14 =	vshll.u32 v12, $0x3  }
0x408: {  	s29 =	sand.u32 $0x70, s21;
	s30 =	sand.u32 $0x7C00, s21;
	v12 =	vand.u32 $0x7F, v12;
	v14 =	vand.u32 $0x1FC00, v14  }
0x409: {  	s31 =	sor.u32 s29, s30;
	v12 =	vor.u32 v14, v12  }
0x40a: {  	s24 =	simm.s32 $0x30;
	s23 =	simm.s32 $0x10;
	s22 =	simm.s32 $0x20;
	v12 =	vor.u32 $0x100, v12;
	v11 =	vld.idx.msk [tilespmem:v11+s3+$0x0], $0xffff;
	[tilespmem:s31+$0x10100] =	vst v13  }
.LBB2_42:
0x40b: {  	s25 =	sadd.s32 s24, s20;
	p1 =	slt.u32 s24, $0xFD0  }
.Ltmp42:
0x40c: {  	s21 =	sadd.s32 $0x80, s21;
	v13 =	vadd.s32 s25, v0;
	(pc) =	sbr.rel @p1 .LBB2_42-.Ltmp42, $4  }
0x40d: {  	s25 =	sand.u32 $0x70, s23;
	s26 =	sand.u32 $0x7C00, s21;
	s23 =	smov.u32 s22;
	v14 =	vshll.u32 v13, $0x3  }
0x40e: {  	s22 =	smov.u32 s24;
	v13 =	vand.u32 $0x7F, v13;
	s25 =	sor.u32 s25, s26;
	v14 =	vand.u32 $0x1FC00, v14  }
0x40f: {  	v13 =	vor.u32 v14, v13;
	[tilespmem:s25+$0x10100] =	vst v11;
	v11 =	vld.idx.msk [tilespmem:v12+s3+$0x0], $0xffff  }
0x410: {  	s24 =	sadd.s32 $0x10, s24;
	v12 =	vor.u32 $0x100, v13  }
0x411: {  	_ =	sdelay $0x3  }
0x412: {  	v12 =	vld.idx.msk [tilespmem:v12+s3+$0x0], $0xffff  }
0x413: {  	s21 =	sadd.s32 $0x80, s21;
	s23 =	sand.u32 $0x70, s23;
	v13 =	vor.u32 $0x100, v10  }
0x414: {  	s25 =	sadd.s32 $0x0, s20;
	s24 =	sand.u32 $0x7C00, s21;
	s21 =	sadd.s32 $0x80, s21  }
0x415: {  	s22 =	sand.u32 $0x70, s22;
	v14 =	vadd.s32 s25, v0;
	s23 =	sor.u32 s23, s24;
	s21 =	sand.u32 $0x7C00, s21  }
0x416: {  	[tilespmem:s23+$0x10100] =	vst v11;
	s21 =	sor.u32 s22, s21;
	v11 =	vshll.u32 v14, $0x3  }
0x417: {  	v11 =	vand.u32 $0x1FC00, v11;
	[tilespmem:s21+$0x10100] =	vst v12;
	s21 =	simm.s32 $0x0;
	v12 =	vand.u32 $0x7F, v14  }
0x418: {  	v13 =	vld.idx.msk [tilespmem:v13+s21+$0x0], $0xffff;
	v11 =	vor.u32 v11, v12  }
0x419: {  	s26 =	sadd.s32 $0x10, s20;
	v11 =	vor.u32 $0x180, v11  }
0x41a: {  	v12 =	vadd.s32 s26, v0  }
0x41b: {  	v14 =	vshll.u32 v12, $0x3  }
0x41c: {  	v12 =	vand.u32 $0x7F, v12;
	v14 =	vand.u32 $0x1FC00, v14  }
0x41d: {  	v12 =	vor.u32 v14, v12;
	[tilespmem:$0x17D5C] =	vst v13  }
0x41e: {  	s28 =	sadd.s32 $0x20, s20;
	v13 =	vld.idx.msk [tilespmem:v11+s3+$0x0], $0xffff;
	v11 =	vor.u32 $0x180, v12  }
0x41f: {  	v12 =	vadd.s32 s28, v0  }
0x420: {  	v14 =	vshll.u32 v12, $0x3  }
0x421: {  	s29 =	sand.u32 $0x70, s21;
	s30 =	sand.u32 $0x7C00, s21;
	v12 =	vand.u32 $0x7F, v12;
	v14 =	vand.u32 $0x1FC00, v14  }
0x422: {  	s31 =	sor.u32 s29, s30;
	v12 =	vor.u32 v14, v12  }
0x423: {  	s24 =	simm.s32 $0x30;
	s23 =	simm.s32 $0x10;
	s22 =	simm.s32 $0x20;
	v12 =	vor.u32 $0x180, v12;
	v11 =	vld.idx.msk [tilespmem:v11+s3+$0x0], $0xffff;
	[tilespmem:s31+$0x10180] =	vst v13  }
.LBB2_44:
0x424: {  	s25 =	sadd.s32 s24, s20;
	p1 =	slt.u32 s24, $0xFD0  }
.Ltmp43:
0x425: {  	s21 =	sadd.s32 $0x80, s21;
	v13 =	vadd.s32 s25, v0;
	(pc) =	sbr.rel @p1 .LBB2_44-.Ltmp43, $4  }
0x426: {  	s25 =	sand.u32 $0x70, s23;
	s26 =	sand.u32 $0x7C00, s21;
	s23 =	smov.u32 s22;
	v14 =	vshll.u32 v13, $0x3  }
0x427: {  	s22 =	smov.u32 s24;
	v13 =	vand.u32 $0x7F, v13;
	s25 =	sor.u32 s25, s26;
	v14 =	vand.u32 $0x1FC00, v14  }
0x428: {  	v13 =	vor.u32 v14, v13;
	[tilespmem:s25+$0x10180] =	vst v11;
	v11 =	vld.idx.msk [tilespmem:v12+s3+$0x0], $0xffff  }
0x429: {  	s24 =	sadd.s32 $0x10, s24;
	v12 =	vor.u32 $0x180, v13  }
0x42a: {  	_ =	sdelay $0x3  }
0x42b: {  	v12 =	vld.idx.msk [tilespmem:v12+s3+$0x0], $0xffff  }
0x42c: {  	s21 =	sadd.s32 $0x80, s21;
	s23 =	sand.u32 $0x70, s23;
	v13 =	vor.u32 $0x180, v10  }
0x42d: {  	s25 =	sadd.s32 $0x0, s20;
	s24 =	sand.u32 $0x7C00, s21;
	s21 =	sadd.s32 $0x80, s21  }
0x42e: {  	s22 =	sand.u32 $0x70, s22;
	v14 =	vadd.s32 s25, v0;
	s23 =	sor.u32 s23, s24;
	s21 =	sand.u32 $0x7C00, s21  }
0x42f: {  	[tilespmem:s23+$0x10180] =	vst v11;
	s21 =	sor.u32 s22, s21;
	v11 =	vshll.u32 v14, $0x3  }
0x430: {  	v11 =	vand.u32 $0x1FC00, v11;
	[tilespmem:s21+$0x10180] =	vst v12;
	s21 =	simm.s32 $0x0;
	v12 =	vand.u32 $0x7F, v14  }
0x431: {  	v13 =	vld.idx.msk [tilespmem:v13+s21+$0x0], $0xffff;
	v11 =	vor.u32 v11, v12  }
0x432: {  	s26 =	sadd.s32 $0x10, s20;
	v11 =	vor.u32 $0x200, v11  }
0x433: {  	v12 =	vadd.s32 s26, v0  }
0x434: {  	v14 =	vshll.u32 v12, $0x3  }
0x435: {  	v12 =	vand.u32 $0x7F, v12;
	v14 =	vand.u32 $0x1FC00, v14  }
0x436: {  	v12 =	vor.u32 v14, v12;
	[tilespmem:$0x17DDC] =	vst v13  }
0x437: {  	s28 =	sadd.s32 $0x20, s20;
	v13 =	vld.idx.msk [tilespmem:v11+s3+$0x0], $0xffff;
	v11 =	vor.u32 $0x200, v12  }
0x438: {  	v12 =	vadd.s32 s28, v0  }
0x439: {  	v14 =	vshll.u32 v12, $0x3  }
0x43a: {  	s29 =	sand.u32 $0x70, s21;
	s30 =	sand.u32 $0x7C00, s21;
	v12 =	vand.u32 $0x7F, v12;
	v14 =	vand.u32 $0x1FC00, v14  }
0x43b: {  	s31 =	sor.u32 s29, s30;
	v12 =	vor.u32 v14, v12  }
0x43c: {  	s24 =	simm.s32 $0x30;
	s23 =	simm.s32 $0x10;
	s22 =	simm.s32 $0x20;
	v12 =	vor.u32 $0x200, v12;
	v11 =	vld.idx.msk [tilespmem:v11+s3+$0x0], $0xffff;
	[tilespmem:s31+$0x10200] =	vst v13  }
.LBB2_46:
0x43d: {  	s25 =	sadd.s32 s24, s20;
	p1 =	slt.u32 s24, $0xFD0  }
.Ltmp44:
0x43e: {  	s21 =	sadd.s32 $0x80, s21;
	v13 =	vadd.s32 s25, v0;
	(pc) =	sbr.rel @p1 .LBB2_46-.Ltmp44, $4  }
0x43f: {  	s25 =	sand.u32 $0x70, s23;
	s26 =	sand.u32 $0x7C00, s21;
	s23 =	smov.u32 s22;
	v14 =	vshll.u32 v13, $0x3  }
0x440: {  	s22 =	smov.u32 s24;
	v13 =	vand.u32 $0x7F, v13;
	s25 =	sor.u32 s25, s26;
	v14 =	vand.u32 $0x1FC00, v14  }
0x441: {  	v13 =	vor.u32 v14, v13;
	[tilespmem:s25+$0x10200] =	vst v11;
	v11 =	vld.idx.msk [tilespmem:v12+s3+$0x0], $0xffff  }
0x442: {  	s24 =	sadd.s32 $0x10, s24;
	v12 =	vor.u32 $0x200, v13  }
0x443: {  	_ =	sdelay $0x3  }
0x444: {  	v12 =	vld.idx.msk [tilespmem:v12+s3+$0x0], $0xffff  }
0x445: {  	s21 =	sadd.s32 $0x80, s21;
	s23 =	sand.u32 $0x70, s23;
	v13 =	vor.u32 $0x200, v10  }
0x446: {  	s25 =	sadd.s32 $0x0, s20;
	s24 =	sand.u32 $0x7C00, s21;
	s21 =	sadd.s32 $0x80, s21  }
0x447: {  	s22 =	sand.u32 $0x70, s22;
	v14 =	vadd.s32 s25, v0;
	s23 =	sor.u32 s23, s24;
	s21 =	sand.u32 $0x7C00, s21  }
0x448: {  	[tilespmem:s23+$0x10200] =	vst v11;
	s21 =	sor.u32 s22, s21;
	v11 =	vshll.u32 v14, $0x3  }
0x449: {  	v11 =	vand.u32 $0x1FC00, v11;
	[tilespmem:s21+$0x10200] =	vst v12;
	s21 =	simm.s32 $0x0;
	v12 =	vand.u32 $0x7F, v14  }
0x44a: {  	v13 =	vld.idx.msk [tilespmem:v13+s21+$0x0], $0xffff;
	v11 =	vor.u32 v11, v12  }
0x44b: {  	s26 =	sadd.s32 $0x10, s20;
	v11 =	vor.u32 $0x280, v11  }
0x44c: {  	v12 =	vadd.s32 s26, v0  }
0x44d: {  	v14 =	vshll.u32 v12, $0x3  }
0x44e: {  	v12 =	vand.u32 $0x7F, v12;
	v14 =	vand.u32 $0x1FC00, v14  }
0x44f: {  	v12 =	vor.u32 v14, v12;
	[tilespmem:$0x17E5C] =	vst v13  }
0x450: {  	s28 =	sadd.s32 $0x20, s20;
	v13 =	vld.idx.msk [tilespmem:v11+s3+$0x0], $0xffff;
	v11 =	vor.u32 $0x280, v12  }
0x451: {  	v12 =	vadd.s32 s28, v0  }
0x452: {  	v14 =	vshll.u32 v12, $0x3  }
0x453: {  	s29 =	sand.u32 $0x70, s21;
	s30 =	sand.u32 $0x7C00, s21;
	v12 =	vand.u32 $0x7F, v12;
	v14 =	vand.u32 $0x1FC00, v14  }
0x454: {  	s31 =	sor.u32 s29, s30;
	v12 =	vor.u32 v14, v12  }
0x455: {  	s24 =	simm.s32 $0x30;
	s23 =	simm.s32 $0x10;
	s22 =	simm.s32 $0x20;
	v12 =	vor.u32 $0x280, v12;
	v11 =	vld.idx.msk [tilespmem:v11+s3+$0x0], $0xffff;
	[tilespmem:s31+$0x10280] =	vst v13  }
.LBB2_48:
0x456: {  	s25 =	sadd.s32 s24, s20;
	p1 =	slt.u32 s24, $0xFD0  }
.Ltmp45:
0x457: {  	s21 =	sadd.s32 $0x80, s21;
	v13 =	vadd.s32 s25, v0;
	(pc) =	sbr.rel @p1 .LBB2_48-.Ltmp45, $4  }
0x458: {  	s25 =	sand.u32 $0x70, s23;
	s26 =	sand.u32 $0x7C00, s21;
	s23 =	smov.u32 s22;
	v14 =	vshll.u32 v13, $0x3  }
0x459: {  	s22 =	smov.u32 s24;
	v13 =	vand.u32 $0x7F, v13;
	s25 =	sor.u32 s25, s26;
	v14 =	vand.u32 $0x1FC00, v14  }
0x45a: {  	v13 =	vor.u32 v14, v13;
	[tilespmem:s25+$0x10280] =	vst v11;
	v11 =	vld.idx.msk [tilespmem:v12+s3+$0x0], $0xffff  }
0x45b: {  	s24 =	sadd.s32 $0x10, s24;
	v12 =	vor.u32 $0x280, v13  }
0x45c: {  	_ =	sdelay $0x3  }
0x45d: {  	v12 =	vld.idx.msk [tilespmem:v12+s3+$0x0], $0xffff  }
0x45e: {  	s21 =	sadd.s32 $0x80, s21;
	s23 =	sand.u32 $0x70, s23;
	v13 =	vor.u32 $0x280, v10  }
0x45f: {  	s25 =	sadd.s32 $0x0, s20;
	s24 =	sand.u32 $0x7C00, s21;
	s21 =	sadd.s32 $0x80, s21  }
0x460: {  	s22 =	sand.u32 $0x70, s22;
	v14 =	vadd.s32 s25, v0;
	s23 =	sor.u32 s23, s24;
	s21 =	sand.u32 $0x7C00, s21  }
0x461: {  	[tilespmem:s23+$0x10280] =	vst v11;
	s21 =	sor.u32 s22, s21;
	v11 =	vshll.u32 v14, $0x3  }
0x462: {  	v11 =	vand.u32 $0x1FC00, v11;
	[tilespmem:s21+$0x10280] =	vst v12;
	s21 =	simm.s32 $0x0;
	v12 =	vand.u32 $0x7F, v14  }
0x463: {  	v13 =	vld.idx.msk [tilespmem:v13+s21+$0x0], $0xffff;
	v11 =	vor.u32 v11, v12  }
0x464: {  	s26 =	sadd.s32 $0x10, s20;
	v11 =	vor.u32 $0x300, v11  }
0x465: {  	v12 =	vadd.s32 s26, v0  }
0x466: {  	v14 =	vshll.u32 v12, $0x3  }
0x467: {  	v12 =	vand.u32 $0x7F, v12;
	v14 =	vand.u32 $0x1FC00, v14  }
0x468: {  	v12 =	vor.u32 v14, v12;
	[tilespmem:$0x17EDC] =	vst v13  }
0x469: {  	s28 =	sadd.s32 $0x20, s20;
	v13 =	vld.idx.msk [tilespmem:v11+s3+$0x0], $0xffff;
	v11 =	vor.u32 $0x300, v12  }
0x46a: {  	v12 =	vadd.s32 s28, v0  }
0x46b: {  	v14 =	vshll.u32 v12, $0x3  }
0x46c: {  	s29 =	sand.u32 $0x70, s21;
	s30 =	sand.u32 $0x7C00, s21;
	v12 =	vand.u32 $0x7F, v12;
	v14 =	vand.u32 $0x1FC00, v14  }
0x46d: {  	s31 =	sor.u32 s29, s30;
	v12 =	vor.u32 v14, v12  }
0x46e: {  	s24 =	simm.s32 $0x30;
	s23 =	simm.s32 $0x10;
	s22 =	simm.s32 $0x20;
	v12 =	vor.u32 $0x300, v12;
	v11 =	vld.idx.msk [tilespmem:v11+s3+$0x0], $0xffff;
	[tilespmem:s31+$0x10300] =	vst v13  }
.LBB2_50:
0x46f: {  	s25 =	sadd.s32 s24, s20;
	p1 =	slt.u32 s24, $0xFD0  }
.Ltmp46:
0x470: {  	s21 =	sadd.s32 $0x80, s21;
	v13 =	vadd.s32 s25, v0;
	(pc) =	sbr.rel @p1 .LBB2_50-.Ltmp46, $4  }
0x471: {  	s25 =	sand.u32 $0x70, s23;
	s26 =	sand.u32 $0x7C00, s21;
	s23 =	smov.u32 s22;
	v14 =	vshll.u32 v13, $0x3  }
0x472: {  	s22 =	smov.u32 s24;
	v13 =	vand.u32 $0x7F, v13;
	s25 =	sor.u32 s25, s26;
	v14 =	vand.u32 $0x1FC00, v14  }
0x473: {  	v13 =	vor.u32 v14, v13;
	[tilespmem:s25+$0x10300] =	vst v11;
	v11 =	vld.idx.msk [tilespmem:v12+s3+$0x0], $0xffff  }
0x474: {  	s24 =	sadd.s32 $0x10, s24;
	v12 =	vor.u32 $0x300, v13  }
0x475: {  	_ =	sdelay $0x3  }
0x476: {  	v12 =	vld.idx.msk [tilespmem:v12+s3+$0x0], $0xffff  }
0x477: {  	s21 =	sadd.s32 $0x80, s21;
	s23 =	sand.u32 $0x70, s23;
	v13 =	vor.u32 $0x300, v10  }
0x478: {  	s25 =	sadd.s32 $0x0, s20;
	s24 =	sand.u32 $0x7C00, s21;
	s21 =	sadd.s32 $0x80, s21  }
0x479: {  	s22 =	sand.u32 $0x70, s22;
	v14 =	vadd.s32 s25, v0;
	s23 =	sor.u32 s23, s24;
	s21 =	sand.u32 $0x7C00, s21  }
0x47a: {  	[tilespmem:s23+$0x10300] =	vst v11;
	s21 =	sor.u32 s22, s21;
	v11 =	vshll.u32 v14, $0x3  }
0x47b: {  	v11 =	vand.u32 $0x1FC00, v11;
	[tilespmem:s21+$0x10300] =	vst v12;
	s21 =	simm.s32 $0x0;
	v12 =	vand.u32 $0x7F, v14  }
0x47c: {  	v13 =	vld.idx.msk [tilespmem:v13+s21+$0x0], $0xffff;
	v11 =	vor.u32 v11, v12  }
0x47d: {  	s28 =	sadd.s32 $0x10, s20;
	v11 =	vor.u32 $0x380, v11  }
0x47e: {  	v12 =	vadd.s32 s28, v0  }
0x47f: {  	v14 =	vshll.u32 v12, $0x3  }
0x480: {  	v12 =	vand.u32 $0x7F, v12;
	v14 =	vand.u32 $0x1FC00, v14  }
0x481: {  	v12 =	vor.u32 v14, v12;
	[tilespmem:$0x17F5C] =	vst v13  }
0x482: {  	s29 =	sadd.s32 $0x20, s20;
	v13 =	vld.idx.msk [tilespmem:v11+s3+$0x0], $0xffff;
	v11 =	vor.u32 $0x380, v12  }
0x483: {  	s30 =	sand.u32 $0x7, s21;
	v12 =	vadd.s32 s29, v0  }
0x484: {  	s31 =	sshll.u32 s30, $0x4;
	v14 =	vshll.u32 v12, $0x3  }
0x485: {  	s22 =	sadd.s32 $0x0, s31;
	v12 =	vand.u32 $0x7F, v12;
	v14 =	vand.u32 $0x1FC00, v14  }
0x486: {  	s22 =	sor.u32 $0x380, s22;
	v12 =	vor.u32 v14, v12  }
0x487: {  	s23 =	simm.s32 $0x30;
	v12 =	vor.u32 $0x380, v12;
	v11 =	vld.idx.msk [tilespmem:v11+s3+$0x0], $0xffff;
	[tilespmem:s22+$0x10000] =	vst v13;
	s22 =	simm.s32 $0x1  }
.LBB2_52:
0x488: {  	s24 =	sadd.s32 s23, s20;
	p1 =	slt.u32 s23, $0xFD0;
	s25 =	sand.u32 $0x7, s22  }
.Ltmp47:
0x489: {  	s21 =	sadd.s32 $0x80, s21;
	v13 =	vadd.s32 s24, v0;
	s24 =	sshll.u32 s25, $0x4;
	(pc) =	sbr.rel @p1 .LBB2_52-.Ltmp47, $4  }
0x48a: {  	v14 =	vshll.u32 v13, $0x3;
	s24 =	sadd.s32 s24, s21  }
0x48b: {  	v13 =	vand.u32 $0x7F, v13;
	v14 =	vand.u32 $0x1FC00, v14;
	s24 =	sor.u32 $0x380, s24  }
0x48c: {  	v13 =	vor.u32 v14, v13;
	[tilespmem:s24+$0x10000] =	vst v11;
	v11 =	vld.idx.msk [tilespmem:v12+s3+$0x0], $0xffff  }
0x48d: {  	s23 =	sadd.s32 $0x10, s23;
	s22 =	sadd.s32 $0x1, s22;
	v12 =	vor.u32 $0x380, v13  }
0x48e: {  	_ =	sdelay $0x3  }
0x48f: {  	s23 =	sand.u32 $0x7, s22;
	v12 =	vld.idx.msk [tilespmem:v12+s3+$0x0], $0xffff;
	s30 =	sadd.s32 $0x1, s22  }
0x490: {  	s21 =	sadd.s32 $0x80, s21;
	v10 =	vor.u32 $0x380, v10;
	s23 =	sshll.u32 s23, $0x4;
	s22 =	sand.u32 $0x7, s30  }
0x491: {  	s23 =	sadd.s32 s23, s21;
	s22 =	sshll.u32 s22, $0x4;
	s21 =	sadd.s32 $0x80, s21  }
0x492: {  	s23 =	sor.u32 $0x380, s23;
	s21 =	sadd.s32 s22, s21  }
0x493: {  	[tilespmem:s23+$0x10000] =	vst v11;
	s21 =	sor.u32 $0x380, s21  }
0x494: {  	[tilespmem:s21+$0x10000] =	vst v12  }
0x495: {  	v10 =	vld.idx.msk [tilespmem:v10+s3+$0x0], $0xffff  }
0x496: {  	s31 =	smul.u32 $0x208000, s20;
	_ =	sdelay $0x1  }
0x497: {  	s20 =	sadd.s32 $0x1, s20;
	s21 =	sadd.s32 s5, s31  }
0x498: {  	p1 =	sne.s32 s20, $0x14;
	s21 =	sshrl.u32 s21, $0x3  }
.Ltmp48:
0x499: {  	s21 =	sadd.s32 s2, s21;
	[tilespmem:$0x17FDC] =	vst v10;
	(pc) =	sbr.rel @p1 .LBB2_37-.Ltmp48, $4  }
0x49a: {  	[hbm4b:s21+s3] =	stream.linear.scatter [tilespmem:s17], [sflag:$0x1], $0x8000, $0x38;
	v63 =	vld [tilespmem:$0x0]  }
0x49b: {  	_ =	swait.ge [sflag:s16], $0x8000  }
0x49c: {  	[sflag:s16] =	ssyncset.done $0x0  }
0x49d: {  	[sflag:s16] =	ssyncadd.s32 $0xFFFF8000  }
0x49e: {  	s19 =	simm.s32 $0x14  }
0x49f: {  	v10 =	vadd.s32 s19, v0  }
0x4a0: {  	v11 =	vshll.u32 v10, $0x3  }
0x4a1: {  	v10 =	vand.u32 $0x7F, v10;
	v11 =	vand.u32 $0x1FC00, v11  }
0x4a2: {  	s19 =	simm.s32 $0x0;
	v10 =	vor.u32 v10, v11  }
0x4a3: {  	[tilespmem:s19], [sflag:$0x1] =	stream.linear.gather [hbm4b:s10+s19], $0x8000, $0x38;
	v63 =	vld [tilespmem:$0x0]  }
0x4a4: {  	s20 =	simm.s32 $0x24;
	_ =	swait.ge [sflag:s16], $0x8000  }
0x4a5: {  	[sflag:s16] =	ssyncset.done $0x0;
	v11 =	vadd.s32 s20, v0  }
0x4a6: {  	[sflag:s16] =	ssyncadd.s32 $0xFFFF8000;
	v12 =	vshll.u32 v11, $0x3  }
0x4a7: {  	v11 =	vand.u32 $0x7F, v11;
	v12 =	vand.u32 $0x1FC00, v12;
	v10 =	vld.idx.msk [tilespmem:v10+s3+$0x0], $0xffff  }
0x4a8: {  	v11 =	vor.u32 v11, v12  }
0x4a9: {  	s21 =	simm.s32 $0x0;
	s30 =	simm.s32 $0x34;
	s31 =	simm.s32 $0x10  }
0x4aa: {  	s22 =	simm.s32 $0x20;
	s23 =	sand.u32 $0x70, s21;
	v13 =	vadd.s32 s30, v0;
	s24 =	sand.u32 $0x7C00, s19  }
0x4ab: {  	s21 =	sand.u32 $0x70, s31;
	s23 =	sor.u32 s23, s24;
	s20 =	sand.u32 $0x70, s22;
	v12 =	vand.u32 $0x7F, v13;
	v13 =	vshll.u32 v13, $0x3  }
.LBB2_55:
0x4ac: {  	[tilespmem:s23+$0x10000] =	vst v10;
	s23 =	smov.u32 s22;
	s22 =	sadd.s32 $0x10, s22  }
0x4ad: {  	v13 =	vand.u32 $0x1FC00, v13;
	v10 =	vld.idx.msk [tilespmem:v11+s3+$0x0], $0xffff;
	s19 =	sadd.s32 $0x80, s19;
	p1 =	slt.u32 s22, $0xFD0  }
.Ltmp49:
0x4ae: {  	s24 =	sand.u32 $0x70, s22;
	v11 =	vor.u32 v12, v13;
	(pc) =	sbr.rel @p1 .LBB2_55-.Ltmp49, $4  }
0x4af: {  	_ = 	snop  }
0x4b0: {  	s23 =	sadd.s32 $0x24, s23  }
0x4b1: {  	v13 =	vadd.s32 s23, v0;
	s23 =	sand.u32 $0x7C00, s19  }
0x4b2: {  	v12 =	vand.u32 $0x7F, v13;
	v13 =	vshll.u32 v13, $0x3;
	s23 =	sor.u32 s21, s23;
	s21 =	smov.u32 s20;
	s20 =	smov.u32 s24  }
0x4b3: {  	v13 =	vand.u32 $0x1FC00, v13  }
0x4b4: {  	v12 =	vor.u32 v12, v13;
	_ =	sdelay $0x3  }
0x4b5: {  	v11 =	vld.idx.msk [tilespmem:v11+s3+$0x0], $0xffff  }
0x4b6: {  	v12 =	vld.idx.msk [tilespmem:v12+s3+$0x0], $0xffff  }
0x4b7: {  	s19 =	sadd.s32 $0x80, s19  }
0x4b8: {  	s24 =	simm.s32 $0x14;
	s22 =	sand.u32 $0x7C00, s19;
	s19 =	sadd.s32 $0x80, s19  }
0x4b9: {  	[tilespmem:s23+$0x10000] =	vst v10;
	v10 =	vadd.s32 s24, v0;
	s21 =	sor.u32 s21, s22;
	s19 =	sand.u32 $0x7C00, s19  }
0x4ba: {  	s19 =	sor.u32 s20, s19;
	[tilespmem:s21+$0x10000] =	vst v11;
	v11 =	vshll.u32 v10, $0x3  }
0x4bb: {  	v10 =	vand.u32 $0x7F, v10;
	v11 =	vand.u32 $0x1FC00, v11;
	[tilespmem:s19+$0x10000] =	vst v12;
	s19 =	simm.s32 $0x0  }
0x4bc: {  	v10 =	vor.u32 v11, v10;
	v12 =	vld.idx.msk [tilespmem:v1+s19+$0x0], $0xffff  }
0x4bd: {  	v10 =	vor.u32 $0x80, v10  }
0x4be: {  	s25 =	simm.s32 $0x24  }
0x4bf: {  	v11 =	vadd.s32 s25, v0  }
0x4c0: {  	v13 =	vshll.u32 v11, $0x3  }
0x4c1: {  	v11 =	vand.u32 $0x7F, v11;
	v13 =	vand.u32 $0x1FC00, v13;
	[tilespmem:$0x17C5C] =	vst v12  }
0x4c2: {  	v11 =	vor.u32 v13, v11;
	v10 =	vld.idx.msk [tilespmem:v10+s3+$0x0], $0xffff  }
0x4c3: {  	s28 =	simm.s32 $0x34;
	v11 =	vor.u32 $0x80, v11  }
0x4c4: {  	s26 =	simm.s32 $0x0;
	s30 =	simm.s32 $0x10;
	v14 =	vadd.s32 s28, v0  }
0x4c5: {  	s29 =	sand.u32 $0x70, s26;
	s22 =	simm.s32 $0x20;
	v13 =	vshll.u32 v14, $0x3;
	s31 =	sand.u32 $0x7C00, s19  }
0x4c6: {  	s20 =	sand.u32 $0x70, s22;
	s21 =	sand.u32 $0x70, s30;
	v13 =	vand.u32 $0x1FC00, v13;
	s23 =	sor.u32 s29, s31;
	v12 =	vand.u32 $0x7F, v14  }
.LBB2_57:
0x4c7: {  	[tilespmem:s23+$0x10080] =	vst v10;
	s23 =	smov.u32 s22;
	s22 =	sadd.s32 $0x10, s22  }
0x4c8: {  	v12 =	vor.u32 v13, v12;
	v10 =	vld.idx.msk [tilespmem:v11+s3+$0x0], $0xffff;
	s19 =	sadd.s32 $0x80, s19;
	p1 =	slt.u32 s22, $0xFD0  }
.Ltmp50:
0x4c9: {  	s24 =	sand.u32 $0x70, s22;
	v11 =	vor.u32 $0x80, v12;
	(pc) =	sbr.rel @p1 .LBB2_57-.Ltmp50, $4  }
0x4ca: {  	s23 =	sadd.s32 $0x24, s23  }
0x4cb: {  	v12 =	vadd.s32 s23, v0  }
0x4cc: {  	s23 =	sand.u32 $0x7C00, s19;
	v13 =	vshll.u32 v12, $0x3  }
0x4cd: {  	v12 =	vand.u32 $0x7F, v12;
	s23 =	sor.u32 s21, s23;
	s21 =	smov.u32 s20;
	s20 =	smov.u32 s24;
	v13 =	vand.u32 $0x1FC00, v13  }
0x4ce: {  	v12 =	vor.u32 v13, v12  }
0x4cf: {  	v12 =	vor.u32 $0x80, v12;
	_ =	sdelay $0x3  }
0x4d0: {  	v11 =	vld.idx.msk [tilespmem:v11+s3+$0x0], $0xffff  }
0x4d1: {  	v12 =	vld.idx.msk [tilespmem:v12+s3+$0x0], $0xffff  }
0x4d2: {  	s19 =	sadd.s32 $0x80, s19  }
0x4d3: {  	s24 =	simm.s32 $0x14;
	s22 =	sand.u32 $0x7C00, s19;
	s19 =	sadd.s32 $0x80, s19  }
0x4d4: {  	[tilespmem:s23+$0x10080] =	vst v10;
	v10 =	vadd.s32 s24, v0;
	s21 =	sor.u32 s21, s22;
	s19 =	sand.u32 $0x7C00, s19  }
0x4d5: {  	s19 =	sor.u32 s20, s19;
	[tilespmem:s21+$0x10080] =	vst v11;
	v11 =	vshll.u32 v10, $0x3  }
0x4d6: {  	v10 =	vand.u32 $0x7F, v10;
	v11 =	vand.u32 $0x1FC00, v11;
	[tilespmem:s19+$0x10080] =	vst v12;
	s19 =	simm.s32 $0x0  }
0x4d7: {  	v10 =	vor.u32 v11, v10;
	v12 =	vld.idx.msk [tilespmem:v2+s19+$0x0], $0xffff  }
0x4d8: {  	v10 =	vor.u32 $0x100, v10  }
0x4d9: {  	s25 =	simm.s32 $0x24  }
0x4da: {  	v11 =	vadd.s32 s25, v0  }
0x4db: {  	v13 =	vshll.u32 v11, $0x3  }
0x4dc: {  	v11 =	vand.u32 $0x7F, v11;
	v13 =	vand.u32 $0x1FC00, v13;
	[tilespmem:$0x17CDC] =	vst v12  }
0x4dd: {  	v11 =	vor.u32 v13, v11;
	v10 =	vld.idx.msk [tilespmem:v10+s3+$0x0], $0xffff  }
0x4de: {  	s28 =	simm.s32 $0x34;
	v11 =	vor.u32 $0x100, v11  }
0x4df: {  	s26 =	simm.s32 $0x0;
	s30 =	simm.s32 $0x10;
	v14 =	vadd.s32 s28, v0  }
0x4e0: {  	s29 =	sand.u32 $0x70, s26;
	s22 =	simm.s32 $0x20;
	v13 =	vshll.u32 v14, $0x3;
	s31 =	sand.u32 $0x7C00, s19  }
0x4e1: {  	s20 =	sand.u32 $0x70, s22;
	s21 =	sand.u32 $0x70, s30;
	v13 =	vand.u32 $0x1FC00, v13;
	s23 =	sor.u32 s29, s31;
	v12 =	vand.u32 $0x7F, v14  }
.LBB2_59:
0x4e2: {  	[tilespmem:s23+$0x10100] =	vst v10;
	s23 =	smov.u32 s22;
	s22 =	sadd.s32 $0x10, s22  }
0x4e3: {  	v12 =	vor.u32 v13, v12;
	v10 =	vld.idx.msk [tilespmem:v11+s3+$0x0], $0xffff;
	s19 =	sadd.s32 $0x80, s19;
	p1 =	slt.u32 s22, $0xFD0  }
.Ltmp51:
0x4e4: {  	s24 =	sand.u32 $0x70, s22;
	v11 =	vor.u32 $0x100, v12;
	(pc) =	sbr.rel @p1 .LBB2_59-.Ltmp51, $4  }
0x4e5: {  	s23 =	sadd.s32 $0x24, s23  }
0x4e6: {  	v12 =	vadd.s32 s23, v0  }
0x4e7: {  	s23 =	sand.u32 $0x7C00, s19;
	v13 =	vshll.u32 v12, $0x3  }
0x4e8: {  	v12 =	vand.u32 $0x7F, v12;
	s23 =	sor.u32 s21, s23;
	s21 =	smov.u32 s20;
	s20 =	smov.u32 s24;
	v13 =	vand.u32 $0x1FC00, v13  }
0x4e9: {  	v12 =	vor.u32 v13, v12  }
0x4ea: {  	v12 =	vor.u32 $0x100, v12;
	_ =	sdelay $0x3  }
0x4eb: {  	v11 =	vld.idx.msk [tilespmem:v11+s3+$0x0], $0xffff  }
0x4ec: {  	v12 =	vld.idx.msk [tilespmem:v12+s3+$0x0], $0xffff  }
0x4ed: {  	s19 =	sadd.s32 $0x80, s19  }
0x4ee: {  	s24 =	simm.s32 $0x14;
	s22 =	sand.u32 $0x7C00, s19;
	s19 =	sadd.s32 $0x80, s19  }
0x4ef: {  	[tilespmem:s23+$0x10100] =	vst v10;
	v10 =	vadd.s32 s24, v0;
	s21 =	sor.u32 s21, s22;
	s19 =	sand.u32 $0x7C00, s19  }
0x4f0: {  	s19 =	sor.u32 s20, s19;
	[tilespmem:s21+$0x10100] =	vst v11;
	v11 =	vshll.u32 v10, $0x3  }
0x4f1: {  	v10 =	vand.u32 $0x7F, v10;
	v11 =	vand.u32 $0x1FC00, v11;
	[tilespmem:s19+$0x10100] =	vst v12;
	s19 =	simm.s32 $0x0  }
0x4f2: {  	v10 =	vor.u32 v11, v10;
	v12 =	vld.idx.msk [tilespmem:v3+s19+$0x0], $0xffff  }
0x4f3: {  	v10 =	vor.u32 $0x180, v10  }
0x4f4: {  	s25 =	simm.s32 $0x24  }
0x4f5: {  	v11 =	vadd.s32 s25, v0  }
0x4f6: {  	v13 =	vshll.u32 v11, $0x3  }
0x4f7: {  	v11 =	vand.u32 $0x7F, v11;
	v13 =	vand.u32 $0x1FC00, v13;
	[tilespmem:$0x17D5C] =	vst v12  }
0x4f8: {  	v11 =	vor.u32 v13, v11;
	v10 =	vld.idx.msk [tilespmem:v10+s3+$0x0], $0xffff  }
0x4f9: {  	s28 =	simm.s32 $0x34;
	v11 =	vor.u32 $0x180, v11  }
0x4fa: {  	s26 =	simm.s32 $0x0;
	s30 =	simm.s32 $0x10;
	v14 =	vadd.s32 s28, v0  }
0x4fb: {  	s29 =	sand.u32 $0x70, s26;
	s22 =	simm.s32 $0x20;
	v13 =	vshll.u32 v14, $0x3;
	s31 =	sand.u32 $0x7C00, s19  }
0x4fc: {  	s20 =	sand.u32 $0x70, s22;
	s21 =	sand.u32 $0x70, s30;
	v13 =	vand.u32 $0x1FC00, v13;
	s23 =	sor.u32 s29, s31;
	v12 =	vand.u32 $0x7F, v14  }
.LBB2_61:
0x4fd: {  	[tilespmem:s23+$0x10180] =	vst v10;
	s23 =	smov.u32 s22;
	s22 =	sadd.s32 $0x10, s22  }
0x4fe: {  	v12 =	vor.u32 v13, v12;
	v10 =	vld.idx.msk [tilespmem:v11+s3+$0x0], $0xffff;
	s19 =	sadd.s32 $0x80, s19;
	p1 =	slt.u32 s22, $0xFD0  }
.Ltmp52:
0x4ff: {  	s24 =	sand.u32 $0x70, s22;
	v11 =	vor.u32 $0x180, v12;
	(pc) =	sbr.rel @p1 .LBB2_61-.Ltmp52, $4  }
0x500: {  	s23 =	sadd.s32 $0x24, s23  }
0x501: {  	v12 =	vadd.s32 s23, v0  }
0x502: {  	s23 =	sand.u32 $0x7C00, s19;
	v13 =	vshll.u32 v12, $0x3  }
0x503: {  	v12 =	vand.u32 $0x7F, v12;
	s23 =	sor.u32 s21, s23;
	s21 =	smov.u32 s20;
	s20 =	smov.u32 s24;
	v13 =	vand.u32 $0x1FC00, v13  }
0x504: {  	v12 =	vor.u32 v13, v12  }
0x505: {  	v12 =	vor.u32 $0x180, v12;
	_ =	sdelay $0x3  }
0x506: {  	v11 =	vld.idx.msk [tilespmem:v11+s3+$0x0], $0xffff  }
0x507: {  	v12 =	vld.idx.msk [tilespmem:v12+s3+$0x0], $0xffff  }
0x508: {  	s19 =	sadd.s32 $0x80, s19  }
0x509: {  	s24 =	simm.s32 $0x14;
	s22 =	sand.u32 $0x7C00, s19;
	s19 =	sadd.s32 $0x80, s19  }
0x50a: {  	[tilespmem:s23+$0x10180] =	vst v10;
	v10 =	vadd.s32 s24, v0;
	s21 =	sor.u32 s21, s22;
	s19 =	sand.u32 $0x7C00, s19  }
0x50b: {  	s19 =	sor.u32 s20, s19;
	[tilespmem:s21+$0x10180] =	vst v11;
	v11 =	vshll.u32 v10, $0x3  }
0x50c: {  	v10 =	vand.u32 $0x7F, v10;
	v11 =	vand.u32 $0x1FC00, v11;
	[tilespmem:s19+$0x10180] =	vst v12;
	s19 =	simm.s32 $0x0  }
0x50d: {  	v10 =	vor.u32 v11, v10;
	v12 =	vld.idx.msk [tilespmem:v4+s19+$0x0], $0xffff  }
0x50e: {  	v10 =	vor.u32 $0x200, v10  }
0x50f: {  	s25 =	simm.s32 $0x24  }
0x510: {  	v11 =	vadd.s32 s25, v0  }
0x511: {  	v13 =	vshll.u32 v11, $0x3  }
0x512: {  	v11 =	vand.u32 $0x7F, v11;
	v13 =	vand.u32 $0x1FC00, v13;
	[tilespmem:$0x17DDC] =	vst v12  }
0x513: {  	v11 =	vor.u32 v13, v11;
	v10 =	vld.idx.msk [tilespmem:v10+s3+$0x0], $0xffff  }
0x514: {  	s28 =	simm.s32 $0x34;
	v11 =	vor.u32 $0x200, v11  }
0x515: {  	s26 =	simm.s32 $0x0;
	s30 =	simm.s32 $0x10;
	v14 =	vadd.s32 s28, v0  }
0x516: {  	s29 =	sand.u32 $0x70, s26;
	s22 =	simm.s32 $0x20;
	v13 =	vshll.u32 v14, $0x3;
	s31 =	sand.u32 $0x7C00, s19  }
0x517: {  	s20 =	sand.u32 $0x70, s22;
	s21 =	sand.u32 $0x70, s30;
	v13 =	vand.u32 $0x1FC00, v13;
	s23 =	sor.u32 s29, s31;
	v12 =	vand.u32 $0x7F, v14  }
.LBB2_63:
0x518: {  	[tilespmem:s23+$0x10200] =	vst v10;
	s23 =	smov.u32 s22;
	s22 =	sadd.s32 $0x10, s22  }
0x519: {  	v12 =	vor.u32 v13, v12;
	v10 =	vld.idx.msk [tilespmem:v11+s3+$0x0], $0xffff;
	s19 =	sadd.s32 $0x80, s19;
	p1 =	slt.u32 s22, $0xFD0  }
.Ltmp53:
0x51a: {  	s24 =	sand.u32 $0x70, s22;
	v11 =	vor.u32 $0x200, v12;
	(pc) =	sbr.rel @p1 .LBB2_63-.Ltmp53, $4  }
0x51b: {  	s23 =	sadd.s32 $0x24, s23  }
0x51c: {  	v12 =	vadd.s32 s23, v0  }
0x51d: {  	s23 =	sand.u32 $0x7C00, s19;
	v13 =	vshll.u32 v12, $0x3  }
0x51e: {  	v12 =	vand.u32 $0x7F, v12;
	s23 =	sor.u32 s21, s23;
	s21 =	smov.u32 s20;
	s20 =	smov.u32 s24;
	v13 =	vand.u32 $0x1FC00, v13  }
0x51f: {  	v12 =	vor.u32 v13, v12  }
0x520: {  	v12 =	vor.u32 $0x200, v12;
	_ =	sdelay $0x3  }
0x521: {  	v11 =	vld.idx.msk [tilespmem:v11+s3+$0x0], $0xffff  }
0x522: {  	v12 =	vld.idx.msk [tilespmem:v12+s3+$0x0], $0xffff  }
0x523: {  	s19 =	sadd.s32 $0x80, s19  }
0x524: {  	s24 =	simm.s32 $0x14;
	s22 =	sand.u32 $0x7C00, s19;
	s19 =	sadd.s32 $0x80, s19  }
0x525: {  	[tilespmem:s23+$0x10200] =	vst v10;
	v10 =	vadd.s32 s24, v0;
	s21 =	sor.u32 s21, s22;
	s19 =	sand.u32 $0x7C00, s19  }
0x526: {  	s19 =	sor.u32 s20, s19;
	[tilespmem:s21+$0x10200] =	vst v11;
	v11 =	vshll.u32 v10, $0x3  }
0x527: {  	v10 =	vand.u32 $0x7F, v10;
	v11 =	vand.u32 $0x1FC00, v11;
	[tilespmem:s19+$0x10200] =	vst v12;
	s19 =	simm.s32 $0x0  }
0x528: {  	v10 =	vor.u32 v11, v10;
	v12 =	vld.idx.msk [tilespmem:v5+s19+$0x0], $0xffff  }
0x529: {  	v10 =	vor.u32 $0x280, v10  }
0x52a: {  	s25 =	simm.s32 $0x24  }
0x52b: {  	v11 =	vadd.s32 s25, v0  }
0x52c: {  	v13 =	vshll.u32 v11, $0x3  }
0x52d: {  	v11 =	vand.u32 $0x7F, v11;
	v13 =	vand.u32 $0x1FC00, v13;
	[tilespmem:$0x17E5C] =	vst v12  }
0x52e: {  	v11 =	vor.u32 v13, v11;
	v10 =	vld.idx.msk [tilespmem:v10+s3+$0x0], $0xffff  }
0x52f: {  	s28 =	simm.s32 $0x34;
	v11 =	vor.u32 $0x280, v11  }
0x530: {  	s26 =	simm.s32 $0x0;
	s30 =	simm.s32 $0x10;
	v14 =	vadd.s32 s28, v0  }
0x531: {  	s29 =	sand.u32 $0x70, s26;
	s22 =	simm.s32 $0x20;
	v13 =	vshll.u32 v14, $0x3;
	s31 =	sand.u32 $0x7C00, s19  }
0x532: {  	s20 =	sand.u32 $0x70, s22;
	s21 =	sand.u32 $0x70, s30;
	v13 =	vand.u32 $0x1FC00, v13;
	s23 =	sor.u32 s29, s31;
	v12 =	vand.u32 $0x7F, v14  }
.LBB2_65:
0x533: {  	[tilespmem:s23+$0x10280] =	vst v10;
	s23 =	smov.u32 s22;
	s22 =	sadd.s32 $0x10, s22  }
0x534: {  	v12 =	vor.u32 v13, v12;
	v10 =	vld.idx.msk [tilespmem:v11+s3+$0x0], $0xffff;
	s19 =	sadd.s32 $0x80, s19;
	p1 =	slt.u32 s22, $0xFD0  }
.Ltmp54:
0x535: {  	s24 =	sand.u32 $0x70, s22;
	v11 =	vor.u32 $0x280, v12;
	(pc) =	sbr.rel @p1 .LBB2_65-.Ltmp54, $4  }
0x536: {  	s23 =	sadd.s32 $0x24, s23  }
0x537: {  	v12 =	vadd.s32 s23, v0  }
0x538: {  	s23 =	sand.u32 $0x7C00, s19;
	v13 =	vshll.u32 v12, $0x3  }
0x539: {  	v12 =	vand.u32 $0x7F, v12;
	s23 =	sor.u32 s21, s23;
	s21 =	smov.u32 s20;
	s20 =	smov.u32 s24;
	v13 =	vand.u32 $0x1FC00, v13  }
0x53a: {  	v12 =	vor.u32 v13, v12  }
0x53b: {  	v12 =	vor.u32 $0x280, v12;
	_ =	sdelay $0x3  }
0x53c: {  	v11 =	vld.idx.msk [tilespmem:v11+s3+$0x0], $0xffff  }
0x53d: {  	v12 =	vld.idx.msk [tilespmem:v12+s3+$0x0], $0xffff  }
0x53e: {  	s19 =	sadd.s32 $0x80, s19  }
0x53f: {  	s24 =	simm.s32 $0x14;
	s22 =	sand.u32 $0x7C00, s19;
	s19 =	sadd.s32 $0x80, s19  }
0x540: {  	[tilespmem:s23+$0x10280] =	vst v10;
	v10 =	vadd.s32 s24, v0;
	s21 =	sor.u32 s21, s22;
	s19 =	sand.u32 $0x7C00, s19  }
0x541: {  	s19 =	sor.u32 s20, s19;
	[tilespmem:s21+$0x10280] =	vst v11;
	v11 =	vshll.u32 v10, $0x3  }
0x542: {  	v10 =	vand.u32 $0x7F, v10;
	v11 =	vand.u32 $0x1FC00, v11;
	[tilespmem:s19+$0x10280] =	vst v12;
	s19 =	simm.s32 $0x0  }
0x543: {  	v10 =	vor.u32 v11, v10;
	v12 =	vld.idx.msk [tilespmem:v6+s19+$0x0], $0xffff  }
0x544: {  	v10 =	vor.u32 $0x300, v10  }
0x545: {  	s25 =	simm.s32 $0x24  }
0x546: {  	v11 =	vadd.s32 s25, v0  }
0x547: {  	v13 =	vshll.u32 v11, $0x3  }
0x548: {  	v11 =	vand.u32 $0x7F, v11;
	v13 =	vand.u32 $0x1FC00, v13;
	[tilespmem:$0x17EDC] =	vst v12  }
0x549: {  	v11 =	vor.u32 v13, v11;
	v10 =	vld.idx.msk [tilespmem:v10+s3+$0x0], $0xffff  }
0x54a: {  	s28 =	simm.s32 $0x34;
	v11 =	vor.u32 $0x300, v11  }
0x54b: {  	s26 =	simm.s32 $0x0;
	s30 =	simm.s32 $0x10;
	v14 =	vadd.s32 s28, v0  }
0x54c: {  	s29 =	sand.u32 $0x70, s26;
	s22 =	simm.s32 $0x20;
	v13 =	vshll.u32 v14, $0x3;
	s31 =	sand.u32 $0x7C00, s19  }
0x54d: {  	s20 =	sand.u32 $0x70, s22;
	s21 =	sand.u32 $0x70, s30;
	v13 =	vand.u32 $0x1FC00, v13;
	s23 =	sor.u32 s29, s31;
	v12 =	vand.u32 $0x7F, v14  }
.LBB2_67:
0x54e: {  	[tilespmem:s23+$0x10300] =	vst v10;
	s23 =	smov.u32 s22;
	s22 =	sadd.s32 $0x10, s22  }
0x54f: {  	v12 =	vor.u32 v13, v12;
	v10 =	vld.idx.msk [tilespmem:v11+s3+$0x0], $0xffff;
	s19 =	sadd.s32 $0x80, s19;
	p1 =	slt.u32 s22, $0xFD0  }
.Ltmp55:
0x550: {  	s24 =	sand.u32 $0x70, s22;
	v11 =	vor.u32 $0x300, v12;
	(pc) =	sbr.rel @p1 .LBB2_67-.Ltmp55, $4  }
0x551: {  	s23 =	sadd.s32 $0x24, s23  }
0x552: {  	v12 =	vadd.s32 s23, v0  }
0x553: {  	s23 =	sand.u32 $0x7C00, s19;
	v13 =	vshll.u32 v12, $0x3  }
0x554: {  	v12 =	vand.u32 $0x7F, v12;
	s23 =	sor.u32 s21, s23;
	s21 =	smov.u32 s20;
	s20 =	smov.u32 s24;
	v13 =	vand.u32 $0x1FC00, v13  }
0x555: {  	v12 =	vor.u32 v13, v12  }
0x556: {  	v12 =	vor.u32 $0x300, v12;
	_ =	sdelay $0x3  }
0x557: {  	v11 =	vld.idx.msk [tilespmem:v11+s3+$0x0], $0xffff  }
0x558: {  	v12 =	vld.idx.msk [tilespmem:v12+s3+$0x0], $0xffff  }
0x559: {  	s19 =	sadd.s32 $0x80, s19  }
0x55a: {  	s24 =	simm.s32 $0x14;
	s22 =	sand.u32 $0x7C00, s19;
	s19 =	sadd.s32 $0x80, s19  }
0x55b: {  	[tilespmem:s23+$0x10300] =	vst v10;
	v10 =	vadd.s32 s24, v0;
	s21 =	sor.u32 s21, s22;
	s19 =	sand.u32 $0x7C00, s19  }
0x55c: {  	s19 =	sor.u32 s20, s19;
	[tilespmem:s21+$0x10300] =	vst v11;
	v11 =	vshll.u32 v10, $0x3  }
0x55d: {  	v10 =	vand.u32 $0x7F, v10;
	v11 =	vand.u32 $0x1FC00, v11;
	[tilespmem:s19+$0x10300] =	vst v12;
	s19 =	simm.s32 $0x0  }
0x55e: {  	v10 =	vor.u32 v11, v10;
	v12 =	vld.idx.msk [tilespmem:v7+s19+$0x0], $0xffff  }
0x55f: {  	v10 =	vor.u32 $0x380, v10  }
0x560: {  	s28 =	simm.s32 $0x24  }
0x561: {  	v11 =	vadd.s32 s28, v0  }
0x562: {  	v13 =	vshll.u32 v11, $0x3  }
0x563: {  	v11 =	vand.u32 $0x7F, v11;
	v13 =	vand.u32 $0x1FC00, v13;
	[tilespmem:$0x17F5C] =	vst v12  }
0x564: {  	v11 =	vor.u32 v13, v11;
	v10 =	vld.idx.msk [tilespmem:v10+s3+$0x0], $0xffff  }
0x565: {  	s29 =	simm.s32 $0x34;
	v11 =	vor.u32 $0x380, v11;
	s30 =	sand.u32 $0x7, s19  }
0x566: {  	v14 =	vadd.s32 s29, v0;
	s31 =	sshll.u32 s30, $0x4  }
0x567: {  	v13 =	vshll.u32 v14, $0x3;
	s21 =	sadd.s32 $0x0, s31  }
0x568: {  	s20 =	simm.s32 $0x20;
	v13 =	vand.u32 $0x1FC00, v13;
	s22 =	sor.u32 $0x380, s21;
	s21 =	simm.s32 $0x0;
	v12 =	vand.u32 $0x7F, v14  }
.LBB2_69:
0x569: {  	[tilespmem:s22+$0x10000] =	vst v10;
	s22 =	smov.u32 s20;
	s20 =	sadd.s32 $0x10, s20  }
0x56a: {  	v12 =	vor.u32 v13, v12;
	v10 =	vld.idx.msk [tilespmem:v11+s3+$0x0], $0xffff;
	s19 =	sadd.s32 $0x80, s19;
	s21 =	sadd.s32 $0x1, s21;
	p1 =	slt.u32 s20, $0xFD0  }
.Ltmp56:
0x56b: {  	v11 =	vor.u32 $0x380, v12;
	(pc) =	sbr.rel @p1 .LBB2_69-.Ltmp56, $4  }
0x56c: {  	s22 =	sadd.s32 $0x24, s22;
	s23 =	sand.u32 $0x7, s21  }
0x56d: {  	v12 =	vadd.s32 s22, v0;
	s22 =	sshll.u32 s23, $0x4  }
0x56e: {  	v13 =	vshll.u32 v12, $0x3;
	s22 =	sadd.s32 s22, s19  }
0x56f: {  	v12 =	vand.u32 $0x7F, v12;
	v13 =	vand.u32 $0x1FC00, v13;
	s22 =	sor.u32 $0x380, s22  }
0x570: {  	v12 =	vor.u32 v13, v12  }
0x571: {  	v12 =	vor.u32 $0x380, v12;
	_ =	sdelay $0x3  }
0x572: {  	v11 =	vld.idx.msk [tilespmem:v11+s3+$0x0], $0xffff;
	s20 =	sadd.s32 $0x1, s21  }
0x573: {  	s21 =	sand.u32 $0x7, s20;
	s20 =	sadd.s32 $0x1, s20;
	v12 =	vld.idx.msk [tilespmem:v12+s3+$0x0], $0xffff  }
0x574: {  	s19 =	sadd.s32 $0x80, s19;
	s21 =	sshll.u32 s21, $0x4;
	s20 =	sand.u32 $0x7, s20  }
0x575: {  	s21 =	sadd.s32 s21, s19;
	s19 =	sadd.s32 $0x80, s19;
	s20 =	sshll.u32 s20, $0x4  }
0x576: {  	[tilespmem:s22+$0x10000] =	vst v10;
	s21 =	sor.u32 $0x380, s21;
	s19 =	sadd.s32 s20, s19  }
0x577: {  	[tilespmem:s21+$0x10000] =	vst v11;
	s19 =	sor.u32 $0x380, s19  }
0x578: {  	[tilespmem:s19+$0x10000] =	vst v12  }
0x579: {  	v10 =	vld.idx.msk [tilespmem:v8+s3+$0x0], $0xffff;
	_ =	sdelay $0x4  }
.Ltmp57:
0x57a: {  	[tilespmem:$0x17FDC] =	vst v10;
	(pc) =	sbr.rel .LBB2_110-.Ltmp57, $4  }
0x57b: {  	[hbm4b:s11+s3] =	stream.linear.scatter [tilespmem:s17], [sflag:$0x1], $0x8000, $0x38;
	v63 =	vld [tilespmem:$0x0]  }
0x57c: {  	_ =	swait.ge [sflag:s16], $0x8000  }
0x57d: {  	[sflag:s16] =	ssyncset.done $0x0  }
0x57e: {  	[sflag:s16] =	ssyncadd.s32 $0xFFFF8000  }
.LBB2_111:
0x57f: {  	_ =	sfence.sel $0x180000  }
0x580: {  	[bflag:$0x0] =	sbarrier.arrive $0xFFFF  }
0x581: {  	p0 =	sne.s32 s1, $0x0;
	_ =	strace $0x90000047  }
0x582: {  	s0 =	sadd.s32 @!p0 $0x100000, s0;
	[bflag:$0x2] =	sbarrier.arrive $0xFFFF  }
0x583: {  	[sflag:s0] =	ssyncadd.tile.s32 @!p0 $0x1;
	_ =	shalt  }
.Lfunc_end2:
_tile_overlayer_lowered:
.L_overlay_start_2:
0x584: {  	(tag) =	ssettag $0x2  }
0x585: {  	s0 =	rddreg [dreg:$0x0];
	s2 =	stileid.u32  }
0x586: {  	s1 =	rddreg [dreg:$0x1];
	p0 =	sne.s32 s2, $0x0  }
0x587: {  	s3 =	rddreg [dreg:$0x2];
	[bflag:$0x3] =	sbarrier.arrive $0xFFFF;
	s2 =	simm.s32 @!p0 $0x1C01  }
0x588: {  	[timem:s3], [sflag:s2] =	dma.local @!p0 [hbm:s0], s1  }
0x589: {  	s0 =	simm.s32 @!p0 $0x1  }
0x58a: {  	_ =	swait.ge @!p0 [sflag:s0], s1  }
0x58b: {  	s1 =	ssub.s32 @!p0 $0x0, s1;
	[sflag:s0] =	ssyncset.done @!p0 $0x0  }
0x58c: {  	[sflag:s0] =	ssyncadd.s32 @!p0 s1  }
0x58d: {  	[bflag:$0x3] =	sbarrier.arrive $0xFFFF  }
0x58e: {  	_ =	shalt  }

</sc_bundles>
